<compile_context>
chip_gen: v7x
topology: tpu7x:2x2x1
jax: 0.10.2.dev20260603
libtpu: 0.0.44.dev20260713+nightly
codegen_flags: <defaults>
</compile_context>

<pallas_src>
import functools

import jax
import jax.numpy as jnp
from jax import lax
from jax.experimental import pallas as pl
from jax.experimental.pallas import tpu as pltpu
from jax.experimental.pallas import tpu_sc as plsc

N_NODES = 10000
N_EDGES = 320000
D = 128
NPAD = 10240
NCORES = 2
NSUB = 16
NW = NCORES * NSUB
K = 128
CHUNKS = 80
M_PER_TILE = K * CHUNKS
EPAD = NW * M_PER_TILE
RPT = NPAD // NSUB
HALF_CHUNKS = CHUNKS // 2
HALF_M = K * HALF_CHUNKS

_mesh = plsc.VectorSubcoreMesh(core_axis_name="c", subcore_axis_name="s")



@functools.partial(
    pl.kernel,
    mesh=_mesh,
    out_type=jax.ShapeDtypeStruct((NCORES * NPAD, D), jnp.float32),
    scratch_types=[
        pltpu.VMEM((M_PER_TILE,), jnp.int32),
        pltpu.VMEM((K, D), jnp.float32),
        pltpu.VMEM_SHARED((NPAD, D), jnp.float32),
    ],
)
def _deg_kernel(dst_hbm, ones_hbm, zeros_hbm, out_hbm, didx, ones_v, deg_sp):
    cid = lax.axis_index("c")
    sid = lax.axis_index("s")
    w = cid * NSUB + sid
    pltpu.sync_copy(ones_hbm, ones_v)
    pltpu.sync_copy(dst_hbm.at[pl.ds(w * M_PER_TILE, M_PER_TILE)], didx)
    pltpu.sync_copy(
        zeros_hbm.at[pl.ds(sid * RPT, RPT)],
        deg_sp.at[pl.ds(sid * RPT, RPT)],
    )
    plsc.subcore_barrier()

    def chunk(i, carry):
        pltpu.sync_copy(ones_v, deg_sp.at[didx.at[pl.ds(i * K, K)]], add=True)
        return carry

    lax.fori_loop(0, CHUNKS, chunk, 0)
    plsc.subcore_barrier()
    pltpu.sync_copy(
        deg_sp.at[pl.ds(sid * RPT, RPT)],
        out_hbm.at[pl.ds(cid * NPAD + sid * RPT, RPT)],
    )


_UNROLL = 8
_BLOCKS = CHUNKS // _UNROLL
BLK0 = 18
BLK1 = 2 * _BLOCKS - BLK0

_agg_scratch = (
    [pltpu.VMEM((K,), jnp.int32) for _ in range(2 * _UNROLL)]
    + [pltpu.VMEM((K, D), jnp.float32)]
    + [pltpu.VMEM_SHARED((NPAD, D), jnp.float32)]
    + [pltpu.SemaphoreType.DMA for _ in range(_UNROLL + 1)]
)


@functools.partial(
    pl.kernel,
    mesh=_mesh,
    out_type=jax.ShapeDtypeStruct((NCORES * NPAD, D), jnp.float32),
    scratch_types=_agg_scratch,
)
def _agg_kernel(u_hbm, src_hbm, dst_hbm, zeros_hbm, out_hbm, *scratch):
    sbuf = scratch[:_UNROLL]
    dbuf = scratch[_UNROLL:2 * _UNROLL]
    rows = scratch[2 * _UNROLL]
    agg_sp = scratch[2 * _UNROLL + 1]
    isem = scratch[2 * _UNROLL + 2:2 * _UNROLL + 2 + _UNROLL]
    gsem = scratch[2 * _UNROLL + 2 + _UNROLL]

    cid = lax.axis_index("c")
    sid = lax.axis_index("s")
    base = jnp.where(cid == 0, sid * (BLK0 * _UNROLL * K),
                     NSUB * (BLK0 * _UNROLL * K) + sid * (BLK1 * _UNROLL * K))
    nblocks = jnp.where(cid == 0, BLK0, BLK1)

    pltpu.sync_copy(
        zeros_hbm.at[pl.ds(sid * RPT, RPT)],
        agg_sp.at[pl.ds(sid * RPT, RPT)],
    )
    plsc.subcore_barrier()

    def block(blk, carry):
        bb = base + blk * (_UNROLL * K)
        iobj = []
        for k in range(_UNROLL):
            o1 = pltpu.async_copy(src_hbm.at[pl.ds(bb + k * K, K)], sbuf[k], isem[k])
            o2 = pltpu.async_copy(dst_hbm.at[pl.ds(bb + k * K, K)], dbuf[k], isem[k])
            iobj.append((o1, o2))
        for k in range(_UNROLL):
            iobj[k][0].wait()
            iobj[k][1].wait()
            pltpu.async_copy(u_hbm.at[sbuf[k]], rows, gsem).wait()
            pltpu.sync_copy(rows, agg_sp.at[dbuf[k]], add=True)
        return carry

    lax.fori_loop(0, nblocks, block, 0)
    plsc.subcore_barrier()
    pltpu.sync_copy(
        agg_sp.at[pl.ds(sid * RPT, RPT)],
        out_hbm.at[pl.ds(cid * NPAD + sid * RPT, RPT)],
    )



_B = 1024


def _dinv_from_parts(degp):
    deg = degp[0, :, 0] + degp[1, :, 0] + 1.0
    return lax.rsqrt(deg)


def _tc1_body(x_ref, w_ref, degp_ref, u_ref):
    dinv = _dinv_from_parts(degp_ref[...])
    h = jnp.dot(x_ref[...], w_ref[...], preferred_element_type=jnp.float32)
    u_ref[...] = h * dinv[:, None]


def _tc2_body(agg_ref, u_ref, degp_ref, b_ref, w_ref, u2_ref):
    i = pl.program_id(0)
    dinv = _dinv_from_parts(degp_ref[...])
    s = agg_ref[0] + agg_ref[1] + u_ref[...]
    o1 = jnp.maximum(s * dinv[:, None] + b_ref[...], 0.0)
    u2 = jnp.dot(o1, w_ref[...], preferred_element_type=jnp.float32)
    u2 = u2 * dinv[:, None]
    rows = i * _B + lax.broadcasted_iota(jnp.int32, (_B, D), 0)
    u2_ref[...] = jnp.where(rows < N_NODES, u2, 0.0)


def _tc3_body(agg_ref, u_ref, degp_ref, b_ref, out_ref):
    dinv = _dinv_from_parts(degp_ref[...])
    s = agg_ref[0] + agg_ref[1] + u_ref[...]
    out_ref[...] = jnp.maximum(s * dinv[:, None] + b_ref[...], 0.0)


_row_spec = pl.BlockSpec((_B, D), lambda i: (i, 0))
_degp_spec = pl.BlockSpec((2, _B, D), lambda i: (0, i, 0))
_agg_spec = pl.BlockSpec((2, _B, D), lambda i: (0, i, 0))
_w_spec = pl.BlockSpec((D, D), lambda i: (0, 0))
_b_spec = pl.BlockSpec((1, D), lambda i: (0, 0))
_f32 = jnp.float32


def _tc1(xp, w1p, degp):
    return pl.pallas_call(
        _tc1_body,
        grid=(NPAD // _B,),
        in_specs=[_row_spec, _w_spec, _degp_spec],
        out_specs=_row_spec,
        out_shape=jax.ShapeDtypeStruct((NPAD, D), _f32),
    )(xp, w1p, degp)


def _tc2(agg, u1, degp, b1p, w2p):
    return pl.pallas_call(
        _tc2_body,
        grid=(NPAD // _B,),
        in_specs=[_agg_spec, _row_spec, _degp_spec, _b_spec, _w_spec],
        out_specs=_row_spec,
        out_shape=jax.ShapeDtypeStruct((NPAD, D), _f32),
    )(agg, u1, degp, b1p, w2p)


def _tc3(agg, u2, degp, b2p):
    return pl.pallas_call(
        _tc3_body,
        grid=(NPAD // _B,),
        in_specs=[_agg_spec, _row_spec, _degp_spec, _b_spec],
        out_specs=_row_spec,
        out_shape=jax.ShapeDtypeStruct((NPAD, D), _f32),
    )(agg, u2, degp, b2p)



def kernel(x, edge_index, W1, b1, W2, b2):
    ei = edge_index.astype(jnp.int32)
    npad_e = EPAD - N_EDGES
    fill = jnp.full((npad_e,), N_NODES, jnp.int32)
    src = jnp.concatenate([ei[0], fill])
    dst = jnp.concatenate([ei[1], fill])

    xp = jnp.zeros((NPAD, D), _f32).at[:N_NODES].set(x)
    w1p = jnp.zeros((D, D), _f32).at[:, :126].set(W1)
    b1p = jnp.zeros((1, D), _f32).at[0, :126].set(b1)
    w2p = jnp.zeros((D, D), _f32).at[:126, :126].set(W2)
    b2p = jnp.zeros((1, D), _f32).at[0, :126].set(b2)

    onesD = jnp.ones((K, D), _f32)
    zerosD = jnp.zeros((NPAD, D), _f32)

    degp = _deg_kernel(dst, onesD, zerosD).reshape(NCORES, NPAD, D)
    u1 = _tc1(xp, w1p, degp)
    agg1 = _agg_kernel(u1, src, dst, zerosD).reshape(NCORES, NPAD, D)
    u2 = _tc2(agg1, u1, degp, b1p, w2p)
    agg2 = _agg_kernel(u2, src, dst, zerosD).reshape(NCORES, NPAD, D)
    out = _tc3(agg2, u2, degp, b2p)
    return out[:N_NODES, :126]

# --- scband reference (transcript-rebuilt; emitter-appended) ---
"""Pipeline reference for scband-vanilla-gnn-8160437862403 (READ-ONLY COPY).

The authoritative reference and input builder live on the scoring server;
editing this copy changes nothing except your own understanding.
"""

import jax, jax.numpy as jnp
import numpy as np

N_NODES = 10000
N_EDGES = 320000
IN_DIM = 128   # hidden_dim + 2
HID = 126      # hidden_dim


def _gcn_conv(x, edge_index, W, b, num_nodes):
    # Faithful GCNConv: add self-loops, symmetric normalization, linear transform,
    # scatter-add aggregation, then bias.
    src = edge_index[0]
    dst = edge_index[1]
    loop = jnp.arange(num_nodes, dtype=edge_index.dtype)
    src = jnp.concatenate([src, loop])
    dst = jnp.concatenate([dst, loop])
    deg = jax.ops.segment_sum(jnp.ones_like(dst, dtype=x.dtype), dst, num_segments=num_nodes)
    dinv = jnp.where(deg > 0, deg ** -0.5, 0.0)
    norm = dinv[src] * dinv[dst]
    h = x @ W
    msg = h[src] * norm[:, None]
    out = jax.ops.segment_sum(msg, dst, num_segments=num_nodes)
    return out + b


def setup_inputs(seed: int = 0) -> dict:
    key = jax.random.key(seed)
    k_x, k_e, k_w1, k_b1, k_w2, k_b2 = jax.random.split(key, 6)
    x = jax.random.normal(k_x, (N_NODES, IN_DIM), dtype=jnp.float32)
    edge_index = jax.random.randint(k_e, (2, N_EDGES), 0, N_NODES, dtype=jnp.int64)
    s1 = 1.0 / np.sqrt(IN_DIM)
    s2 = 1.0 / np.sqrt(HID)
    W1 = jax.random.uniform(k_w1, (IN_DIM, HID), minval=-s1, maxval=s1, dtype=jnp.float32)
    b1 = jax.random.uniform(k_b1, (HID,), minval=-s1, maxval=s1, dtype=jnp.float32)
    W2 = jax.random.uniform(k_w2, (HID, HID), minval=-s2, maxval=s2, dtype=jnp.float32)
    b2 = jax.random.uniform(k_b2, (HID,), minval=-s2, maxval=s2, dtype=jnp.float32)
    return {"x": x, "edge_index": edge_index, "W1": W1, "b1": b1, "W2": W2, "b2": b2}


def reference(x, edge_index, W1, b1, W2, b2):
    h = _gcn_conv(x, edge_index, W1, b1, N_NODES)
    h = jax.nn.relu(h)
    h = _gcn_conv(h, edge_index, W2, b2, N_NODES)
    h = jax.nn.relu(h)
    return h

if __name__ == "__main__":
    import jax
    _d = setup_inputs()
    print(jax.jit(kernel)(*tuple(_d.values())))

</pallas_src>

<mosaic_0001>
#map = affine_map<(d0, d1) -> (0)>
#map1 = affine_map<(d0, d1) -> (0, 0)>
module attributes {stable_mosaic.version = 14 : i64} {
  func.func @_deg_kernel(%arg0: i32, %arg1: i32, %arg2: memref<327680xi32, #tpu.memory_space<hbm>>, %arg3: memref<128x128xf32, #tpu.memory_space<hbm>>, %arg4: memref<10240x128xf32, #tpu.memory_space<hbm>>, %arg5: memref<20480x128xf32, #tpu.memory_space<hbm>>, %arg6: memref<10240xi32, #tpu.memory_space<vmem>>, %arg7: memref<128x128xf32, #tpu.memory_space<vmem>>, %arg8: memref<10240x128xf32, #tpu.memory_space<vmem_shared>>) attributes {dimension_semantics = [#tpu.dimension_semantics<core_parallel>, #tpu.dimension_semantics<subcore_parallel>], iteration_bounds = array<i64: 2, 16>, scalar_prefetch = 0 : i64, scratch_operands = 3 : i64, tpu.core_type = #tpu.core_type<sc_vector_subcore>, window_params = [{transform_indices = #map}, {transform_indices = #map1}, {transform_indices = #map1}, {transform_indices = #map1}]} {
    %mul3A = arith.constant 16 : i32
    %mul3A_0 = arith.muli %arg0, %mul3A : i32
    %add3A = arith.addi %mul3A_0, %arg1 : i32
    "tpu.region"() ({
      %run_scoped3A = tpu.sem_alloc : memref<!tpu.dma_semaphore, #tpu.memory_space<semaphore_mem>>
      tpu.enqueue_dma source(%arg3 : memref<128x128xf32, #tpu.memory_space<hbm>>) target(%arg7 : memref<128x128xf32, #tpu.memory_space<vmem>>) target_semaphore(%run_scoped3A : memref<!tpu.dma_semaphore, #tpu.memory_space<semaphore_mem>>)
      tpu.wait_dma2 semaphore(%run_scoped3A : memref<!tpu.dma_semaphore, #tpu.memory_space<semaphore_mem>>) src(%arg3 : memref<128x128xf32, #tpu.memory_space<hbm>>) dst(%arg7 : memref<128x128xf32, #tpu.memory_space<vmem>>)
      tpu.yield
    }) : () -> ()
    %mul3A_1 = arith.constant 10240 : i32
    %mul3A_2 = arith.muli %add3A, %mul3A_1 : i32
    "tpu.region"() ({
      %run_scoped3A = tpu.sem_alloc : memref<!tpu.dma_semaphore, #tpu.memory_space<semaphore_mem>>
      %dma_start3A = tpu.memref_slice %arg2[%mul3A_2] : memref<327680xi32, #tpu.memory_space<hbm>> -> memref<10240xi32, #tpu.memory_space<hbm>>
      %dma_start3A_20 = tpu.memref_slice %arg2[%mul3A_2] : memref<327680xi32, #tpu.memory_space<hbm>> -> memref<10240xi32, #tpu.memory_space<hbm>>
      tpu.enqueue_dma source(%dma_start3A_20 : memref<10240xi32, #tpu.memory_space<hbm>>) target(%arg6 : memref<10240xi32, #tpu.memory_space<vmem>>) target_semaphore(%run_scoped3A : memref<!tpu.dma_semaphore, #tpu.memory_space<semaphore_mem>>)
      %dma_wait3A = tpu.memref_slice %arg2[%mul3A_2] : memref<327680xi32, #tpu.memory_space<hbm>> -> memref<10240xi32, #tpu.memory_space<hbm>>
      %dma_wait3A_21 = tpu.memref_slice %arg2[%mul3A_2] : memref<327680xi32, #tpu.memory_space<hbm>> -> memref<10240xi32, #tpu.memory_space<hbm>>
      tpu.wait_dma2 semaphore(%run_scoped3A : memref<!tpu.dma_semaphore, #tpu.memory_space<semaphore_mem>>) src(%dma_wait3A_21 : memref<10240xi32, #tpu.memory_space<hbm>>) dst(%arg6 : memref<10240xi32, #tpu.memory_space<vmem>>)
      tpu.yield
    }) : () -> ()
    %mul3A_3 = arith.constant 640 : i32
    %mul3A_4 = arith.muli %arg1, %mul3A_3 : i32
    %mul3A_5 = arith.constant 640 : i32
    %mul3A_6 = arith.muli %arg1, %mul3A_5 : i32
    "tpu.region"() ({
      %run_scoped3A = tpu.sem_alloc : memref<!tpu.dma_semaphore, #tpu.memory_space<semaphore_mem>>
      %dma_start3A = arith.constant 0 : i32
      %dma_start3A_20 = tpu.memref_slice %arg8[%mul3A_6, %dma_start3A] : memref<10240x128xf32, #tpu.memory_space<vmem_shared>> -> memref<640x128xf32, #tpu.memory_space<vmem_shared>>
      %dma_start3A_21 = arith.constant 0 : i32
      %dma_start3A_22 = tpu.memref_slice %arg4[%mul3A_4, %dma_start3A_21] : memref<10240x128xf32, #tpu.memory_space<hbm>> -> memref<640x128xf32, #tpu.memory_space<hbm>>
      tpu.enqueue_dma source(%dma_start3A_22 : memref<640x128xf32, #tpu.memory_space<hbm>>) target(%dma_start3A_20 : memref<640x128xf32, #tpu.memory_space<vmem_shared>>) target_semaphore(%run_scoped3A : memref<!tpu.dma_semaphore, #tpu.memory_space<semaphore_mem>>)
      %dma_wait3A = arith.constant 0 : i32
      %dma_wait3A_23 = tpu.memref_slice %arg8[%mul3A_6, %dma_wait3A] : memref<10240x128xf32, #tpu.memory_space<vmem_shared>> -> memref<640x128xf32, #tpu.memory_space<vmem_shared>>
      %dma_wait3A_24 = arith.constant 0 : i32
      %dma_wait3A_25 = tpu.memref_slice %arg4[%mul3A_4, %dma_wait3A_24] : memref<10240x128xf32, #tpu.memory_space<hbm>> -> memref<640x128xf32, #tpu.memory_space<hbm>>
      tpu.wait_dma2 semaphore(%run_scoped3A : memref<!tpu.dma_semaphore, #tpu.memory_space<semaphore_mem>>) src(%dma_wait3A_25 : memref<640x128xf32, #tpu.memory_space<hbm>>) dst(%dma_wait3A_23 : memref<640x128xf32, #tpu.memory_space<vmem_shared>>)
      tpu.yield
    }) : () -> ()
    %barrier3A = arith.constant 0 : index
    tpu.barrier barrier_id(%barrier3A)
    %scan3A = arith.constant 0 : i32
    %scan3A_7 = arith.constant 0 : i32
    %scan3A_8 = arith.constant 80 : i32
    %scan3A_9 = arith.addi %scan3A_7, %scan3A_8 : i32
    %scan3A_10 = arith.constant 1 : i32
    scf.for %scan3A_20 = %scan3A_7 to %scan3A_9 step %scan3A_10  : i32 {
      %mul3A_21 = arith.constant 128 : i32
      %mul3A_22 = arith.muli %scan3A_20, %mul3A_21 : i32
      "tpu.region"() ({
        %run_scoped3A = tpu.sem_alloc : memref<!tpu.dma_semaphore, #tpu.memory_space<semaphore_mem>>
        %dma_start3A = tpu.memref_slice %arg6[%mul3A_22] : memref<10240xi32, #tpu.memory_space<vmem>> -> memref<128xi32, #tpu.memory_space<vmem>>
        %dma_start3A_23 = arith.constant 0 : i32
        %dma_start3A_24 = arith.constant 0 : i32
        %dma_start3A_25 = tpu.memref_slice %arg8[%dma_start3A_23, %dma_start3A_24] : memref<10240x128xf32, #tpu.memory_space<vmem_shared>> -> memref<10240x128xf32, #tpu.memory_space<vmem_shared>>
        tpu.enqueue_indirect_dma source(%arg7 : memref<128x128xf32, #tpu.memory_space<vmem>>) target(%dma_start3A_25 : memref<10240x128xf32, #tpu.memory_space<vmem_shared>>) offsets(%dma_start3A : memref<128xi32, #tpu.memory_space<vmem>>) semaphore(%run_scoped3A : memref<!tpu.dma_semaphore, #tpu.memory_space<semaphore_mem>>) {add = true}
        %dma_wait3A = tpu.memref_slice %arg6[%mul3A_22] : memref<10240xi32, #tpu.memory_space<vmem>> -> memref<128xi32, #tpu.memory_space<vmem>>
        %dma_wait3A_26 = arith.constant 0 : i32
        %dma_wait3A_27 = arith.constant 0 : i32
        %dma_wait3A_28 = tpu.memref_slice %arg8[%dma_wait3A_26, %dma_wait3A_27] : memref<10240x128xf32, #tpu.memory_space<vmem_shared>> -> memref<10240x128xf32, #tpu.memory_space<vmem_shared>>
        tpu.wait_indirect_dma semaphore(%run_scoped3A : memref<!tpu.dma_semaphore, #tpu.memory_space<semaphore_mem>>) src(%arg7 : memref<128x128xf32, #tpu.memory_space<vmem>>) dst(%dma_wait3A_28 : memref<10240x128xf32, #tpu.memory_space<vmem_shared>>)
        tpu.yield
      }) : () -> ()
    }
    %scan3A_11 = arith.constant 80 : i32
    %barrier3A_12 = arith.constant 0 : index
    tpu.barrier barrier_id(%barrier3A_12)
    %mul3A_13 = arith.constant 640 : i32
    %mul3A_14 = arith.muli %arg1, %mul3A_13 : i32
    %mul3A_15 = arith.constant 10240 : i32
    %mul3A_16 = arith.muli %arg0, %mul3A_15 : i32
    %mul3A_17 = arith.constant 640 : i32
    %mul3A_18 = arith.muli %arg1, %mul3A_17 : i32
    %add3A_19 = arith.addi %mul3A_16, %mul3A_18 : i32
    "tpu.region"() ({
      %run_scoped3A = tpu.sem_alloc : memref<!tpu.dma_semaphore, #tpu.memory_space<semaphore_mem>>
      %dma_start3A = arith.constant 0 : i32
      %dma_start3A_20 = tpu.memref_slice %arg5[%add3A_19, %dma_start3A] : memref<20480x128xf32, #tpu.memory_space<hbm>> -> memref<640x128xf32, #tpu.memory_space<hbm>>
      %dma_start3A_21 = arith.constant 0 : i32
      %dma_start3A_22 = tpu.memref_slice %arg8[%mul3A_14, %dma_start3A_21] : memref<10240x128xf32, #tpu.memory_space<vmem_shared>> -> memref<640x128xf32, #tpu.memory_space<vmem_shared>>
      tpu.enqueue_dma source(%dma_start3A_22 : memref<640x128xf32, #tpu.memory_space<vmem_shared>>) target(%dma_start3A_20 : memref<640x128xf32, #tpu.memory_space<hbm>>) target_semaphore(%run_scoped3A : memref<!tpu.dma_semaphore, #tpu.memory_space<semaphore_mem>>)
      %dma_wait3A = arith.constant 0 : i32
      %dma_wait3A_23 = tpu.memref_slice %arg5[%add3A_19, %dma_wait3A] : memref<20480x128xf32, #tpu.memory_space<hbm>> -> memref<640x128xf32, #tpu.memory_space<hbm>>
      %dma_wait3A_24 = arith.constant 0 : i32
      %dma_wait3A_25 = tpu.memref_slice %arg8[%mul3A_14, %dma_wait3A_24] : memref<10240x128xf32, #tpu.memory_space<vmem_shared>> -> memref<640x128xf32, #tpu.memory_space<vmem_shared>>
      tpu.wait_dma2 semaphore(%run_scoped3A : memref<!tpu.dma_semaphore, #tpu.memory_space<semaphore_mem>>) src(%dma_wait3A_25 : memref<640x128xf32, #tpu.memory_space<vmem_shared>>) dst(%dma_wait3A_23 : memref<640x128xf32, #tpu.memory_space<hbm>>)
      tpu.yield
    }) : () -> ()
    return
  }
}

#map = affine_map<(d0, d1) -> (0, 0)>
#map1 = affine_map<(d0, d1) -> (0)>
module attributes {stable_mosaic.version = 14 : i64} {
  func.func @_agg_kernel(%arg0: i32, %arg1: i32, %arg2: memref<10240x128xf32, #tpu.memory_space<hbm>>, %arg3: memref<327680xi32, #tpu.memory_space<hbm>>, %arg4: memref<327680xi32, #tpu.memory_space<hbm>>, %arg5: memref<10240x128xf32, #tpu.memory_space<hbm>>, %arg6: memref<20480x128xf32, #tpu.memory_space<hbm>>, %arg7: memref<128xi32, #tpu.memory_space<vmem>>, %arg8: memref<128xi32, #tpu.memory_space<vmem>>, %arg9: memref<128xi32, #tpu.memory_space<vmem>>, %arg10: memref<128xi32, #tpu.memory_space<vmem>>, %arg11: memref<128xi32, #tpu.memory_space<vmem>>, %arg12: memref<128xi32, #tpu.memory_space<vmem>>, %arg13: memref<128xi32, #tpu.memory_space<vmem>>, %arg14: memref<128xi32, #tpu.memory_space<vmem>>, %arg15: memref<128xi32, #tpu.memory_space<vmem>>, %arg16: memref<128xi32, #tpu.memory_space<vmem>>, %arg17: memref<128xi32, #tpu.memory_space<vmem>>, %arg18: memref<128xi32, #tpu.memory_space<vmem>>, %arg19: memref<128xi32, #tpu.memory_space<vmem>>, %arg20: memref<128xi32, #tpu.memory_space<vmem>>, %arg21: memref<128xi32, #tpu.memory_space<vmem>>, %arg22: memref<128xi32, #tpu.memory_space<vmem>>, %arg23: memref<128x128xf32, #tpu.memory_space<vmem>>, %arg24: memref<10240x128xf32, #tpu.memory_space<vmem_shared>>, %arg25: memref<!tpu.dma_semaphore, #tpu.memory_space<semaphore_mem>>, %arg26: memref<!tpu.dma_semaphore, #tpu.memory_space<semaphore_mem>>, %arg27: memref<!tpu.dma_semaphore, #tpu.memory_space<semaphore_mem>>, %arg28: memref<!tpu.dma_semaphore, #tpu.memory_space<semaphore_mem>>, %arg29: memref<!tpu.dma_semaphore, #tpu.memory_space<semaphore_mem>>, %arg30: memref<!tpu.dma_semaphore, #tpu.memory_space<semaphore_mem>>, %arg31: memref<!tpu.dma_semaphore, #tpu.memory_space<semaphore_mem>>, %arg32: memref<!tpu.dma_semaphore, #tpu.memory_space<semaphore_mem>>, %arg33: memref<!tpu.dma_semaphore, #tpu.memory_space<semaphore_mem>>) attributes {dimension_semantics = [#tpu.dimension_semantics<core_parallel>, #tpu.dimension_semantics<subcore_parallel>], iteration_bounds = array<i64: 2, 16>, scalar_prefetch = 0 : i64, scratch_operands = 27 : i64, tpu.core_type = #tpu.core_type<sc_vector_subcore>, window_params = [{transform_indices = #map}, {transform_indices = #map1}, {transform_indices = #map1}, {transform_indices = #map}, {transform_indices = #map}]} {
    %eq3A = arith.constant 0 : i32
    %eq3A_0 = arith.cmpi eq, %arg0, %eq3A : i32
    %mul3A = arith.constant 18432 : i32
    %mul3A_1 = arith.muli %arg1, %mul3A : i32
    %mul3A_2 = arith.constant 2048 : i32
    %mul3A_3 = arith.muli %arg1, %mul3A_2 : i32
    %add3A = arith.constant 294912 : i32
    %add3A_4 = arith.addi %add3A, %mul3A_3 : i32
    %select_n3A = arith.select %eq3A_0, %mul3A_1, %add3A_4 : i32
    %eq3A_5 = arith.constant 0 : i32
    %eq3A_6 = arith.cmpi eq, %arg0, %eq3A_5 : i32
    %jit3A = arith.constant 18 : i32
    %jit3A_7 = arith.constant 2 : i32
    %select_n3A_8 = arith.select %eq3A_6, %jit3A, %jit3A_7 : i32
    %mul3A_9 = arith.constant 640 : i32
    %mul3A_10 = arith.muli %arg1, %mul3A_9 : i32
    %mul3A_11 = arith.constant 640 : i32
    %mul3A_12 = arith.muli %arg1, %mul3A_11 : i32
    "tpu.region"() ({
      %run_scoped3A = tpu.sem_alloc : memref<!tpu.dma_semaphore, #tpu.memory_space<semaphore_mem>>
      %dma_start3A = arith.constant 0 : i32
      %dma_start3A_30 = tpu.memref_slice %arg24[%mul3A_12, %dma_start3A] : memref<10240x128xf32, #tpu.memory_space<vmem_shared>> -> memref<640x128xf32, #tpu.memory_space<vmem_shared>>
      %dma_start3A_31 = arith.constant 0 : i32
      %dma_start3A_32 = tpu.memref_slice %arg5[%mul3A_10, %dma_start3A_31] : memref<10240x128xf32, #tpu.memory_space<hbm>> -> memref<640x128xf32, #tpu.memory_space<hbm>>
      tpu.enqueue_dma source(%dma_start3A_32 : memref<640x128xf32, #tpu.memory_space<hbm>>) target(%dma_start3A_30 : memref<640x128xf32, #tpu.memory_space<vmem_shared>>) target_semaphore(%run_scoped3A : memref<!tpu.dma_semaphore, #tpu.memory_space<semaphore_mem>>)
      %dma_wait3A = arith.constant 0 : i32
      %dma_wait3A_33 = tpu.memref_slice %arg24[%mul3A_12, %dma_wait3A] : memref<10240x128xf32, #tpu.memory_space<vmem_shared>> -> memref<640x128xf32, #tpu.memory_space<vmem_shared>>
      %dma_wait3A_34 = arith.constant 0 : i32
      %dma_wait3A_35 = tpu.memref_slice %arg5[%mul3A_10, %dma_wait3A_34] : memref<10240x128xf32, #tpu.memory_space<hbm>> -> memref<640x128xf32, #tpu.memory_space<hbm>>
      tpu.wait_dma2 semaphore(%run_scoped3A : memref<!tpu.dma_semaphore, #tpu.memory_space<semaphore_mem>>) src(%dma_wait3A_35 : memref<640x128xf32, #tpu.memory_space<hbm>>) dst(%dma_wait3A_33 : memref<640x128xf32, #tpu.memory_space<vmem_shared>>)
      tpu.yield
    }) : () -> ()
    %barrier3A = arith.constant 0 : index
    tpu.barrier barrier_id(%barrier3A)
    %while3A = arith.constant 0 : i32
    %while3A_13 = arith.constant 0 : i32
    %while3A_14 = arith.subi %select_n3A_8, %while3A_13 : i32
    %while3A_15 = arith.addi %while3A_13, %while3A_14 : i32
    %while3A_16 = arith.constant 1 : i32
    %while3A_17 = arith.divsi %while3A_14, %while3A_16 : i32
    %while3A_18 = arith.muli %while3A_17, %while3A_16 : i32
    %while3A_19 = arith.addi %while3A_13, %while3A_18 : i32
    %while3A_20 = arith.constant 1 : i32
    scf.for %while3A_30 = %while3A_13 to %while3A_19 step %while3A_20  : i32 {
      %mul3A_31 = arith.constant 1024 : i32
      %mul3A_32 = arith.muli %while3A_30, %mul3A_31 : i32
      %add3A_33 = arith.addi %select_n3A, %mul3A_32 : i32
      %add3A_34 = arith.constant 0 : i32
      %add3A_35 = arith.addi %add3A_33, %add3A_34 : i32
      %dma_start3A = tpu.memref_slice %arg3[%add3A_35] : memref<327680xi32, #tpu.memory_space<hbm>> -> memref<128xi32, #tpu.memory_space<hbm>>
      %dma_start3A_36 = tpu.memref_slice %arg3[%add3A_35] : memref<327680xi32, #tpu.memory_space<hbm>> -> memref<128xi32, #tpu.memory_space<hbm>>
      tpu.enqueue_dma source(%dma_start3A_36 : memref<128xi32, #tpu.memory_space<hbm>>) target(%arg7 : memref<128xi32, #tpu.memory_space<vmem>>) target_semaphore(%arg25 : memref<!tpu.dma_semaphore, #tpu.memory_space<semaphore_mem>>)
      %add3A_37 = arith.constant 0 : i32
      %add3A_38 = arith.addi %add3A_33, %add3A_37 : i32
      %dma_start3A_39 = tpu.memref_slice %arg4[%add3A_38] : memref<327680xi32, #tpu.memory_space<hbm>> -> memref<128xi32, #tpu.memory_space<hbm>>
      %dma_start3A_40 = tpu.memref_slice %arg4[%add3A_38] : memref<327680xi32, #tpu.memory_space<hbm>> -> memref<128xi32, #tpu.memory_space<hbm>>
      tpu.enqueue_dma source(%dma_start3A_40 : memref<128xi32, #tpu.memory_space<hbm>>) target(%arg15 : memref<128xi32, #tpu.memory_space<vmem>>) target_semaphore(%arg25 : memref<!tpu.dma_semaphore, #tpu.memory_space<semaphore_mem>>)
      %add3A_41 = arith.constant 128 : i32
      %add3A_42 = arith.addi %add3A_33, %add3A_41 : i32
      %dma_start3A_43 = tpu.memref_slice %arg3[%add3A_42] : memref<327680xi32, #tpu.memory_space<hbm>> -> memref<128xi32, #tpu.memory_space<hbm>>
      %dma_start3A_44 = tpu.memref_slice %arg3[%add3A_42] : memref<327680xi32, #tpu.memory_space<hbm>> -> memref<128xi32, #tpu.memory_space<hbm>>
      tpu.enqueue_dma source(%dma_start3A_44 : memref<128xi32, #tpu.memory_space<hbm>>) target(%arg8 : memref<128xi32, #tpu.memory_space<vmem>>) target_semaphore(%arg26 : memref<!tpu.dma_semaphore, #tpu.memory_space<semaphore_mem>>)
      %add3A_45 = arith.constant 128 : i32
      %add3A_46 = arith.addi %add3A_33, %add3A_45 : i32
      %dma_start3A_47 = tpu.memref_slice %arg4[%add3A_46] : memref<327680xi32, #tpu.memory_space<hbm>> -> memref<128xi32, #tpu.memory_space<hbm>>
      %dma_start3A_48 = tpu.memref_slice %arg4[%add3A_46] : memref<327680xi32, #tpu.memory_space<hbm>> -> memref<128xi32, #tpu.memory_space<hbm>>
      tpu.enqueue_dma source(%dma_start3A_48 : memref<128xi32, #tpu.memory_space<hbm>>) target(%arg16 : memref<128xi32, #tpu.memory_space<vmem>>) target_semaphore(%arg26 : memref<!tpu.dma_semaphore, #tpu.memory_space<semaphore_mem>>)
      %add3A_49 = arith.constant 256 : i32
      %add3A_50 = arith.addi %add3A_33, %add3A_49 : i32
      %dma_start3A_51 = tpu.memref_slice %arg3[%add3A_50] : memref<327680xi32, #tpu.memory_space<hbm>> -> memref<128xi32, #tpu.memory_space<hbm>>
      %dma_start3A_52 = tpu.memref_slice %arg3[%add3A_50] : memref<327680xi32, #tpu.memory_space<hbm>> -> memref<128xi32, #tpu.memory_space<hbm>>
      tpu.enqueue_dma source(%dma_start3A_52 : memref<128xi32, #tpu.memory_space<hbm>>) target(%arg9 : memref<128xi32, #tpu.memory_space<vmem>>) target_semaphore(%arg27 : memref<!tpu.dma_semaphore, #tpu.memory_space<semaphore_mem>>)
      %add3A_53 = arith.constant 256 : i32
      %add3A_54 = arith.addi %add3A_33, %add3A_53 : i32
      %dma_start3A_55 = tpu.memref_slice %arg4[%add3A_54] : memref<327680xi32, #tpu.memory_space<hbm>> -> memref<128xi32, #tpu.memory_space<hbm>>
      %dma_start3A_56 = tpu.memref_slice %arg4[%add3A_54] : memref<327680xi32, #tpu.memory_space<hbm>> -> memref<128xi32, #tpu.memory_space<hbm>>
      tpu.enqueue_dma source(%dma_start3A_56 : memref<128xi32, #tpu.memory_space<hbm>>) target(%arg17 : memref<128xi32, #tpu.memory_space<vmem>>) target_semaphore(%arg27 : memref<!tpu.dma_semaphore, #tpu.memory_space<semaphore_mem>>)
      %add3A_57 = arith.constant 384 : i32
      %add3A_58 = arith.addi %add3A_33, %add3A_57 : i32
      %dma_start3A_59 = tpu.memref_slice %arg3[%add3A_58] : memref<327680xi32, #tpu.memory_space<hbm>> -> memref<128xi32, #tpu.memory_space<hbm>>
      %dma_start3A_60 = tpu.memref_slice %arg3[%add3A_58] : memref<327680xi32, #tpu.memory_space<hbm>> -> memref<128xi32, #tpu.memory_space<hbm>>
      tpu.enqueue_dma source(%dma_start3A_60 : memref<128xi32, #tpu.memory_space<hbm>>) target(%arg10 : memref<128xi32, #tpu.memory_space<vmem>>) target_semaphore(%arg28 : memref<!tpu.dma_semaphore, #tpu.memory_space<semaphore_mem>>)
      %add3A_61 = arith.constant 384 : i32
      %add3A_62 = arith.addi %add3A_33, %add3A_61 : i32
      %dma_start3A_63 = tpu.memref_slice %arg4[%add3A_62] : memref<327680xi32, #tpu.memory_space<hbm>> -> memref<128xi32, #tpu.memory_space<hbm>>
      %dma_start3A_64 = tpu.memref_slice %arg4[%add3A_62] : memref<327680xi32, #tpu.memory_space<hbm>> -> memref<128xi32, #tpu.memory_space<hbm>>
      tpu.enqueue_dma source(%dma_start3A_64 : memref<128xi32, #tpu.memory_space<hbm>>) target(%arg18 : memref<128xi32, #tpu.memory_space<vmem>>) target_semaphore(%arg28 : memref<!tpu.dma_semaphore, #tpu.memory_space<semaphore_mem>>)
      %add3A_65 = arith.constant 512 : i32
      %add3A_66 = arith.addi %add3A_33, %add3A_65 : i32
      %dma_start3A_67 = tpu.memref_slice %arg3[%add3A_66] : memref<327680xi32, #tpu.memory_space<hbm>> -> memref<128xi32, #tpu.memory_space<hbm>>
      %dma_start3A_68 = tpu.memref_slice %arg3[%add3A_66] : memref<327680xi32, #tpu.memory_space<hbm>> -> memref<128xi32, #tpu.memory_space<hbm>>
      tpu.enqueue_dma source(%dma_start3A_68 : memref<128xi32, #tpu.memory_space<hbm>>) target(%arg11 : memref<128xi32, #tpu.memory_space<vmem>>) target_semaphore(%arg29 : memref<!tpu.dma_semaphore, #tpu.memory_space<semaphore_mem>>)
      %add3A_69 = arith.constant 512 : i32
      %add3A_70 = arith.addi %add3A_33, %add3A_69 : i32
      %dma_start3A_71 = tpu.memref_slice %arg4[%add3A_70] : memref<327680xi32, #tpu.memory_space<hbm>> -> memref<128xi32, #tpu.memory_space<hbm>>
      %dma_start3A_72 = tpu.memref_slice %arg4[%add3A_70] : memref<327680xi32, #tpu.memory_space<hbm>> -> memref<128xi32, #tpu.memory_space<hbm>>
      tpu.enqueue_dma source(%dma_start3A_72 : memref<128xi32, #tpu.memory_space<hbm>>) target(%arg19 : memref<128xi32, #tpu.memory_space<vmem>>) target_semaphore(%arg29 : memref<!tpu.dma_semaphore, #tpu.memory_space<semaphore_mem>>)
      %add3A_73 = arith.constant 640 : i32
      %add3A_74 = arith.addi %add3A_33, %add3A_73 : i32
      %dma_start3A_75 = tpu.memref_slice %arg3[%add3A_74] : memref<327680xi32, #tpu.memory_space<hbm>> -> memref<128xi32, #tpu.memory_space<hbm>>
      %dma_start3A_76 = tpu.memref_slice %arg3[%add3A_74] : memref<327680xi32, #tpu.memory_space<hbm>> -> memref<128xi32, #tpu.memory_space<hbm>>
      tpu.enqueue_dma source(%dma_start3A_76 : memref<128xi32, #tpu.memory_space<hbm>>) target(%arg12 : memref<128xi32, #tpu.memory_space<vmem>>) target_semaphore(%arg30 : memref<!tpu.dma_semaphore, #tpu.memory_space<semaphore_mem>>)
      %add3A_77 = arith.constant 640 : i32
      %add3A_78 = arith.addi %add3A_33, %add3A_77 : i32
      %dma_start3A_79 = tpu.memref_slice %arg4[%add3A_78] : memref<327680xi32, #tpu.memory_space<hbm>> -> memref<128xi32, #tpu.memory_space<hbm>>
      %dma_start3A_80 = tpu.memref_slice %arg4[%add3A_78] : memref<327680xi32, #tpu.memory_space<hbm>> -> memref<128xi32, #tpu.memory_space<hbm>>
      tpu.enqueue_dma source(%dma_start3A_80 : memref<128xi32, #tpu.memory_space<hbm>>) target(%arg20 : memref<128xi32, #tpu.memory_space<vmem>>) target_semaphore(%arg30 : memref<!tpu.dma_semaphore, #tpu.memory_space<semaphore_mem>>)
      %add3A_81 = arith.constant 768 : i32
      %add3A_82 = arith.addi %add3A_33, %add3A_81 : i32
      %dma_start3A_83 = tpu.memref_slice %arg3[%add3A_82] : memref<327680xi32, #tpu.memory_space<hbm>> -> memref<128xi32, #tpu.memory_space<hbm>>
      %dma_start3A_84 = tpu.memref_slice %arg3[%add3A_82] : memref<327680xi32, #tpu.memory_space<hbm>> -> memref<128xi32, #tpu.memory_space<hbm>>
      tpu.enqueue_dma source(%dma_start3A_84 : memref<128xi32, #tpu.memory_space<hbm>>) target(%arg13 : memref<128xi32, #tpu.memory_space<vmem>>) target_semaphore(%arg31 : memref<!tpu.dma_semaphore, #tpu.memory_space<semaphore_mem>>)
      %add3A_85 = arith.constant 768 : i32
      %add3A_86 = arith.addi %add3A_33, %add3A_85 : i32
      %dma_start3A_87 = tpu.memref_slice %arg4[%add3A_86] : memref<327680xi32, #tpu.memory_space<hbm>> -> memref<128xi32, #tpu.memory_space<hbm>>
      %dma_start3A_88 = tpu.memref_slice %arg4[%add3A_86] : memref<327680xi32, #tpu.memory_space<hbm>> -> memref<128xi32, #tpu.memory_space<hbm>>
      tpu.enqueue_dma source(%dma_start3A_88 : memref<128xi32, #tpu.memory_space<hbm>>) target(%arg21 : memref<128xi32, #tpu.memory_space<vmem>>) target_semaphore(%arg31 : memref<!tpu.dma_semaphore, #tpu.memory_space<semaphore_mem>>)
      %add3A_89 = arith.constant 896 : i32
      %add3A_90 = arith.addi %add3A_33, %add3A_89 : i32
      %dma_start3A_91 = tpu.memref_slice %arg3[%add3A_90] : memref<327680xi32, #tpu.memory_space<hbm>> -> memref<128xi32, #tpu.memory_space<hbm>>
      %dma_start3A_92 = tpu.memref_slice %arg3[%add3A_90] : memref<327680xi32, #tpu.memory_space<hbm>> -> memref<128xi32, #tpu.memory_space<hbm>>
      tpu.enqueue_dma source(%dma_start3A_92 : memref<128xi32, #tpu.memory_space<hbm>>) target(%arg14 : memref<128xi32, #tpu.memory_space<vmem>>) target_semaphore(%arg32 : memref<!tpu.dma_semaphore, #tpu.memory_space<semaphore_mem>>)
      %add3A_93 = arith.constant 896 : i32
      %add3A_94 = arith.addi %add3A_33, %add3A_93 : i32
      %dma_start3A_95 = tpu.memref_slice %arg4[%add3A_94] : memref<327680xi32, #tpu.memory_space<hbm>> -> memref<128xi32, #tpu.memory_space<hbm>>
      %dma_start3A_96 = tpu.memref_slice %arg4[%add3A_94] : memref<327680xi32, #tpu.memory_space<hbm>> -> memref<128xi32, #tpu.memory_space<hbm>>
      tpu.enqueue_dma source(%dma_start3A_96 : memref<128xi32, #tpu.memory_space<hbm>>) target(%arg22 : memref<128xi32, #tpu.memory_space<vmem>>) target_semaphore(%arg32 : memref<!tpu.dma_semaphore, #tpu.memory_space<semaphore_mem>>)
      %dma_wait3A = tpu.memref_slice %arg3[%add3A_35] : memref<327680xi32, #tpu.memory_space<hbm>> -> memref<128xi32, #tpu.memory_space<hbm>>
      %dma_wait3A_97 = tpu.memref_slice %arg3[%add3A_35] : memref<327680xi32, #tpu.memory_space<hbm>> -> memref<128xi32, #tpu.memory_space<hbm>>
      tpu.wait_dma2 semaphore(%arg25 : memref<!tpu.dma_semaphore, #tpu.memory_space<semaphore_mem>>) src(%dma_wait3A_97 : memref<128xi32, #tpu.memory_space<hbm>>) dst(%arg7 : memref<128xi32, #tpu.memory_space<vmem>>)
      %dma_wait3A_98 = tpu.memref_slice %arg4[%add3A_38] : memref<327680xi32, #tpu.memory_space<hbm>> -> memref<128xi32, #tpu.memory_space<hbm>>
      %dma_wait3A_99 = tpu.memref_slice %arg4[%add3A_38] : memref<327680xi32, #tpu.memory_space<hbm>> -> memref<128xi32, #tpu.memory_space<hbm>>
      tpu.wait_dma2 semaphore(%arg25 : memref<!tpu.dma_semaphore, #tpu.memory_space<semaphore_mem>>) src(%dma_wait3A_99 : memref<128xi32, #tpu.memory_space<hbm>>) dst(%arg15 : memref<128xi32, #tpu.memory_space<vmem>>)
      %dma_start3A_100 = arith.constant 0 : i32
      %dma_start3A_101 = arith.constant 0 : i32
      %dma_start3A_102 = tpu.memref_slice %arg2[%dma_start3A_100, %dma_start3A_101] : memref<10240x128xf32, #tpu.memory_space<hbm>> -> memref<10240x128xf32, #tpu.memory_space<hbm>>
      tpu.enqueue_indirect_dma source(%dma_start3A_102 : memref<10240x128xf32, #tpu.memory_space<hbm>>) target(%arg23 : memref<128x128xf32, #tpu.memory_space<vmem>>) offsets(%arg7 : memref<128xi32, #tpu.memory_space<vmem>>) semaphore(%arg33 : memref<!tpu.dma_semaphore, #tpu.memory_space<semaphore_mem>>)
      %dma_wait3A_103 = arith.constant 0 : i32
      %dma_wait3A_104 = arith.constant 0 : i32
      %dma_wait3A_105 = tpu.memref_slice %arg2[%dma_wait3A_103, %dma_wait3A_104] : memref<10240x128xf32, #tpu.memory_space<hbm>> -> memref<10240x128xf32, #tpu.memory_space<hbm>>
      tpu.wait_indirect_dma semaphore(%arg33 : memref<!tpu.dma_semaphore, #tpu.memory_space<semaphore_mem>>) src(%dma_wait3A_105 : memref<10240x128xf32, #tpu.memory_space<hbm>>) dst(%arg23 : memref<128x128xf32, #tpu.memory_space<vmem>>)
      "tpu.region"() ({
        %run_scoped3A = tpu.sem_alloc : memref<!tpu.dma_semaphore, #tpu.memory_space<semaphore_mem>>
        %dma_start3A_176 = arith.constant 0 : i32
        %dma_start3A_177 = arith.constant 0 : i32
        %dma_start3A_178 = tpu.memref_slice %arg24[%dma_start3A_176, %dma_start3A_177] : memref<10240x128xf32, #tpu.memory_space<vmem_shared>> -> memref<10240x128xf32, #tpu.memory_space<vmem_shared>>
        tpu.enqueue_indirect_dma source(%arg23 : memref<128x128xf32, #tpu.memory_space<vmem>>) target(%dma_start3A_178 : memref<10240x128xf32, #tpu.memory_space<vmem_shared>>) offsets(%arg15 : memref<128xi32, #tpu.memory_space<vmem>>) semaphore(%run_scoped3A : memref<!tpu.dma_semaphore, #tpu.memory_space<semaphore_mem>>) {add = true}
        %dma_wait3A_179 = arith.constant 0 : i32
        %dma_wait3A_180 = arith.constant 0 : i32
        %dma_wait3A_181 = tpu.memref_slice %arg24[%dma_wait3A_179, %dma_wait3A_180] : memref<10240x128xf32, #tpu.memory_space<vmem_shared>> -> memref<10240x128xf32, #tpu.memory_space<vmem_shared>>
        tpu.wait_indirect_dma semaphore(%run_scoped3A : memref<!tpu.dma_semaphore, #tpu.memory_space<semaphore_mem>>) src(%arg23 : memref<128x128xf32, #tpu.memory_space<vmem>>) dst(%dma_wait3A_181 : memref<10240x128xf32, #tpu.memory_space<vmem_shared>>)
        tpu.yield
      }) : () -> ()
      %dma_wait3A_106 = tpu.memref_slice %arg3[%add3A_42] : memref<327680xi32, #tpu.memory_space<hbm>> -> memref<128xi32, #tpu.memory_space<hbm>>
      %dma_wait3A_107 = tpu.memref_slice %arg3[%add3A_42] : memref<327680xi32, #tpu.memory_space<hbm>> -> memref<128xi32, #tpu.memory_space<hbm>>
      tpu.wait_dma2 semaphore(%arg26 : memref<!tpu.dma_semaphore, #tpu.memory_space<semaphore_mem>>) src(%dma_wait3A_107 : memref<128xi32, #tpu.memory_space<hbm>>) dst(%arg8 : memref<128xi32, #tpu.memory_space<vmem>>)
      %dma_wait3A_108 = tpu.memref_slice %arg4[%add3A_46] : memref<327680xi32, #tpu.memory_space<hbm>> -> memref<128xi32, #tpu.memory_space<hbm>>
      %dma_wait3A_109 = tpu.memref_slice %arg4[%add3A_46] : memref<327680xi32, #tpu.memory_space<hbm>> -> memref<128xi32, #tpu.memory_space<hbm>>
      tpu.wait_dma2 semaphore(%arg26 : memref<!tpu.dma_semaphore, #tpu.memory_space<semaphore_mem>>) src(%dma_wait3A_109 : memref<128xi32, #tpu.memory_space<hbm>>) dst(%arg16 : memref<128xi32, #tpu.memory_space<vmem>>)
      %dma_start3A_110 = arith.constant 0 : i32
      %dma_start3A_111 = arith.constant 0 : i32
      %dma_start3A_112 = tpu.memref_slice %arg2[%dma_start3A_110, %dma_start3A_111] : memref<10240x128xf32, #tpu.memory_space<hbm>> -> memref<10240x128xf32, #tpu.memory_space<hbm>>
      tpu.enqueue_indirect_dma source(%dma_start3A_112 : memref<10240x128xf32, #tpu.memory_space<hbm>>) target(%arg23 : memref<128x128xf32, #tpu.memory_space<vmem>>) offsets(%arg8 : memref<128xi32, #tpu.memory_space<vmem>>) semaphore(%arg33 : memref<!tpu.dma_semaphore, #tpu.memory_space<semaphore_mem>>)
      %dma_wait3A_113 = arith.constant 0 : i32
      %dma_wait3A_114 = arith.constant 0 : i32
      %dma_wait3A_115 = tpu.memref_slice %arg2[%dma_wait3A_113, %dma_wait3A_114] : memref<10240x128xf32, #tpu.memory_space<hbm>> -> memref<10240x128xf32, #tpu.memory_space<hbm>>
      tpu.wait_indirect_dma semaphore(%arg33 : memref<!tpu.dma_semaphore, #tpu.memory_space<semaphore_mem>>) src(%dma_wait3A_115 : memref<10240x128xf32, #tpu.memory_space<hbm>>) dst(%arg23 : memref<128x128xf32, #tpu.memory_space<vmem>>)
      "tpu.region"() ({
        %run_scoped3A = tpu.sem_alloc : memref<!tpu.dma_semaphore, #tpu.memory_space<semaphore_mem>>
        %dma_start3A_176 = arith.constant 0 : i32
        %dma_start3A_177 = arith.constant 0 : i32
        %dma_start3A_178 = tpu.memref_slice %arg24[%dma_start3A_176, %dma_start3A_177] : memref<10240x128xf32, #tpu.memory_space<vmem_shared>> -> memref<10240x128xf32, #tpu.memory_space<vmem_shared>>
        tpu.enqueue_indirect_dma source(%arg23 : memref<128x128xf32, #tpu.memory_space<vmem>>) target(%dma_start3A_178 : memref<10240x128xf32, #tpu.memory_space<vmem_shared>>) offsets(%arg16 : memref<128xi32, #tpu.memory_space<vmem>>) semaphore(%run_scoped3A : memref<!tpu.dma_semaphore, #tpu.memory_space<semaphore_mem>>) {add = true}
        %dma_wait3A_179 = arith.constant 0 : i32
        %dma_wait3A_180 = arith.constant 0 : i32
        %dma_wait3A_181 = tpu.memref_slice %arg24[%dma_wait3A_179, %dma_wait3A_180] : memref<10240x128xf32, #tpu.memory_space<vmem_shared>> -> memref<10240x128xf32, #tpu.memory_space<vmem_shared>>
        tpu.wait_indirect_dma semaphore(%run_scoped3A : memref<!tpu.dma_semaphore, #tpu.memory_space<semaphore_mem>>) src(%arg23 : memref<128x128xf32, #tpu.memory_space<vmem>>) dst(%dma_wait3A_181 : memref<10240x128xf32, #tpu.memory_space<vmem_shared>>)
        tpu.yield
      }) : () -> ()
      %dma_wait3A_116 = tpu.memref_slice %arg3[%add3A_50] : memref<327680xi32, #tpu.memory_space<hbm>> -> memref<128xi32, #tpu.memory_space<hbm>>
      %dma_wait3A_117 = tpu.memref_slice %arg3[%add3A_50] : memref<327680xi32, #tpu.memory_space<hbm>> -> memref<128xi32, #tpu.memory_space<hbm>>
      tpu.wait_dma2 semaphore(%arg27 : memref<!tpu.dma_semaphore, #tpu.memory_space<semaphore_mem>>) src(%dma_wait3A_117 : memref<128xi32, #tpu.memory_space<hbm>>) dst(%arg9 : memref<128xi32, #tpu.memory_space<vmem>>)
      %dma_wait3A_118 = tpu.memref_slice %arg4[%add3A_54] : memref<327680xi32, #tpu.memory_space<hbm>> -> memref<128xi32, #tpu.memory_space<hbm>>
      %dma_wait3A_119 = tpu.memref_slice %arg4[%add3A_54] : memref<327680xi32, #tpu.memory_space<hbm>> -> memref<128xi32, #tpu.memory_space<hbm>>
      tpu.wait_dma2 semaphore(%arg27 : memref<!tpu.dma_semaphore, #tpu.memory_space<semaphore_mem>>) src(%dma_wait3A_119 : memref<128xi32, #tpu.memory_space<hbm>>) dst(%arg17 : memref<128xi32, #tpu.memory_space<vmem>>)
      %dma_start3A_120 = arith.constant 0 : i32
      %dma_start3A_121 = arith.constant 0 : i32
      %dma_start3A_122 = tpu.memref_slice %arg2[%dma_start3A_120, %dma_start3A_121] : memref<10240x128xf32, #tpu.memory_space<hbm>> -> memref<10240x128xf32, #tpu.memory_space<hbm>>
      tpu.enqueue_indirect_dma source(%dma_start3A_122 : memref<10240x128xf32, #tpu.memory_space<hbm>>) target(%arg23 : memref<128x128xf32, #tpu.memory_space<vmem>>) offsets(%arg9 : memref<128xi32, #tpu.memory_space<vmem>>) semaphore(%arg33 : memref<!tpu.dma_semaphore, #tpu.memory_space<semaphore_mem>>)
      %dma_wait3A_123 = arith.constant 0 : i32
      %dma_wait3A_124 = arith.constant 0 : i32
      %dma_wait3A_125 = tpu.memref_slice %arg2[%dma_wait3A_123, %dma_wait3A_124] : memref<10240x128xf32, #tpu.memory_space<hbm>> -> memref<10240x128xf32, #tpu.memory_space<hbm>>
      tpu.wait_indirect_dma semaphore(%arg33 : memref<!tpu.dma_semaphore, #tpu.memory_space<semaphore_mem>>) src(%dma_wait3A_125 : memref<10240x128xf32, #tpu.memory_space<hbm>>) dst(%arg23 : memref<128x128xf32, #tpu.memory_space<vmem>>)
      "tpu.region"() ({
        %run_scoped3A = tpu.sem_alloc : memref<!tpu.dma_semaphore, #tpu.memory_space<semaphore_mem>>
        %dma_start3A_176 = arith.constant 0 : i32
        %dma_start3A_177 = arith.constant 0 : i32
        %dma_start3A_178 = tpu.memref_slice %arg24[%dma_start3A_176, %dma_start3A_177] : memref<10240x128xf32, #tpu.memory_space<vmem_shared>> -> memref<10240x128xf32, #tpu.memory_space<vmem_shared>>
        tpu.enqueue_indirect_dma source(%arg23 : memref<128x128xf32, #tpu.memory_space<vmem>>) target(%dma_start3A_178 : memref<10240x128xf32, #tpu.memory_space<vmem_shared>>) offsets(%arg17 : memref<128xi32, #tpu.memory_space<vmem>>) semaphore(%run_scoped3A : memref<!tpu.dma_semaphore, #tpu.memory_space<semaphore_mem>>) {add = true}
        %dma_wait3A_179 = arith.constant 0 : i32
        %dma_wait3A_180 = arith.constant 0 : i32
        %dma_wait3A_181 = tpu.memref_slice %arg24[%dma_wait3A_179, %dma_wait3A_180] : memref<10240x128xf32, #tpu.memory_space<vmem_shared>> -> memref<10240x128xf32, #tpu.memory_space<vmem_shared>>
        tpu.wait_indirect_dma semaphore(%run_scoped3A : memref<!tpu.dma_semaphore, #tpu.memory_space<semaphore_mem>>) src(%arg23 : memref<128x128xf32, #tpu.memory_space<vmem>>) dst(%dma_wait3A_181 : memref<10240x128xf32, #tpu.memory_space<vmem_shared>>)
        tpu.yield
      }) : () -> ()
      %dma_wait3A_126 = tpu.memref_slice %arg3[%add3A_58] : memref<327680xi32, #tpu.memory_space<hbm>> -> memref<128xi32, #tpu.memory_space<hbm>>
      %dma_wait3A_127 = tpu.memref_slice %arg3[%add3A_58] : memref<327680xi32, #tpu.memory_space<hbm>> -> memref<128xi32, #tpu.memory_space<hbm>>
      tpu.wait_dma2 semaphore(%arg28 : memref<!tpu.dma_semaphore, #tpu.memory_space<semaphore_mem>>) src(%dma_wait3A_127 : memref<128xi32, #tpu.memory_space<hbm>>) dst(%arg10 : memref<128xi32, #tpu.memory_space<vmem>>)
      %dma_wait3A_128 = tpu.memref_slice %arg4[%add3A_62] : memref<327680xi32, #tpu.memory_space<hbm>> -> memref<128xi32, #tpu.memory_space<hbm>>
      %dma_wait3A_129 = tpu.memref_slice %arg4[%add3A_62] : memref<327680xi32, #tpu.memory_space<hbm>> -> memref<128xi32, #tpu.memory_space<hbm>>
      tpu.wait_dma2 semaphore(%arg28 : memref<!tpu.dma_semaphore, #tpu.memory_space<semaphore_mem>>) src(%dma_wait3A_129 : memref<128xi32, #tpu.memory_space<hbm>>) dst(%arg18 : memref<128xi32, #tpu.memory_space<vmem>>)
      %dma_start3A_130 = arith.constant 0 : i32
      %dma_start3A_131 = arith.constant 0 : i32
      %dma_start3A_132 = tpu.memref_slice %arg2[%dma_start3A_130, %dma_start3A_131] : memref<10240x128xf32, #tpu.memory_space<hbm>> -> memref<10240x128xf32, #tpu.memory_space<hbm>>
      tpu.enqueue_indirect_dma source(%dma_start3A_132 : memref<10240x128xf32, #tpu.memory_space<hbm>>) target(%arg23 : memref<128x128xf32, #tpu.memory_space<vmem>>) offsets(%arg10 : memref<128xi32, #tpu.memory_space<vmem>>) semaphore(%arg33 : memref<!tpu.dma_semaphore, #tpu.memory_space<semaphore_mem>>)
      %dma_wait3A_133 = arith.constant 0 : i32
      %dma_wait3A_134 = arith.constant 0 : i32
      %dma_wait3A_135 = tpu.memref_slice %arg2[%dma_wait3A_133, %dma_wait3A_134] : memref<10240x128xf32, #tpu.memory_space<hbm>> -> memref<10240x128xf32, #tpu.memory_space<hbm>>
      tpu.wait_indirect_dma semaphore(%arg33 : memref<!tpu.dma_semaphore, #tpu.memory_space<semaphore_mem>>) src(%dma_wait3A_135 : memref<10240x128xf32, #tpu.memory_space<hbm>>) dst(%arg23 : memref<128x128xf32, #tpu.memory_space<vmem>>)
      "tpu.region"() ({
        %run_scoped3A = tpu.sem_alloc : memref<!tpu.dma_semaphore, #tpu.memory_space<semaphore_mem>>
        %dma_start3A_176 = arith.constant 0 : i32
        %dma_start3A_177 = arith.constant 0 : i32
        %dma_start3A_178 = tpu.memref_slice %arg24[%dma_start3A_176, %dma_start3A_177] : memref<10240x128xf32, #tpu.memory_space<vmem_shared>> -> memref<10240x128xf32, #tpu.memory_space<vmem_shared>>
        tpu.enqueue_indirect_dma source(%arg23 : memref<128x128xf32, #tpu.memory_space<vmem>>) target(%dma_start3A_178 : memref<10240x128xf32, #tpu.memory_space<vmem_shared>>) offsets(%arg18 : memref<128xi32, #tpu.memory_space<vmem>>) semaphore(%run_scoped3A : memref<!tpu.dma_semaphore, #tpu.memory_space<semaphore_mem>>) {add = true}
        %dma_wait3A_179 = arith.constant 0 : i32
        %dma_wait3A_180 = arith.constant 0 : i32
        %dma_wait3A_181 = tpu.memref_slice %arg24[%dma_wait3A_179, %dma_wait3A_180] : memref<10240x128xf32, #tpu.memory_space<vmem_shared>> -> memref<10240x128xf32, #tpu.memory_space<vmem_shared>>
        tpu.wait_indirect_dma semaphore(%run_scoped3A : memref<!tpu.dma_semaphore, #tpu.memory_space<semaphore_mem>>) src(%arg23 : memref<128x128xf32, #tpu.memory_space<vmem>>) dst(%dma_wait3A_181 : memref<10240x128xf32, #tpu.memory_space<vmem_shared>>)
        tpu.yield
      }) : () -> ()
      %dma_wait3A_136 = tpu.memref_slice %arg3[%add3A_66] : memref<327680xi32, #tpu.memory_space<hbm>> -> memref<128xi32, #tpu.memory_space<hbm>>
      %dma_wait3A_137 = tpu.memref_slice %arg3[%add3A_66] : memref<327680xi32, #tpu.memory_space<hbm>> -> memref<128xi32, #tpu.memory_space<hbm>>
      tpu.wait_dma2 semaphore(%arg29 : memref<!tpu.dma_semaphore, #tpu.memory_space<semaphore_mem>>) src(%dma_wait3A_137 : memref<128xi32, #tpu.memory_space<hbm>>) dst(%arg11 : memref<128xi32, #tpu.memory_space<vmem>>)
      %dma_wait3A_138 = tpu.memref_slice %arg4[%add3A_70] : memref<327680xi32, #tpu.memory_space<hbm>> -> memref<128xi32, #tpu.memory_space<hbm>>
      %dma_wait3A_139 = tpu.memref_slice %arg4[%add3A_70] : memref<327680xi32, #tpu.memory_space<hbm>> -> memref<128xi32, #tpu.memory_space<hbm>>
      tpu.wait_dma2 semaphore(%arg29 : memref<!tpu.dma_semaphore, #tpu.memory_space<semaphore_mem>>) src(%dma_wait3A_139 : memref<128xi32, #tpu.memory_space<hbm>>) dst(%arg19 : memref<128xi32, #tpu.memory_space<vmem>>)
      %dma_start3A_140 = arith.constant 0 : i32
      %dma_start3A_141 = arith.constant 0 : i32
      %dma_start3A_142 = tpu.memref_slice %arg2[%dma_start3A_140, %dma_start3A_141] : memref<10240x128xf32, #tpu.memory_space<hbm>> -> memref<10240x128xf32, #tpu.memory_space<hbm>>
      tpu.enqueue_indirect_dma source(%dma_start3A_142 : memref<10240x128xf32, #tpu.memory_space<hbm>>) target(%arg23 : memref<128x128xf32, #tpu.memory_space<vmem>>) offsets(%arg11 : memref<128xi32, #tpu.memory_space<vmem>>) semaphore(%arg33 : memref<!tpu.dma_semaphore, #tpu.memory_space<semaphore_mem>>)
      %dma_wait3A_143 = arith.constant 0 : i32
      %dma_wait3A_144 = arith.constant 0 : i32
      %dma_wait3A_145 = tpu.memref_slice %arg2[%dma_wait3A_143, %dma_wait3A_144] : memref<10240x128xf32, #tpu.memory_space<hbm>> -> memref<10240x128xf32, #tpu.memory_space<hbm>>
      tpu.wait_indirect_dma semaphore(%arg33 : memref<!tpu.dma_semaphore, #tpu.memory_space<semaphore_mem>>) src(%dma_wait3A_145 : memref<10240x128xf32, #tpu.memory_space<hbm>>) dst(%arg23 : memref<128x128xf32, #tpu.memory_space<vmem>>)
      "tpu.region"() ({
        %run_scoped3A = tpu.sem_alloc : memref<!tpu.dma_semaphore, #tpu.memory_space<semaphore_mem>>
        %dma_start3A_176 = arith.constant 0 : i32
        %dma_start3A_177 = arith.constant 0 : i32
        %dma_start3A_178 = tpu.memref_slice %arg24[%dma_start3A_176, %dma_start3A_177] : memref<10240x128xf32, #tpu.memory_space<vmem_shared>> -> memref<10240x128xf32, #tpu.memory_space<vmem_shared>>
        tpu.enqueue_indirect_dma source(%arg23 : memref<128x128xf32, #tpu.memory_space<vmem>>) target(%dma_start3A_178 : memref<10240x128xf32, #tpu.memory_space<vmem_shared>>) offsets(%arg19 : memref<128xi32, #tpu.memory_space<vmem>>) semaphore(%run_scoped3A : memref<!tpu.dma_semaphore, #tpu.memory_space<semaphore_mem>>) {add = true}
        %dma_wait3A_179 = arith.constant 0 : i32
        %dma_wait3A_180 = arith.constant 0 : i32
        %dma_wait3A_181 = tpu.memref_slice %arg24[%dma_wait3A_179, %dma_wait3A_180] : memref<10240x128xf32, #tpu.memory_space<vmem_shared>> -> memref<10240x128xf32, #tpu.memory_space<vmem_shared>>
        tpu.wait_indirect_dma semaphore(%run_scoped3A : memref<!tpu.dma_semaphore, #tpu.memory_space<semaphore_mem>>) src(%arg23 : memref<128x128xf32, #tpu.memory_space<vmem>>) dst(%dma_wait3A_181 : memref<10240x128xf32, #tpu.memory_space<vmem_shared>>)
        tpu.yield
      }) : () -> ()
      %dma_wait3A_146 = tpu.memref_slice %arg3[%add3A_74] : memref<327680xi32, #tpu.memory_space<hbm>> -> memref<128xi32, #tpu.memory_space<hbm>>
      %dma_wait3A_147 = tpu.memref_slice %arg3[%add3A_74] : memref<327680xi32, #tpu.memory_space<hbm>> -> memref<128xi32, #tpu.memory_space<hbm>>
      tpu.wait_dma2 semaphore(%arg30 : memref<!tpu.dma_semaphore, #tpu.memory_space<semaphore_mem>>) src(%dma_wait3A_147 : memref<128xi32, #tpu.memory_space<hbm>>) dst(%arg12 : memref<128xi32, #tpu.memory_space<vmem>>)
      %dma_wait3A_148 = tpu.memref_slice %arg4[%add3A_78] : memref<327680xi32, #tpu.memory_space<hbm>> -> memref<128xi32, #tpu.memory_space<hbm>>
      %dma_wait3A_149 = tpu.memref_slice %arg4[%add3A_78] : memref<327680xi32, #tpu.memory_space<hbm>> -> memref<128xi32, #tpu.memory_space<hbm>>
      tpu.wait_dma2 semaphore(%arg30 : memref<!tpu.dma_semaphore, #tpu.memory_space<semaphore_mem>>) src(%dma_wait3A_149 : memref<128xi32, #tpu.memory_space<hbm>>) dst(%arg20 : memref<128xi32, #tpu.memory_space<vmem>>)
      %dma_start3A_150 = arith.constant 0 : i32
      %dma_start3A_151 = arith.constant 0 : i32
      %dma_start3A_152 = tpu.memref_slice %arg2[%dma_start3A_150, %dma_start3A_151] : memref<10240x128xf32, #tpu.memory_space<hbm>> -> memref<10240x128xf32, #tpu.memory_space<hbm>>
      tpu.enqueue_indirect_dma source(%dma_start3A_152 : memref<10240x128xf32, #tpu.memory_space<hbm>>) target(%arg23 : memref<128x128xf32, #tpu.memory_space<vmem>>) offsets(%arg12 : memref<128xi32, #tpu.memory_space<vmem>>) semaphore(%arg33 : memref<!tpu.dma_semaphore, #tpu.memory_space<semaphore_mem>>)
      %dma_wait3A_153 = arith.constant 0 : i32
      %dma_wait3A_154 = arith.constant 0 : i32
      %dma_wait3A_155 = tpu.memref_slice %arg2[%dma_wait3A_153, %dma_wait3A_154] : memref<10240x128xf32, #tpu.memory_space<hbm>> -> memref<10240x128xf32, #tpu.memory_space<hbm>>
      tpu.wait_indirect_dma semaphore(%arg33 : memref<!tpu.dma_semaphore, #tpu.memory_space<semaphore_mem>>) src(%dma_wait3A_155 : memref<10240x128xf32, #tpu.memory_space<hbm>>) dst(%arg23 : memref<128x128xf32, #tpu.memory_space<vmem>>)
      "tpu.region"() ({
        %run_scoped3A = tpu.sem_alloc : memref<!tpu.dma_semaphore, #tpu.memory_space<semaphore_mem>>
        %dma_start3A_176 = arith.constant 0 : i32
        %dma_start3A_177 = arith.constant 0 : i32
        %dma_start3A_178 = tpu.memref_slice %arg24[%dma_start3A_176, %dma_start3A_177] : memref<10240x128xf32, #tpu.memory_space<vmem_shared>> -> memref<10240x128xf32, #tpu.memory_space<vmem_shared>>
        tpu.enqueue_indirect_dma source(%arg23 : memref<128x128xf32, #tpu.memory_space<vmem>>) target(%dma_start3A_178 : memref<10240x128xf32, #tpu.memory_space<vmem_shared>>) offsets(%arg20 : memref<128xi32, #tpu.memory_space<vmem>>) semaphore(%run_scoped3A : memref<!tpu.dma_semaphore, #tpu.memory_space<semaphore_mem>>) {add = true}
        %dma_wait3A_179 = arith.constant 0 : i32
        %dma_wait3A_180 = arith.constant 0 : i32
        %dma_wait3A_181 = tpu.memref_slice %arg24[%dma_wait3A_179, %dma_wait3A_180] : memref<10240x128xf32, #tpu.memory_space<vmem_shared>> -> memref<10240x128xf32, #tpu.memory_space<vmem_shared>>
        tpu.wait_indirect_dma semaphore(%run_scoped3A : memref<!tpu.dma_semaphore, #tpu.memory_space<semaphore_mem>>) src(%arg23 : memref<128x128xf32, #tpu.memory_space<vmem>>) dst(%dma_wait3A_181 : memref<10240x128xf32, #tpu.memory_space<vmem_shared>>)
        tpu.yield
      }) : () -> ()
      %dma_wait3A_156 = tpu.memref_slice %arg3[%add3A_82] : memref<327680xi32, #tpu.memory_space<hbm>> -> memref<128xi32, #tpu.memory_space<hbm>>
      %dma_wait3A_157 = tpu.memref_slice %arg3[%add3A_82] : memref<327680xi32, #tpu.memory_space<hbm>> -> memref<128xi32, #tpu.memory_space<hbm>>
      tpu.wait_dma2 semaphore(%arg31 : memref<!tpu.dma_semaphore, #tpu.memory_space<semaphore_mem>>) src(%dma_wait3A_157 : memref<128xi32, #tpu.memory_space<hbm>>) dst(%arg13 : memref<128xi32, #tpu.memory_space<vmem>>)
      %dma_wait3A_158 = tpu.memref_slice %arg4[%add3A_86] : memref<327680xi32, #tpu.memory_space<hbm>> -> memref<128xi32, #tpu.memory_space<hbm>>
      %dma_wait3A_159 = tpu.memref_slice %arg4[%add3A_86] : memref<327680xi32, #tpu.memory_space<hbm>> -> memref<128xi32, #tpu.memory_space<hbm>>
      tpu.wait_dma2 semaphore(%arg31 : memref<!tpu.dma_semaphore, #tpu.memory_space<semaphore_mem>>) src(%dma_wait3A_159 : memref<128xi32, #tpu.memory_space<hbm>>) dst(%arg21 : memref<128xi32, #tpu.memory_space<vmem>>)
      %dma_start3A_160 = arith.constant 0 : i32
      %dma_start3A_161 = arith.constant 0 : i32
      %dma_start3A_162 = tpu.memref_slice %arg2[%dma_start3A_160, %dma_start3A_161] : memref<10240x128xf32, #tpu.memory_space<hbm>> -> memref<10240x128xf32, #tpu.memory_space<hbm>>
      tpu.enqueue_indirect_dma source(%dma_start3A_162 : memref<10240x128xf32, #tpu.memory_space<hbm>>) target(%arg23 : memref<128x128xf32, #tpu.memory_space<vmem>>) offsets(%arg13 : memref<128xi32, #tpu.memory_space<vmem>>) semaphore(%arg33 : memref<!tpu.dma_semaphore, #tpu.memory_space<semaphore_mem>>)
      %dma_wait3A_163 = arith.constant 0 : i32
      %dma_wait3A_164 = arith.constant 0 : i32
      %dma_wait3A_165 = tpu.memref_slice %arg2[%dma_wait3A_163, %dma_wait3A_164] : memref<10240x128xf32, #tpu.memory_space<hbm>> -> memref<10240x128xf32, #tpu.memory_space<hbm>>
      tpu.wait_indirect_dma semaphore(%arg33 : memref<!tpu.dma_semaphore, #tpu.memory_space<semaphore_mem>>) src(%dma_wait3A_165 : memref<10240x128xf32, #tpu.memory_space<hbm>>) dst(%arg23 : memref<128x128xf32, #tpu.memory_space<vmem>>)
      "tpu.region"() ({
        %run_scoped3A = tpu.sem_alloc : memref<!tpu.dma_semaphore, #tpu.memory_space<semaphore_mem>>
        %dma_start3A_176 = arith.constant 0 : i32
        %dma_start3A_177 = arith.constant 0 : i32
        %dma_start3A_178 = tpu.memref_slice %arg24[%dma_start3A_176, %dma_start3A_177] : memref<10240x128xf32, #tpu.memory_space<vmem_shared>> -> memref<10240x128xf32, #tpu.memory_space<vmem_shared>>
        tpu.enqueue_indirect_dma source(%arg23 : memref<128x128xf32, #tpu.memory_space<vmem>>) target(%dma_start3A_178 : memref<10240x128xf32, #tpu.memory_space<vmem_shared>>) offsets(%arg21 : memref<128xi32, #tpu.memory_space<vmem>>) semaphore(%run_scoped3A : memref<!tpu.dma_semaphore, #tpu.memory_space<semaphore_mem>>) {add = true}
        %dma_wait3A_179 = arith.constant 0 : i32
        %dma_wait3A_180 = arith.constant 0 : i32
        %dma_wait3A_181 = tpu.memref_slice %arg24[%dma_wait3A_179, %dma_wait3A_180] : memref<10240x128xf32, #tpu.memory_space<vmem_shared>> -> memref<10240x128xf32, #tpu.memory_space<vmem_shared>>
        tpu.wait_indirect_dma semaphore(%run_scoped3A : memref<!tpu.dma_semaphore, #tpu.memory_space<semaphore_mem>>) src(%arg23 : memref<128x128xf32, #tpu.memory_space<vmem>>) dst(%dma_wait3A_181 : memref<10240x128xf32, #tpu.memory_space<vmem_shared>>)
        tpu.yield
      }) : () -> ()
      %dma_wait3A_166 = tpu.memref_slice %arg3[%add3A_90] : memref<327680xi32, #tpu.memory_space<hbm>> -> memref<128xi32, #tpu.memory_space<hbm>>
      %dma_wait3A_167 = tpu.memref_slice %arg3[%add3A_90] : memref<327680xi32, #tpu.memory_space<hbm>> -> memref<128xi32, #tpu.memory_space<hbm>>
      tpu.wait_dma2 semaphore(%arg32 : memref<!tpu.dma_semaphore, #tpu.memory_space<semaphore_mem>>) src(%dma_wait3A_167 : memref<128xi32, #tpu.memory_space<hbm>>) dst(%arg14 : memref<128xi32, #tpu.memory_space<vmem>>)
      %dma_wait3A_168 = tpu.memref_slice %arg4[%add3A_94] : memref<327680xi32, #tpu.memory_space<hbm>> -> memref<128xi32, #tpu.memory_space<hbm>>
      %dma_wait3A_169 = tpu.memref_slice %arg4[%add3A_94] : memref<327680xi32, #tpu.memory_space<hbm>> -> memref<128xi32, #tpu.memory_space<hbm>>
      tpu.wait_dma2 semaphore(%arg32 : memref<!tpu.dma_semaphore, #tpu.memory_space<semaphore_mem>>) src(%dma_wait3A_169 : memref<128xi32, #tpu.memory_space<hbm>>) dst(%arg22 : memref<128xi32, #tpu.memory_space<vmem>>)
      %dma_start3A_170 = arith.constant 0 : i32
      %dma_start3A_171 = arith.constant 0 : i32
      %dma_start3A_172 = tpu.memref_slice %arg2[%dma_start3A_170, %dma_start3A_171] : memref<10240x128xf32, #tpu.memory_space<hbm>> -> memref<10240x128xf32, #tpu.memory_space<hbm>>
      tpu.enqueue_indirect_dma source(%dma_start3A_172 : memref<10240x128xf32, #tpu.memory_space<hbm>>) target(%arg23 : memref<128x128xf32, #tpu.memory_space<vmem>>) offsets(%arg14 : memref<128xi32, #tpu.memory_space<vmem>>) semaphore(%arg33 : memref<!tpu.dma_semaphore, #tpu.memory_space<semaphore_mem>>)
      %dma_wait3A_173 = arith.constant 0 : i32
      %dma_wait3A_174 = arith.constant 0 : i32
      %dma_wait3A_175 = tpu.memref_slice %arg2[%dma_wait3A_173, %dma_wait3A_174] : memref<10240x128xf32, #tpu.memory_space<hbm>> -> memref<10240x128xf32, #tpu.memory_space<hbm>>
      tpu.wait_indirect_dma semaphore(%arg33 : memref<!tpu.dma_semaphore, #tpu.memory_space<semaphore_mem>>) src(%dma_wait3A_175 : memref<10240x128xf32, #tpu.memory_space<hbm>>) dst(%arg23 : memref<128x128xf32, #tpu.memory_space<vmem>>)
      "tpu.region"() ({
        %run_scoped3A = tpu.sem_alloc : memref<!tpu.dma_semaphore, #tpu.memory_space<semaphore_mem>>
        %dma_start3A_176 = arith.constant 0 : i32
        %dma_start3A_177 = arith.constant 0 : i32
        %dma_start3A_178 = tpu.memref_slice %arg24[%dma_start3A_176, %dma_start3A_177] : memref<10240x128xf32, #tpu.memory_space<vmem_shared>> -> memref<10240x128xf32, #tpu.memory_space<vmem_shared>>
        tpu.enqueue_indirect_dma source(%arg23 : memref<128x128xf32, #tpu.memory_space<vmem>>) target(%dma_start3A_178 : memref<10240x128xf32, #tpu.memory_space<vmem_shared>>) offsets(%arg22 : memref<128xi32, #tpu.memory_space<vmem>>) semaphore(%run_scoped3A : memref<!tpu.dma_semaphore, #tpu.memory_space<semaphore_mem>>) {add = true}
        %dma_wait3A_179 = arith.constant 0 : i32
        %dma_wait3A_180 = arith.constant 0 : i32
        %dma_wait3A_181 = tpu.memref_slice %arg24[%dma_wait3A_179, %dma_wait3A_180] : memref<10240x128xf32, #tpu.memory_space<vmem_shared>> -> memref<10240x128xf32, #tpu.memory_space<vmem_shared>>
        tpu.wait_indirect_dma semaphore(%run_scoped3A : memref<!tpu.dma_semaphore, #tpu.memory_space<semaphore_mem>>) src(%arg23 : memref<128x128xf32, #tpu.memory_space<vmem>>) dst(%dma_wait3A_181 : memref<10240x128xf32, #tpu.memory_space<vmem_shared>>)
        tpu.yield
      }) : () -> ()
    }
    %while3A_21 = arith.constant 1 : i32
    scf.for %while3A_30 = %while3A_19 to %while3A_15 step %while3A_21  : i32 {
      %mul3A_31 = arith.constant 1024 : i32
      %mul3A_32 = arith.muli %while3A_30, %mul3A_31 : i32
      %add3A_33 = arith.addi %select_n3A, %mul3A_32 : i32
      %add3A_34 = arith.constant 0 : i32
      %add3A_35 = arith.addi %add3A_33, %add3A_34 : i32
      %dma_start3A = tpu.memref_slice %arg3[%add3A_35] : memref<327680xi32, #tpu.memory_space<hbm>> -> memref<128xi32, #tpu.memory_space<hbm>>
      %dma_start3A_36 = tpu.memref_slice %arg3[%add3A_35] : memref<327680xi32, #tpu.memory_space<hbm>> -> memref<128xi32, #tpu.memory_space<hbm>>
      tpu.enqueue_dma source(%dma_start3A_36 : memref<128xi32, #tpu.memory_space<hbm>>) target(%arg7 : memref<128xi32, #tpu.memory_space<vmem>>) target_semaphore(%arg25 : memref<!tpu.dma_semaphore, #tpu.memory_space<semaphore_mem>>)
      %add3A_37 = arith.constant 0 : i32
      %add3A_38 = arith.addi %add3A_33, %add3A_37 : i32
      %dma_start3A_39 = tpu.memref_slice %arg4[%add3A_38] : memref<327680xi32, #tpu.memory_space<hbm>> -> memref<128xi32, #tpu.memory_space<hbm>>
      %dma_start3A_40 = tpu.memref_slice %arg4[%add3A_38] : memref<327680xi32, #tpu.memory_space<hbm>> -> memref<128xi32, #tpu.memory_space<hbm>>
      tpu.enqueue_dma source(%dma_start3A_40 : memref<128xi32, #tpu.memory_space<hbm>>) target(%arg15 : memref<128xi32, #tpu.memory_space<vmem>>) target_semaphore(%arg25 : memref<!tpu.dma_semaphore, #tpu.memory_space<semaphore_mem>>)
      %add3A_41 = arith.constant 128 : i32
      %add3A_42 = arith.addi %add3A_33, %add3A_41 : i32
      %dma_start3A_43 = tpu.memref_slice %arg3[%add3A_42] : memref<327680xi32, #tpu.memory_space<hbm>> -> memref<128xi32, #tpu.memory_space<hbm>>
      %dma_start3A_44 = tpu.memref_slice %arg3[%add3A_42] : memref<327680xi32, #tpu.memory_space<hbm>> -> memref<128xi32, #tpu.memory_space<hbm>>
      tpu.enqueue_dma source(%dma_start3A_44 : memref<128xi32, #tpu.memory_space<hbm>>) target(%arg8 : memref<128xi32, #tpu.memory_space<vmem>>) target_semaphore(%arg26 : memref<!tpu.dma_semaphore, #tpu.memory_space<semaphore_mem>>)
      %add3A_45 = arith.constant 128 : i32
      %add3A_46 = arith.addi %add3A_33, %add3A_45 : i32
      %dma_start3A_47 = tpu.memref_slice %arg4[%add3A_46] : memref<327680xi32, #tpu.memory_space<hbm>> -> memref<128xi32, #tpu.memory_space<hbm>>
      %dma_start3A_48 = tpu.memref_slice %arg4[%add3A_46] : memref<327680xi32, #tpu.memory_space<hbm>> -> memref<128xi32, #tpu.memory_space<hbm>>
      tpu.enqueue_dma source(%dma_start3A_48 : memref<128xi32, #tpu.memory_space<hbm>>) target(%arg16 : memref<128xi32, #tpu.memory_space<vmem>>) target_semaphore(%arg26 : memref<!tpu.dma_semaphore, #tpu.memory_space<semaphore_mem>>)
      %add3A_49 = arith.constant 256 : i32
      %add3A_50 = arith.addi %add3A_33, %add3A_49 : i32
      %dma_start3A_51 = tpu.memref_slice %arg3[%add3A_50] : memref<327680xi32, #tpu.memory_space<hbm>> -> memref<128xi32, #tpu.memory_space<hbm>>
      %dma_start3A_52 = tpu.memref_slice %arg3[%add3A_50] : memref<327680xi32, #tpu.memory_space<hbm>> -> memref<128xi32, #tpu.memory_space<hbm>>
      tpu.enqueue_dma source(%dma_start3A_52 : memref<128xi32, #tpu.memory_space<hbm>>) target(%arg9 : memref<128xi32, #tpu.memory_space<vmem>>) target_semaphore(%arg27 : memref<!tpu.dma_semaphore, #tpu.memory_space<semaphore_mem>>)
      %add3A_53 = arith.constant 256 : i32
      %add3A_54 = arith.addi %add3A_33, %add3A_53 : i32
      %dma_start3A_55 = tpu.memref_slice %arg4[%add3A_54] : memref<327680xi32, #tpu.memory_space<hbm>> -> memref<128xi32, #tpu.memory_space<hbm>>
      %dma_start3A_56 = tpu.memref_slice %arg4[%add3A_54] : memref<327680xi32, #tpu.memory_space<hbm>> -> memref<128xi32, #tpu.memory_space<hbm>>
      tpu.enqueue_dma source(%dma_start3A_56 : memref<128xi32, #tpu.memory_space<hbm>>) target(%arg17 : memref<128xi32, #tpu.memory_space<vmem>>) target_semaphore(%arg27 : memref<!tpu.dma_semaphore, #tpu.memory_space<semaphore_mem>>)
      %add3A_57 = arith.constant 384 : i32
      %add3A_58 = arith.addi %add3A_33, %add3A_57 : i32
      %dma_start3A_59 = tpu.memref_slice %arg3[%add3A_58] : memref<327680xi32, #tpu.memory_space<hbm>> -> memref<128xi32, #tpu.memory_space<hbm>>
      %dma_start3A_60 = tpu.memref_slice %arg3[%add3A_58] : memref<327680xi32, #tpu.memory_space<hbm>> -> memref<128xi32, #tpu.memory_space<hbm>>
      tpu.enqueue_dma source(%dma_start3A_60 : memref<128xi32, #tpu.memory_space<hbm>>) target(%arg10 : memref<128xi32, #tpu.memory_space<vmem>>) target_semaphore(%arg28 : memref<!tpu.dma_semaphore, #tpu.memory_space<semaphore_mem>>)
      %add3A_61 = arith.constant 384 : i32
      %add3A_62 = arith.addi %add3A_33, %add3A_61 : i32
      %dma_start3A_63 = tpu.memref_slice %arg4[%add3A_62] : memref<327680xi32, #tpu.memory_space<hbm>> -> memref<128xi32, #tpu.memory_space<hbm>>
      %dma_start3A_64 = tpu.memref_slice %arg4[%add3A_62] : memref<327680xi32, #tpu.memory_space<hbm>> -> memref<128xi32, #tpu.memory_space<hbm>>
      tpu.enqueue_dma source(%dma_start3A_64 : memref<128xi32, #tpu.memory_space<hbm>>) target(%arg18 : memref<128xi32, #tpu.memory_space<vmem>>) target_semaphore(%arg28 : memref<!tpu.dma_semaphore, #tpu.memory_space<semaphore_mem>>)
      %add3A_65 = arith.constant 512 : i32
      %add3A_66 = arith.addi %add3A_33, %add3A_65 : i32
      %dma_start3A_67 = tpu.memref_slice %arg3[%add3A_66] : memref<327680xi32, #tpu.memory_space<hbm>> -> memref<128xi32, #tpu.memory_space<hbm>>
      %dma_start3A_68 = tpu.memref_slice %arg3[%add3A_66] : memref<327680xi32, #tpu.memory_space<hbm>> -> memref<128xi32, #tpu.memory_space<hbm>>
      tpu.enqueue_dma source(%dma_start3A_68 : memref<128xi32, #tpu.memory_space<hbm>>) target(%arg11 : memref<128xi32, #tpu.memory_space<vmem>>) target_semaphore(%arg29 : memref<!tpu.dma_semaphore, #tpu.memory_space<semaphore_mem>>)
      %add3A_69 = arith.constant 512 : i32
      %add3A_70 = arith.addi %add3A_33, %add3A_69 : i32
      %dma_start3A_71 = tpu.memref_slice %arg4[%add3A_70] : memref<327680xi32, #tpu.memory_space<hbm>> -> memref<128xi32, #tpu.memory_space<hbm>>
      %dma_start3A_72 = tpu.memref_slice %arg4[%add3A_70] : memref<327680xi32, #tpu.memory_space<hbm>> -> memref<128xi32, #tpu.memory_space<hbm>>
      tpu.enqueue_dma source(%dma_start3A_72 : memref<128xi32, #tpu.memory_space<hbm>>) target(%arg19 : memref<128xi32, #tpu.memory_space<vmem>>) target_semaphore(%arg29 : memref<!tpu.dma_semaphore, #tpu.memory_space<semaphore_mem>>)
      %add3A_73 = arith.constant 640 : i32
      %add3A_74 = arith.addi %add3A_33, %add3A_73 : i32
      %dma_start3A_75 = tpu.memref_slice %arg3[%add3A_74] : memref<327680xi32, #tpu.memory_space<hbm>> -> memref<128xi32, #tpu.memory_space<hbm>>
      %dma_start3A_76 = tpu.memref_slice %arg3[%add3A_74] : memref<327680xi32, #tpu.memory_space<hbm>> -> memref<128xi32, #tpu.memory_space<hbm>>
      tpu.enqueue_dma source(%dma_start3A_76 : memref<128xi32, #tpu.memory_space<hbm>>) target(%arg12 : memref<128xi32, #tpu.memory_space<vmem>>) target_semaphore(%arg30 : memref<!tpu.dma_semaphore, #tpu.memory_space<semaphore_mem>>)
      %add3A_77 = arith.constant 640 : i32
      %add3A_78 = arith.addi %add3A_33, %add3A_77 : i32
      %dma_start3A_79 = tpu.memref_slice %arg4[%add3A_78] : memref<327680xi32, #tpu.memory_space<hbm>> -> memref<128xi32, #tpu.memory_space<hbm>>
      %dma_start3A_80 = tpu.memref_slice %arg4[%add3A_78] : memref<327680xi32, #tpu.memory_space<hbm>> -> memref<128xi32, #tpu.memory_space<hbm>>
      tpu.enqueue_dma source(%dma_start3A_80 : memref<128xi32, #tpu.memory_space<hbm>>) target(%arg20 : memref<128xi32, #tpu.memory_space<vmem>>) target_semaphore(%arg30 : memref<!tpu.dma_semaphore, #tpu.memory_space<semaphore_mem>>)
      %add3A_81 = arith.constant 768 : i32
      %add3A_82 = arith.addi %add3A_33, %add3A_81 : i32
      %dma_start3A_83 = tpu.memref_slice %arg3[%add3A_82] : memref<327680xi32, #tpu.memory_space<hbm>> -> memref<128xi32, #tpu.memory_space<hbm>>
      %dma_start3A_84 = tpu.memref_slice %arg3[%add3A_82] : memref<327680xi32, #tpu.memory_space<hbm>> -> memref<128xi32, #tpu.memory_space<hbm>>
      tpu.enqueue_dma source(%dma_start3A_84 : memref<128xi32, #tpu.memory_space<hbm>>) target(%arg13 : memref<128xi32, #tpu.memory_space<vmem>>) target_semaphore(%arg31 : memref<!tpu.dma_semaphore, #tpu.memory_space<semaphore_mem>>)
      %add3A_85 = arith.constant 768 : i32
      %add3A_86 = arith.addi %add3A_33, %add3A_85 : i32
      %dma_start3A_87 = tpu.memref_slice %arg4[%add3A_86] : memref<327680xi32, #tpu.memory_space<hbm>> -> memref<128xi32, #tpu.memory_space<hbm>>
      %dma_start3A_88 = tpu.memref_slice %arg4[%add3A_86] : memref<327680xi32, #tpu.memory_space<hbm>> -> memref<128xi32, #tpu.memory_space<hbm>>
      tpu.enqueue_dma source(%dma_start3A_88 : memref<128xi32, #tpu.memory_space<hbm>>) target(%arg21 : memref<128xi32, #tpu.memory_space<vmem>>) target_semaphore(%arg31 : memref<!tpu.dma_semaphore, #tpu.memory_space<semaphore_mem>>)
      %add3A_89 = arith.constant 896 : i32
      %add3A_90 = arith.addi %add3A_33, %add3A_89 : i32
      %dma_start3A_91 = tpu.memref_slice %arg3[%add3A_90] : memref<327680xi32, #tpu.memory_space<hbm>> -> memref<128xi32, #tpu.memory_space<hbm>>
      %dma_start3A_92 = tpu.memref_slice %arg3[%add3A_90] : memref<327680xi32, #tpu.memory_space<hbm>> -> memref<128xi32, #tpu.memory_space<hbm>>
      tpu.enqueue_dma source(%dma_start3A_92 : memref<128xi32, #tpu.memory_space<hbm>>) target(%arg14 : memref<128xi32, #tpu.memory_space<vmem>>) target_semaphore(%arg32 : memref<!tpu.dma_semaphore, #tpu.memory_space<semaphore_mem>>)
      %add3A_93 = arith.constant 896 : i32
      %add3A_94 = arith.addi %add3A_33, %add3A_93 : i32
      %dma_start3A_95 = tpu.memref_slice %arg4[%add3A_94] : memref<327680xi32, #tpu.memory_space<hbm>> -> memref<128xi32, #tpu.memory_space<hbm>>
      %dma_start3A_96 = tpu.memref_slice %arg4[%add3A_94] : memref<327680xi32, #tpu.memory_space<hbm>> -> memref<128xi32, #tpu.memory_space<hbm>>
      tpu.enqueue_dma source(%dma_start3A_96 : memref<128xi32, #tpu.memory_space<hbm>>) target(%arg22 : memref<128xi32, #tpu.memory_space<vmem>>) target_semaphore(%arg32 : memref<!tpu.dma_semaphore, #tpu.memory_space<semaphore_mem>>)
      %dma_wait3A = tpu.memref_slice %arg3[%add3A_35] : memref<327680xi32, #tpu.memory_space<hbm>> -> memref<128xi32, #tpu.memory_space<hbm>>
      %dma_wait3A_97 = tpu.memref_slice %arg3[%add3A_35] : memref<327680xi32, #tpu.memory_space<hbm>> -> memref<128xi32, #tpu.memory_space<hbm>>
      tpu.wait_dma2 semaphore(%arg25 : memref<!tpu.dma_semaphore, #tpu.memory_space<semaphore_mem>>) src(%dma_wait3A_97 : memref<128xi32, #tpu.memory_space<hbm>>) dst(%arg7 : memref<128xi32, #tpu.memory_space<vmem>>)
      %dma_wait3A_98 = tpu.memref_slice %arg4[%add3A_38] : memref<327680xi32, #tpu.memory_space<hbm>> -> memref<128xi32, #tpu.memory_space<hbm>>
      %dma_wait3A_99 = tpu.memref_slice %arg4[%add3A_38] : memref<327680xi32, #tpu.memory_space<hbm>> -> memref<128xi32, #tpu.memory_space<hbm>>
      tpu.wait_dma2 semaphore(%arg25 : memref<!tpu.dma_semaphore, #tpu.memory_space<semaphore_mem>>) src(%dma_wait3A_99 : memref<128xi32, #tpu.memory_space<hbm>>) dst(%arg15 : memref<128xi32, #tpu.memory_space<vmem>>)
      %dma_start3A_100 = arith.constant 0 : i32
      %dma_start3A_101 = arith.constant 0 : i32
      %dma_start3A_102 = tpu.memref_slice %arg2[%dma_start3A_100, %dma_start3A_101] : memref<10240x128xf32, #tpu.memory_space<hbm>> -> memref<10240x128xf32, #tpu.memory_space<hbm>>
      tpu.enqueue_indirect_dma source(%dma_start3A_102 : memref<10240x128xf32, #tpu.memory_space<hbm>>) target(%arg23 : memref<128x128xf32, #tpu.memory_space<vmem>>) offsets(%arg7 : memref<128xi32, #tpu.memory_space<vmem>>) semaphore(%arg33 : memref<!tpu.dma_semaphore, #tpu.memory_space<semaphore_mem>>)
      %dma_wait3A_103 = arith.constant 0 : i32
      %dma_wait3A_104 = arith.constant 0 : i32
      %dma_wait3A_105 = tpu.memref_slice %arg2[%dma_wait3A_103, %dma_wait3A_104] : memref<10240x128xf32, #tpu.memory_space<hbm>> -> memref<10240x128xf32, #tpu.memory_space<hbm>>
      tpu.wait_indirect_dma semaphore(%arg33 : memref<!tpu.dma_semaphore, #tpu.memory_space<semaphore_mem>>) src(%dma_wait3A_105 : memref<10240x128xf32, #tpu.memory_space<hbm>>) dst(%arg23 : memref<128x128xf32, #tpu.memory_space<vmem>>)
      "tpu.region"() ({
        %run_scoped3A = tpu.sem_alloc : memref<!tpu.dma_semaphore, #tpu.memory_space<semaphore_mem>>
        %dma_start3A_176 = arith.constant 0 : i32
        %dma_start3A_177 = arith.constant 0 : i32
        %dma_start3A_178 = tpu.memref_slice %arg24[%dma_start3A_176, %dma_start3A_177] : memref<10240x128xf32, #tpu.memory_space<vmem_shared>> -> memref<10240x128xf32, #tpu.memory_space<vmem_shared>>
        tpu.enqueue_indirect_dma source(%arg23 : memref<128x128xf32, #tpu.memory_space<vmem>>) target(%dma_start3A_178 : memref<10240x128xf32, #tpu.memory_space<vmem_shared>>) offsets(%arg15 : memref<128xi32, #tpu.memory_space<vmem>>) semaphore(%run_scoped3A : memref<!tpu.dma_semaphore, #tpu.memory_space<semaphore_mem>>) {add = true}
        %dma_wait3A_179 = arith.constant 0 : i32
        %dma_wait3A_180 = arith.constant 0 : i32
        %dma_wait3A_181 = tpu.memref_slice %arg24[%dma_wait3A_179, %dma_wait3A_180] : memref<10240x128xf32, #tpu.memory_space<vmem_shared>> -> memref<10240x128xf32, #tpu.memory_space<vmem_shared>>
        tpu.wait_indirect_dma semaphore(%run_scoped3A : memref<!tpu.dma_semaphore, #tpu.memory_space<semaphore_mem>>) src(%arg23 : memref<128x128xf32, #tpu.memory_space<vmem>>) dst(%dma_wait3A_181 : memref<10240x128xf32, #tpu.memory_space<vmem_shared>>)
        tpu.yield
      }) : () -> ()
      %dma_wait3A_106 = tpu.memref_slice %arg3[%add3A_42] : memref<327680xi32, #tpu.memory_space<hbm>> -> memref<128xi32, #tpu.memory_space<hbm>>
      %dma_wait3A_107 = tpu.memref_slice %arg3[%add3A_42] : memref<327680xi32, #tpu.memory_space<hbm>> -> memref<128xi32, #tpu.memory_space<hbm>>
      tpu.wait_dma2 semaphore(%arg26 : memref<!tpu.dma_semaphore, #tpu.memory_space<semaphore_mem>>) src(%dma_wait3A_107 : memref<128xi32, #tpu.memory_space<hbm>>) dst(%arg8 : memref<128xi32, #tpu.memory_space<vmem>>)
      %dma_wait3A_108 = tpu.memref_slice %arg4[%add3A_46] : memref<327680xi32, #tpu.memory_space<hbm>> -> memref<128xi32, #tpu.memory_space<hbm>>
      %dma_wait3A_109 = tpu.memref_slice %arg4[%add3A_46] : memref<327680xi32, #tpu.memory_space<hbm>> -> memref<128xi32, #tpu.memory_space<hbm>>
      tpu.wait_dma2 semaphore(%arg26 : memref<!tpu.dma_semaphore, #tpu.memory_space<semaphore_mem>>) src(%dma_wait3A_109 : memref<128xi32, #tpu.memory_space<hbm>>) dst(%arg16 : memref<128xi32, #tpu.memory_space<vmem>>)
      %dma_start3A_110 = arith.constant 0 : i32
      %dma_start3A_111 = arith.constant 0 : i32
      %dma_start3A_112 = tpu.memref_slice %arg2[%dma_start3A_110, %dma_start3A_111] : memref<10240x128xf32, #tpu.memory_space<hbm>> -> memref<10240x128xf32, #tpu.memory_space<hbm>>
      tpu.enqueue_indirect_dma source(%dma_start3A_112 : memref<10240x128xf32, #tpu.memory_space<hbm>>) target(%arg23 : memref<128x128xf32, #tpu.memory_space<vmem>>) offsets(%arg8 : memref<128xi32, #tpu.memory_space<vmem>>) semaphore(%arg33 : memref<!tpu.dma_semaphore, #tpu.memory_space<semaphore_mem>>)
      %dma_wait3A_113 = arith.constant 0 : i32
      %dma_wait3A_114 = arith.constant 0 : i32
      %dma_wait3A_115 = tpu.memref_slice %arg2[%dma_wait3A_113, %dma_wait3A_114] : memref<10240x128xf32, #tpu.memory_space<hbm>> -> memref<10240x128xf32, #tpu.memory_space<hbm>>
      tpu.wait_indirect_dma semaphore(%arg33 : memref<!tpu.dma_semaphore, #tpu.memory_space<semaphore_mem>>) src(%dma_wait3A_115 : memref<10240x128xf32, #tpu.memory_space<hbm>>) dst(%arg23 : memref<128x128xf32, #tpu.memory_space<vmem>>)
      "tpu.region"() ({
        %run_scoped3A = tpu.sem_alloc : memref<!tpu.dma_semaphore, #tpu.memory_space<semaphore_mem>>
        %dma_start3A_176 = arith.constant 0 : i32
        %dma_start3A_177 = arith.constant 0 : i32
        %dma_start3A_178 = tpu.memref_slice %arg24[%dma_start3A_176, %dma_start3A_177] : memref<10240x128xf32, #tpu.memory_space<vmem_shared>> -> memref<10240x128xf32, #tpu.memory_space<vmem_shared>>
        tpu.enqueue_indirect_dma source(%arg23 : memref<128x128xf32, #tpu.memory_space<vmem>>) target(%dma_start3A_178 : memref<10240x128xf32, #tpu.memory_space<vmem_shared>>) offsets(%arg16 : memref<128xi32, #tpu.memory_space<vmem>>) semaphore(%run_scoped3A : memref<!tpu.dma_semaphore, #tpu.memory_space<semaphore_mem>>) {add = true}
        %dma_wait3A_179 = arith.constant 0 : i32
        %dma_wait3A_180 = arith.constant 0 : i32
        %dma_wait3A_181 = tpu.memref_slice %arg24[%dma_wait3A_179, %dma_wait3A_180] : memref<10240x128xf32, #tpu.memory_space<vmem_shared>> -> memref<10240x128xf32, #tpu.memory_space<vmem_shared>>
        tpu.wait_indirect_dma semaphore(%run_scoped3A : memref<!tpu.dma_semaphore, #tpu.memory_space<semaphore_mem>>) src(%arg23 : memref<128x128xf32, #tpu.memory_space<vmem>>) dst(%dma_wait3A_181 : memref<10240x128xf32, #tpu.memory_space<vmem_shared>>)
        tpu.yield
      }) : () -> ()
      %dma_wait3A_116 = tpu.memref_slice %arg3[%add3A_50] : memref<327680xi32, #tpu.memory_space<hbm>> -> memref<128xi32, #tpu.memory_space<hbm>>
      %dma_wait3A_117 = tpu.memref_slice %arg3[%add3A_50] : memref<327680xi32, #tpu.memory_space<hbm>> -> memref<128xi32, #tpu.memory_space<hbm>>
      tpu.wait_dma2 semaphore(%arg27 : memref<!tpu.dma_semaphore, #tpu.memory_space<semaphore_mem>>) src(%dma_wait3A_117 : memref<128xi32, #tpu.memory_space<hbm>>) dst(%arg9 : memref<128xi32, #tpu.memory_space<vmem>>)
      %dma_wait3A_118 = tpu.memref_slice %arg4[%add3A_54] : memref<327680xi32, #tpu.memory_space<hbm>> -> memref<128xi32, #tpu.memory_space<hbm>>
      %dma_wait3A_119 = tpu.memref_slice %arg4[%add3A_54] : memref<327680xi32, #tpu.memory_space<hbm>> -> memref<128xi32, #tpu.memory_space<hbm>>
      tpu.wait_dma2 semaphore(%arg27 : memref<!tpu.dma_semaphore, #tpu.memory_space<semaphore_mem>>) src(%dma_wait3A_119 : memref<128xi32, #tpu.memory_space<hbm>>) dst(%arg17 : memref<128xi32, #tpu.memory_space<vmem>>)
      %dma_start3A_120 = arith.constant 0 : i32
      %dma_start3A_121 = arith.constant 0 : i32
      %dma_start3A_122 = tpu.memref_slice %arg2[%dma_start3A_120, %dma_start3A_121] : memref<10240x128xf32, #tpu.memory_space<hbm>> -> memref<10240x128xf32, #tpu.memory_space<hbm>>
      tpu.enqueue_indirect_dma source(%dma_start3A_122 : memref<10240x128xf32, #tpu.memory_space<hbm>>) target(%arg23 : memref<128x128xf32, #tpu.memory_space<vmem>>) offsets(%arg9 : memref<128xi32, #tpu.memory_space<vmem>>) semaphore(%arg33 : memref<!tpu.dma_semaphore, #tpu.memory_space<semaphore_mem>>)
      %dma_wait3A_123 = arith.constant 0 : i32
      %dma_wait3A_124 = arith.constant 0 : i32
      %dma_wait3A_125 = tpu.memref_slice %arg2[%dma_wait3A_123, %dma_wait3A_124] : memref<10240x128xf32, #tpu.memory_space<hbm>> -> memref<10240x128xf32, #tpu.memory_space<hbm>>
      tpu.wait_indirect_dma semaphore(%arg33 : memref<!tpu.dma_semaphore, #tpu.memory_space<semaphore_mem>>) src(%dma_wait3A_125 : memref<10240x128xf32, #tpu.memory_space<hbm>>) dst(%arg23 : memref<128x128xf32, #tpu.memory_space<vmem>>)
      "tpu.region"() ({
        %run_scoped3A = tpu.sem_alloc : memref<!tpu.dma_semaphore, #tpu.memory_space<semaphore_mem>>
        %dma_start3A_176 = arith.constant 0 : i32
        %dma_start3A_177 = arith.constant 0 : i32
        %dma_start3A_178 = tpu.memref_slice %arg24[%dma_start3A_176, %dma_start3A_177] : memref<10240x128xf32, #tpu.memory_space<vmem_shared>> -> memref<10240x128xf32, #tpu.memory_space<vmem_shared>>
        tpu.enqueue_indirect_dma source(%arg23 : memref<128x128xf32, #tpu.memory_space<vmem>>) target(%dma_start3A_178 : memref<10240x128xf32, #tpu.memory_space<vmem_shared>>) offsets(%arg17 : memref<128xi32, #tpu.memory_space<vmem>>) semaphore(%run_scoped3A : memref<!tpu.dma_semaphore, #tpu.memory_space<semaphore_mem>>) {add = true}
        %dma_wait3A_179 = arith.constant 0 : i32
        %dma_wait3A_180 = arith.constant 0 : i32
        %dma_wait3A_181 = tpu.memref_slice %arg24[%dma_wait3A_179, %dma_wait3A_180] : memref<10240x128xf32, #tpu.memory_space<vmem_shared>> -> memref<10240x128xf32, #tpu.memory_space<vmem_shared>>
        tpu.wait_indirect_dma semaphore(%run_scoped3A : memref<!tpu.dma_semaphore, #tpu.memory_space<semaphore_mem>>) src(%arg23 : memref<128x128xf32, #tpu.memory_space<vmem>>) dst(%dma_wait3A_181 : memref<10240x128xf32, #tpu.memory_space<vmem_shared>>)
        tpu.yield
      }) : () -> ()
      %dma_wait3A_126 = tpu.memref_slice %arg3[%add3A_58] : memref<327680xi32, #tpu.memory_space<hbm>> -> memref<128xi32, #tpu.memory_space<hbm>>
      %dma_wait3A_127 = tpu.memref_slice %arg3[%add3A_58] : memref<327680xi32, #tpu.memory_space<hbm>> -> memref<128xi32, #tpu.memory_space<hbm>>
      tpu.wait_dma2 semaphore(%arg28 : memref<!tpu.dma_semaphore, #tpu.memory_space<semaphore_mem>>) src(%dma_wait3A_127 : memref<128xi32, #tpu.memory_space<hbm>>) dst(%arg10 : memref<128xi32, #tpu.memory_space<vmem>>)
      %dma_wait3A_128 = tpu.memref_slice %arg4[%add3A_62] : memref<327680xi32, #tpu.memory_space<hbm>> -> memref<128xi32, #tpu.memory_space<hbm>>
      %dma_wait3A_129 = tpu.memref_slice %arg4[%add3A_62] : memref<327680xi32, #tpu.memory_space<hbm>> -> memref<128xi32, #tpu.memory_space<hbm>>
      tpu.wait_dma2 semaphore(%arg28 : memref<!tpu.dma_semaphore, #tpu.memory_space<semaphore_mem>>) src(%dma_wait3A_129 : memref<128xi32, #tpu.memory_space<hbm>>) dst(%arg18 : memref<128xi32, #tpu.memory_space<vmem>>)
      %dma_start3A_130 = arith.constant 0 : i32
      %dma_start3A_131 = arith.constant 0 : i32
      %dma_start3A_132 = tpu.memref_slice %arg2[%dma_start3A_130, %dma_start3A_131] : memref<10240x128xf32, #tpu.memory_space<hbm>> -> memref<10240x128xf32, #tpu.memory_space<hbm>>
      tpu.enqueue_indirect_dma source(%dma_start3A_132 : memref<10240x128xf32, #tpu.memory_space<hbm>>) target(%arg23 : memref<128x128xf32, #tpu.memory_space<vmem>>) offsets(%arg10 : memref<128xi32, #tpu.memory_space<vmem>>) semaphore(%arg33 : memref<!tpu.dma_semaphore, #tpu.memory_space<semaphore_mem>>)
      %dma_wait3A_133 = arith.constant 0 : i32
      %dma_wait3A_134 = arith.constant 0 : i32
      %dma_wait3A_135 = tpu.memref_slice %arg2[%dma_wait3A_133, %dma_wait3A_134] : memref<10240x128xf32, #tpu.memory_space<hbm>> -> memref<10240x128xf32, #tpu.memory_space<hbm>>
      tpu.wait_indirect_dma semaphore(%arg33 : memref<!tpu.dma_semaphore, #tpu.memory_space<semaphore_mem>>) src(%dma_wait3A_135 : memref<10240x128xf32, #tpu.memory_space<hbm>>) dst(%arg23 : memref<128x128xf32, #tpu.memory_space<vmem>>)
      "tpu.region"() ({
        %run_scoped3A = tpu.sem_alloc : memref<!tpu.dma_semaphore, #tpu.memory_space<semaphore_mem>>
        %dma_start3A_176 = arith.constant 0 : i32
        %dma_start3A_177 = arith.constant 0 : i32
        %dma_start3A_178 = tpu.memref_slice %arg24[%dma_start3A_176, %dma_start3A_177] : memref<10240x128xf32, #tpu.memory_space<vmem_shared>> -> memref<10240x128xf32, #tpu.memory_space<vmem_shared>>
        tpu.enqueue_indirect_dma source(%arg23 : memref<128x128xf32, #tpu.memory_space<vmem>>) target(%dma_start3A_178 : memref<10240x128xf32, #tpu.memory_space<vmem_shared>>) offsets(%arg18 : memref<128xi32, #tpu.memory_space<vmem>>) semaphore(%run_scoped3A : memref<!tpu.dma_semaphore, #tpu.memory_space<semaphore_mem>>) {add = true}
        %dma_wait3A_179 = arith.constant 0 : i32
        %dma_wait3A_180 = arith.constant 0 : i32
        %dma_wait3A_181 = tpu.memref_slice %arg24[%dma_wait3A_179, %dma_wait3A_180] : memref<10240x128xf32, #tpu.memory_space<vmem_shared>> -> memref<10240x128xf32, #tpu.memory_space<vmem_shared>>
        tpu.wait_indirect_dma semaphore(%run_scoped3A : memref<!tpu.dma_semaphore, #tpu.memory_space<semaphore_mem>>) src(%arg23 : memref<128x128xf32, #tpu.memory_space<vmem>>) dst(%dma_wait3A_181 : memref<10240x128xf32, #tpu.memory_space<vmem_shared>>)
        tpu.yield
      }) : () -> ()
      %dma_wait3A_136 = tpu.memref_slice %arg3[%add3A_66] : memref<327680xi32, #tpu.memory_space<hbm>> -> memref<128xi32, #tpu.memory_space<hbm>>
      %dma_wait3A_137 = tpu.memref_slice %arg3[%add3A_66] : memref<327680xi32, #tpu.memory_space<hbm>> -> memref<128xi32, #tpu.memory_space<hbm>>
      tpu.wait_dma2 semaphore(%arg29 : memref<!tpu.dma_semaphore, #tpu.memory_space<semaphore_mem>>) src(%dma_wait3A_137 : memref<128xi32, #tpu.memory_space<hbm>>) dst(%arg11 : memref<128xi32, #tpu.memory_space<vmem>>)
      %dma_wait3A_138 = tpu.memref_slice %arg4[%add3A_70] : memref<327680xi32, #tpu.memory_space<hbm>> -> memref<128xi32, #tpu.memory_space<hbm>>
      %dma_wait3A_139 = tpu.memref_slice %arg4[%add3A_70] : memref<327680xi32, #tpu.memory_space<hbm>> -> memref<128xi32, #tpu.memory_space<hbm>>
      tpu.wait_dma2 semaphore(%arg29 : memref<!tpu.dma_semaphore, #tpu.memory_space<semaphore_mem>>) src(%dma_wait3A_139 : memref<128xi32, #tpu.memory_space<hbm>>) dst(%arg19 : memref<128xi32, #tpu.memory_space<vmem>>)
      %dma_start3A_140 = arith.constant 0 : i32
      %dma_start3A_141 = arith.constant 0 : i32
      %dma_start3A_142 = tpu.memref_slice %arg2[%dma_start3A_140, %dma_start3A_141] : memref<10240x128xf32, #tpu.memory_space<hbm>> -> memref<10240x128xf32, #tpu.memory_space<hbm>>
      tpu.enqueue_indirect_dma source(%dma_start3A_142 : memref<10240x128xf32, #tpu.memory_space<hbm>>) target(%arg23 : memref<128x128xf32, #tpu.memory_space<vmem>>) offsets(%arg11 : memref<128xi32, #tpu.memory_space<vmem>>) semaphore(%arg33 : memref<!tpu.dma_semaphore, #tpu.memory_space<semaphore_mem>>)
      %dma_wait3A_143 = arith.constant 0 : i32
      %dma_wait3A_144 = arith.constant 0 : i32
      %dma_wait3A_145 = tpu.memref_slice %arg2[%dma_wait3A_143, %dma_wait3A_144] : memref<10240x128xf32, #tpu.memory_space<hbm>> -> memref<10240x128xf32, #tpu.memory_space<hbm>>
      tpu.wait_indirect_dma semaphore(%arg33 : memref<!tpu.dma_semaphore, #tpu.memory_space<semaphore_mem>>) src(%dma_wait3A_145 : memref<10240x128xf32, #tpu.memory_space<hbm>>) dst(%arg23 : memref<128x128xf32, #tpu.memory_space<vmem>>)
      "tpu.region"() ({
        %run_scoped3A = tpu.sem_alloc : memref<!tpu.dma_semaphore, #tpu.memory_space<semaphore_mem>>
        %dma_start3A_176 = arith.constant 0 : i32
        %dma_start3A_177 = arith.constant 0 : i32
        %dma_start3A_178 = tpu.memref_slice %arg24[%dma_start3A_176, %dma_start3A_177] : memref<10240x128xf32, #tpu.memory_space<vmem_shared>> -> memref<10240x128xf32, #tpu.memory_space<vmem_shared>>
        tpu.enqueue_indirect_dma source(%arg23 : memref<128x128xf32, #tpu.memory_space<vmem>>) target(%dma_start3A_178 : memref<10240x128xf32, #tpu.memory_space<vmem_shared>>) offsets(%arg19 : memref<128xi32, #tpu.memory_space<vmem>>) semaphore(%run_scoped3A : memref<!tpu.dma_semaphore, #tpu.memory_space<semaphore_mem>>) {add = true}
        %dma_wait3A_179 = arith.constant 0 : i32
        %dma_wait3A_180 = arith.constant 0 : i32
        %dma_wait3A_181 = tpu.memref_slice %arg24[%dma_wait3A_179, %dma_wait3A_180] : memref<10240x128xf32, #tpu.memory_space<vmem_shared>> -> memref<10240x128xf32, #tpu.memory_space<vmem_shared>>
        tpu.wait_indirect_dma semaphore(%run_scoped3A : memref<!tpu.dma_semaphore, #tpu.memory_space<semaphore_mem>>) src(%arg23 : memref<128x128xf32, #tpu.memory_space<vmem>>) dst(%dma_wait3A_181 : memref<10240x128xf32, #tpu.memory_space<vmem_shared>>)
        tpu.yield
      }) : () -> ()
      %dma_wait3A_146 = tpu.memref_slice %arg3[%add3A_74] : memref<327680xi32, #tpu.memory_space<hbm>> -> memref<128xi32, #tpu.memory_space<hbm>>
      %dma_wait3A_147 = tpu.memref_slice %arg3[%add3A_74] : memref<327680xi32, #tpu.memory_space<hbm>> -> memref<128xi32, #tpu.memory_space<hbm>>
      tpu.wait_dma2 semaphore(%arg30 : memref<!tpu.dma_semaphore, #tpu.memory_space<semaphore_mem>>) src(%dma_wait3A_147 : memref<128xi32, #tpu.memory_space<hbm>>) dst(%arg12 : memref<128xi32, #tpu.memory_space<vmem>>)
      %dma_wait3A_148 = tpu.memref_slice %arg4[%add3A_78] : memref<327680xi32, #tpu.memory_space<hbm>> -> memref<128xi32, #tpu.memory_space<hbm>>
      %dma_wait3A_149 = tpu.memref_slice %arg4[%add3A_78] : memref<327680xi32, #tpu.memory_space<hbm>> -> memref<128xi32, #tpu.memory_space<hbm>>
      tpu.wait_dma2 semaphore(%arg30 : memref<!tpu.dma_semaphore, #tpu.memory_space<semaphore_mem>>) src(%dma_wait3A_149 : memref<128xi32, #tpu.memory_space<hbm>>) dst(%arg20 : memref<128xi32, #tpu.memory_space<vmem>>)
      %dma_start3A_150 = arith.constant 0 : i32
      %dma_start3A_151 = arith.constant 0 : i32
      %dma_start3A_152 = tpu.memref_slice %arg2[%dma_start3A_150, %dma_start3A_151] : memref<10240x128xf32, #tpu.memory_space<hbm>> -> memref<10240x128xf32, #tpu.memory_space<hbm>>
      tpu.enqueue_indirect_dma source(%dma_start3A_152 : memref<10240x128xf32, #tpu.memory_space<hbm>>) target(%arg23 : memref<128x128xf32, #tpu.memory_space<vmem>>) offsets(%arg12 : memref<128xi32, #tpu.memory_space<vmem>>) semaphore(%arg33 : memref<!tpu.dma_semaphore, #tpu.memory_space<semaphore_mem>>)
      %dma_wait3A_153 = arith.constant 0 : i32
      %dma_wait3A_154 = arith.constant 0 : i32
      %dma_wait3A_155 = tpu.memref_slice %arg2[%dma_wait3A_153, %dma_wait3A_154] : memref<10240x128xf32, #tpu.memory_space<hbm>> -> memref<10240x128xf32, #tpu.memory_space<hbm>>
      tpu.wait_indirect_dma semaphore(%arg33 : memref<!tpu.dma_semaphore, #tpu.memory_space<semaphore_mem>>) src(%dma_wait3A_155 : memref<10240x128xf32, #tpu.memory_space<hbm>>) dst(%arg23 : memref<128x128xf32, #tpu.memory_space<vmem>>)
      "tpu.region"() ({
        %run_scoped3A = tpu.sem_alloc : memref<!tpu.dma_semaphore, #tpu.memory_space<semaphore_mem>>
        %dma_start3A_176 = arith.constant 0 : i32
        %dma_start3A_177 = arith.constant 0 : i32
        %dma_start3A_178 = tpu.memref_slice %arg24[%dma_start3A_176, %dma_start3A_177] : memref<10240x128xf32, #tpu.memory_space<vmem_shared>> -> memref<10240x128xf32, #tpu.memory_space<vmem_shared>>
        tpu.enqueue_indirect_dma source(%arg23 : memref<128x128xf32, #tpu.memory_space<vmem>>) target(%dma_start3A_178 : memref<10240x128xf32, #tpu.memory_space<vmem_shared>>) offsets(%arg20 : memref<128xi32, #tpu.memory_space<vmem>>) semaphore(%run_scoped3A : memref<!tpu.dma_semaphore, #tpu.memory_space<semaphore_mem>>) {add = true}
        %dma_wait3A_179 = arith.constant 0 : i32
        %dma_wait3A_180 = arith.constant 0 : i32
        %dma_wait3A_181 = tpu.memref_slice %arg24[%dma_wait3A_179, %dma_wait3A_180] : memref<10240x128xf32, #tpu.memory_space<vmem_shared>> -> memref<10240x128xf32, #tpu.memory_space<vmem_shared>>
        tpu.wait_indirect_dma semaphore(%run_scoped3A : memref<!tpu.dma_semaphore, #tpu.memory_space<semaphore_mem>>) src(%arg23 : memref<128x128xf32, #tpu.memory_space<vmem>>) dst(%dma_wait3A_181 : memref<10240x128xf32, #tpu.memory_space<vmem_shared>>)
        tpu.yield
      }) : () -> ()
      %dma_wait3A_156 = tpu.memref_slice %arg3[%add3A_82] : memref<327680xi32, #tpu.memory_space<hbm>> -> memref<128xi32, #tpu.memory_space<hbm>>
      %dma_wait3A_157 = tpu.memref_slice %arg3[%add3A_82] : memref<327680xi32, #tpu.memory_space<hbm>> -> memref<128xi32, #tpu.memory_space<hbm>>
      tpu.wait_dma2 semaphore(%arg31 : memref<!tpu.dma_semaphore, #tpu.memory_space<semaphore_mem>>) src(%dma_wait3A_157 : memref<128xi32, #tpu.memory_space<hbm>>) dst(%arg13 : memref<128xi32, #tpu.memory_space<vmem>>)
      %dma_wait3A_158 = tpu.memref_slice %arg4[%add3A_86] : memref<327680xi32, #tpu.memory_space<hbm>> -> memref<128xi32, #tpu.memory_space<hbm>>
      %dma_wait3A_159 = tpu.memref_slice %arg4[%add3A_86] : memref<327680xi32, #tpu.memory_space<hbm>> -> memref<128xi32, #tpu.memory_space<hbm>>
      tpu.wait_dma2 semaphore(%arg31 : memref<!tpu.dma_semaphore, #tpu.memory_space<semaphore_mem>>) src(%dma_wait3A_159 : memref<128xi32, #tpu.memory_space<hbm>>) dst(%arg21 : memref<128xi32, #tpu.memory_space<vmem>>)
      %dma_start3A_160 = arith.constant 0 : i32
      %dma_start3A_161 = arith.constant 0 : i32
      %dma_start3A_162 = tpu.memref_slice %arg2[%dma_start3A_160, %dma_start3A_161] : memref<10240x128xf32, #tpu.memory_space<hbm>> -> memref<10240x128xf32, #tpu.memory_space<hbm>>
      tpu.enqueue_indirect_dma source(%dma_start3A_162 : memref<10240x128xf32, #tpu.memory_space<hbm>>) target(%arg23 : memref<128x128xf32, #tpu.memory_space<vmem>>) offsets(%arg13 : memref<128xi32, #tpu.memory_space<vmem>>) semaphore(%arg33 : memref<!tpu.dma_semaphore, #tpu.memory_space<semaphore_mem>>)
      %dma_wait3A_163 = arith.constant 0 : i32
      %dma_wait3A_164 = arith.constant 0 : i32
      %dma_wait3A_165 = tpu.memref_slice %arg2[%dma_wait3A_163, %dma_wait3A_164] : memref<10240x128xf32, #tpu.memory_space<hbm>> -> memref<10240x128xf32, #tpu.memory_space<hbm>>
      tpu.wait_indirect_dma semaphore(%arg33 : memref<!tpu.dma_semaphore, #tpu.memory_space<semaphore_mem>>) src(%dma_wait3A_165 : memref<10240x128xf32, #tpu.memory_space<hbm>>) dst(%arg23 : memref<128x128xf32, #tpu.memory_space<vmem>>)
      "tpu.region"() ({
        %run_scoped3A = tpu.sem_alloc : memref<!tpu.dma_semaphore, #tpu.memory_space<semaphore_mem>>
        %dma_start3A_176 = arith.constant 0 : i32
        %dma_start3A_177 = arith.constant 0 : i32
        %dma_start3A_178 = tpu.memref_slice %arg24[%dma_start3A_176, %dma_start3A_177] : memref<10240x128xf32, #tpu.memory_space<vmem_shared>> -> memref<10240x128xf32, #tpu.memory_space<vmem_shared>>
        tpu.enqueue_indirect_dma source(%arg23 : memref<128x128xf32, #tpu.memory_space<vmem>>) target(%dma_start3A_178 : memref<10240x128xf32, #tpu.memory_space<vmem_shared>>) offsets(%arg21 : memref<128xi32, #tpu.memory_space<vmem>>) semaphore(%run_scoped3A : memref<!tpu.dma_semaphore, #tpu.memory_space<semaphore_mem>>) {add = true}
        %dma_wait3A_179 = arith.constant 0 : i32
        %dma_wait3A_180 = arith.constant 0 : i32
        %dma_wait3A_181 = tpu.memref_slice %arg24[%dma_wait3A_179, %dma_wait3A_180] : memref<10240x128xf32, #tpu.memory_space<vmem_shared>> -> memref<10240x128xf32, #tpu.memory_space<vmem_shared>>
        tpu.wait_indirect_dma semaphore(%run_scoped3A : memref<!tpu.dma_semaphore, #tpu.memory_space<semaphore_mem>>) src(%arg23 : memref<128x128xf32, #tpu.memory_space<vmem>>) dst(%dma_wait3A_181 : memref<10240x128xf32, #tpu.memory_space<vmem_shared>>)
        tpu.yield
      }) : () -> ()
      %dma_wait3A_166 = tpu.memref_slice %arg3[%add3A_90] : memref<327680xi32, #tpu.memory_space<hbm>> -> memref<128xi32, #tpu.memory_space<hbm>>
      %dma_wait3A_167 = tpu.memref_slice %arg3[%add3A_90] : memref<327680xi32, #tpu.memory_space<hbm>> -> memref<128xi32, #tpu.memory_space<hbm>>
      tpu.wait_dma2 semaphore(%arg32 : memref<!tpu.dma_semaphore, #tpu.memory_space<semaphore_mem>>) src(%dma_wait3A_167 : memref<128xi32, #tpu.memory_space<hbm>>) dst(%arg14 : memref<128xi32, #tpu.memory_space<vmem>>)
      %dma_wait3A_168 = tpu.memref_slice %arg4[%add3A_94] : memref<327680xi32, #tpu.memory_space<hbm>> -> memref<128xi32, #tpu.memory_space<hbm>>
      %dma_wait3A_169 = tpu.memref_slice %arg4[%add3A_94] : memref<327680xi32, #tpu.memory_space<hbm>> -> memref<128xi32, #tpu.memory_space<hbm>>
      tpu.wait_dma2 semaphore(%arg32 : memref<!tpu.dma_semaphore, #tpu.memory_space<semaphore_mem>>) src(%dma_wait3A_169 : memref<128xi32, #tpu.memory_space<hbm>>) dst(%arg22 : memref<128xi32, #tpu.memory_space<vmem>>)
      %dma_start3A_170 = arith.constant 0 : i32
      %dma_start3A_171 = arith.constant 0 : i32
      %dma_start3A_172 = tpu.memref_slice %arg2[%dma_start3A_170, %dma_start3A_171] : memref<10240x128xf32, #tpu.memory_space<hbm>> -> memref<10240x128xf32, #tpu.memory_space<hbm>>
      tpu.enqueue_indirect_dma source(%dma_start3A_172 : memref<10240x128xf32, #tpu.memory_space<hbm>>) target(%arg23 : memref<128x128xf32, #tpu.memory_space<vmem>>) offsets(%arg14 : memref<128xi32, #tpu.memory_space<vmem>>) semaphore(%arg33 : memref<!tpu.dma_semaphore, #tpu.memory_space<semaphore_mem>>)
      %dma_wait3A_173 = arith.constant 0 : i32
      %dma_wait3A_174 = arith.constant 0 : i32
      %dma_wait3A_175 = tpu.memref_slice %arg2[%dma_wait3A_173, %dma_wait3A_174] : memref<10240x128xf32, #tpu.memory_space<hbm>> -> memref<10240x128xf32, #tpu.memory_space<hbm>>
      tpu.wait_indirect_dma semaphore(%arg33 : memref<!tpu.dma_semaphore, #tpu.memory_space<semaphore_mem>>) src(%dma_wait3A_175 : memref<10240x128xf32, #tpu.memory_space<hbm>>) dst(%arg23 : memref<128x128xf32, #tpu.memory_space<vmem>>)
      "tpu.region"() ({
        %run_scoped3A = tpu.sem_alloc : memref<!tpu.dma_semaphore, #tpu.memory_space<semaphore_mem>>
        %dma_start3A_176 = arith.constant 0 : i32
        %dma_start3A_177 = arith.constant 0 : i32
        %dma_start3A_178 = tpu.memref_slice %arg24[%dma_start3A_176, %dma_start3A_177] : memref<10240x128xf32, #tpu.memory_space<vmem_shared>> -> memref<10240x128xf32, #tpu.memory_space<vmem_shared>>
        tpu.enqueue_indirect_dma source(%arg23 : memref<128x128xf32, #tpu.memory_space<vmem>>) target(%dma_start3A_178 : memref<10240x128xf32, #tpu.memory_space<vmem_shared>>) offsets(%arg22 : memref<128xi32, #tpu.memory_space<vmem>>) semaphore(%run_scoped3A : memref<!tpu.dma_semaphore, #tpu.memory_space<semaphore_mem>>) {add = true}
        %dma_wait3A_179 = arith.constant 0 : i32
        %dma_wait3A_180 = arith.constant 0 : i32
        %dma_wait3A_181 = tpu.memref_slice %arg24[%dma_wait3A_179, %dma_wait3A_180] : memref<10240x128xf32, #tpu.memory_space<vmem_shared>> -> memref<10240x128xf32, #tpu.memory_space<vmem_shared>>
        tpu.wait_indirect_dma semaphore(%run_scoped3A : memref<!tpu.dma_semaphore, #tpu.memory_space<semaphore_mem>>) src(%arg23 : memref<128x128xf32, #tpu.memory_space<vmem>>) dst(%dma_wait3A_181 : memref<10240x128xf32, #tpu.memory_space<vmem_shared>>)
        tpu.yield
      }) : () -> ()
    }
    %barrier3A_22 = arith.constant 0 : index
    tpu.barrier barrier_id(%barrier3A_22)
    %mul3A_23 = arith.constant 640 : i32
    %mul3A_24 = arith.muli %arg1, %mul3A_23 : i32
    %mul3A_25 = arith.constant 10240 : i32
    %mul3A_26 = arith.muli %arg0, %mul3A_25 : i32
    %mul3A_27 = arith.constant 640 : i32
    %mul3A_28 = arith.muli %arg1, %mul3A_27 : i32
    %add3A_29 = arith.addi %mul3A_26, %mul3A_28 : i32
    "tpu.region"() ({
      %run_scoped3A = tpu.sem_alloc : memref<!tpu.dma_semaphore, #tpu.memory_space<semaphore_mem>>
      %dma_start3A = arith.constant 0 : i32
      %dma_start3A_30 = tpu.memref_slice %arg6[%add3A_29, %dma_start3A] : memref<20480x128xf32, #tpu.memory_space<hbm>> -> memref<640x128xf32, #tpu.memory_space<hbm>>
      %dma_start3A_31 = arith.constant 0 : i32
      %dma_start3A_32 = tpu.memref_slice %arg24[%mul3A_24, %dma_start3A_31] : memref<10240x128xf32, #tpu.memory_space<vmem_shared>> -> memref<640x128xf32, #tpu.memory_space<vmem_shared>>
      tpu.enqueue_dma source(%dma_start3A_32 : memref<640x128xf32, #tpu.memory_space<vmem_shared>>) target(%dma_start3A_30 : memref<640x128xf32, #tpu.memory_space<hbm>>) target_semaphore(%run_scoped3A : memref<!tpu.dma_semaphore, #tpu.memory_space<semaphore_mem>>)
      %dma_wait3A = arith.constant 0 : i32
      %dma_wait3A_33 = tpu.memref_slice %arg6[%add3A_29, %dma_wait3A] : memref<20480x128xf32, #tpu.memory_space<hbm>> -> memref<640x128xf32, #tpu.memory_space<hbm>>
      %dma_wait3A_34 = arith.constant 0 : i32
      %dma_wait3A_35 = tpu.memref_slice %arg24[%mul3A_24, %dma_wait3A_34] : memref<10240x128xf32, #tpu.memory_space<vmem_shared>> -> memref<640x128xf32, #tpu.memory_space<vmem_shared>>
      tpu.wait_dma2 semaphore(%run_scoped3A : memref<!tpu.dma_semaphore, #tpu.memory_space<semaphore_mem>>) src(%dma_wait3A_35 : memref<640x128xf32, #tpu.memory_space<vmem_shared>>) dst(%dma_wait3A_33 : memref<640x128xf32, #tpu.memory_space<hbm>>)
      tpu.yield
    }) : () -> ()
    return
  }
}

#map = affine_map<(d0, d1) -> (0, 0)>
#map1 = affine_map<(d0, d1) -> (0)>
module attributes {stable_mosaic.version = 14 : i64} {
  func.func @_agg_kernel(%arg0: i32, %arg1: i32, %arg2: memref<10240x128xf32, #tpu.memory_space<hbm>>, %arg3: memref<327680xi32, #tpu.memory_space<hbm>>, %arg4: memref<327680xi32, #tpu.memory_space<hbm>>, %arg5: memref<10240x128xf32, #tpu.memory_space<hbm>>, %arg6: memref<20480x128xf32, #tpu.memory_space<hbm>>, %arg7: memref<128xi32, #tpu.memory_space<vmem>>, %arg8: memref<128xi32, #tpu.memory_space<vmem>>, %arg9: memref<128xi32, #tpu.memory_space<vmem>>, %arg10: memref<128xi32, #tpu.memory_space<vmem>>, %arg11: memref<128xi32, #tpu.memory_space<vmem>>, %arg12: memref<128xi32, #tpu.memory_space<vmem>>, %arg13: memref<128xi32, #tpu.memory_space<vmem>>, %arg14: memref<128xi32, #tpu.memory_space<vmem>>, %arg15: memref<128xi32, #tpu.memory_space<vmem>>, %arg16: memref<128xi32, #tpu.memory_space<vmem>>, %arg17: memref<128xi32, #tpu.memory_space<vmem>>, %arg18: memref<128xi32, #tpu.memory_space<vmem>>, %arg19: memref<128xi32, #tpu.memory_space<vmem>>, %arg20: memref<128xi32, #tpu.memory_space<vmem>>, %arg21: memref<128xi32, #tpu.memory_space<vmem>>, %arg22: memref<128xi32, #tpu.memory_space<vmem>>, %arg23: memref<128x128xf32, #tpu.memory_space<vmem>>, %arg24: memref<10240x128xf32, #tpu.memory_space<vmem_shared>>, %arg25: memref<!tpu.dma_semaphore, #tpu.memory_space<semaphore_mem>>, %arg26: memref<!tpu.dma_semaphore, #tpu.memory_space<semaphore_mem>>, %arg27: memref<!tpu.dma_semaphore, #tpu.memory_space<semaphore_mem>>, %arg28: memref<!tpu.dma_semaphore, #tpu.memory_space<semaphore_mem>>, %arg29: memref<!tpu.dma_semaphore, #tpu.memory_space<semaphore_mem>>, %arg30: memref<!tpu.dma_semaphore, #tpu.memory_space<semaphore_mem>>, %arg31: memref<!tpu.dma_semaphore, #tpu.memory_space<semaphore_mem>>, %arg32: memref<!tpu.dma_semaphore, #tpu.memory_space<semaphore_mem>>, %arg33: memref<!tpu.dma_semaphore, #tpu.memory_space<semaphore_mem>>) attributes {dimension_semantics = [#tpu.dimension_semantics<core_parallel>, #tpu.dimension_semantics<subcore_parallel>], iteration_bounds = array<i64: 2, 16>, scalar_prefetch = 0 : i64, scratch_operands = 27 : i64, tpu.core_type = #tpu.core_type<sc_vector_subcore>, window_params = [{transform_indices = #map}, {transform_indices = #map1}, {transform_indices = #map1}, {transform_indices = #map}, {transform_indices = #map}]} {
    %eq3A = arith.constant 0 : i32
    %eq3A_0 = arith.cmpi eq, %arg0, %eq3A : i32
    %mul3A = arith.constant 18432 : i32
    %mul3A_1 = arith.muli %arg1, %mul3A : i32
    %mul3A_2 = arith.constant 2048 : i32
    %mul3A_3 = arith.muli %arg1, %mul3A_2 : i32
    %add3A = arith.constant 294912 : i32
    %add3A_4 = arith.addi %add3A, %mul3A_3 : i32
    %select_n3A = arith.select %eq3A_0, %mul3A_1, %add3A_4 : i32
    %eq3A_5 = arith.constant 0 : i32
    %eq3A_6 = arith.cmpi eq, %arg0, %eq3A_5 : i32
    %jit3A = arith.constant 18 : i32
    %jit3A_7 = arith.constant 2 : i32
    %select_n3A_8 = arith.select %eq3A_6, %jit3A, %jit3A_7 : i32
    %mul3A_9 = arith.constant 640 : i32
    %mul3A_10 = arith.muli %arg1, %mul3A_9 : i32
    %mul3A_11 = arith.constant 640 : i32
    %mul3A_12 = arith.muli %arg1, %mul3A_11 : i32
    "tpu.region"() ({
      %run_scoped3A = tpu.sem_alloc : memref<!tpu.dma_semaphore, #tpu.memory_space<semaphore_mem>>
      %dma_start3A = arith.constant 0 : i32
      %dma_start3A_30 = tpu.memref_slice %arg24[%mul3A_12, %dma_start3A] : memref<10240x128xf32, #tpu.memory_space<vmem_shared>> -> memref<640x128xf32, #tpu.memory_space<vmem_shared>>
      %dma_start3A_31 = arith.constant 0 : i32
      %dma_start3A_32 = tpu.memref_slice %arg5[%mul3A_10, %dma_start3A_31] : memref<10240x128xf32, #tpu.memory_space<hbm>> -> memref<640x128xf32, #tpu.memory_space<hbm>>
      tpu.enqueue_dma source(%dma_start3A_32 : memref<640x128xf32, #tpu.memory_space<hbm>>) target(%dma_start3A_30 : memref<640x128xf32, #tpu.memory_space<vmem_shared>>) target_semaphore(%run_scoped3A : memref<!tpu.dma_semaphore, #tpu.memory_space<semaphore_mem>>)
      %dma_wait3A = arith.constant 0 : i32
      %dma_wait3A_33 = tpu.memref_slice %arg24[%mul3A_12, %dma_wait3A] : memref<10240x128xf32, #tpu.memory_space<vmem_shared>> -> memref<640x128xf32, #tpu.memory_space<vmem_shared>>
      %dma_wait3A_34 = arith.constant 0 : i32
      %dma_wait3A_35 = tpu.memref_slice %arg5[%mul3A_10, %dma_wait3A_34] : memref<10240x128xf32, #tpu.memory_space<hbm>> -> memref<640x128xf32, #tpu.memory_space<hbm>>
      tpu.wait_dma2 semaphore(%run_scoped3A : memref<!tpu.dma_semaphore, #tpu.memory_space<semaphore_mem>>) src(%dma_wait3A_35 : memref<640x128xf32, #tpu.memory_space<hbm>>) dst(%dma_wait3A_33 : memref<640x128xf32, #tpu.memory_space<vmem_shared>>)
      tpu.yield
    }) : () -> ()
    %barrier3A = arith.constant 0 : index
    tpu.barrier barrier_id(%barrier3A)
    %while3A = arith.constant 0 : i32
    %while3A_13 = arith.constant 0 : i32
    %while3A_14 = arith.subi %select_n3A_8, %while3A_13 : i32
    %while3A_15 = arith.addi %while3A_13, %while3A_14 : i32
    %while3A_16 = arith.constant 1 : i32
    %while3A_17 = arith.divsi %while3A_14, %while3A_16 : i32
    %while3A_18 = arith.muli %while3A_17, %while3A_16 : i32
    %while3A_19 = arith.addi %while3A_13, %while3A_18 : i32
    %while3A_20 = arith.constant 1 : i32
    scf.for %while3A_30 = %while3A_13 to %while3A_19 step %while3A_20  : i32 {
      %mul3A_31 = arith.constant 1024 : i32
      %mul3A_32 = arith.muli %while3A_30, %mul3A_31 : i32
      %add3A_33 = arith.addi %select_n3A, %mul3A_32 : i32
      %add3A_34 = arith.constant 0 : i32
      %add3A_35 = arith.addi %add3A_33, %add3A_34 : i32
      %dma_start3A = tpu.memref_slice %arg3[%add3A_35] : memref<327680xi32, #tpu.memory_space<hbm>> -> memref<128xi32, #tpu.memory_space<hbm>>
      %dma_start3A_36 = tpu.memref_slice %arg3[%add3A_35] : memref<327680xi32, #tpu.memory_space<hbm>> -> memref<128xi32, #tpu.memory_space<hbm>>
      tpu.enqueue_dma source(%dma_start3A_36 : memref<128xi32, #tpu.memory_space<hbm>>) target(%arg7 : memref<128xi32, #tpu.memory_space<vmem>>) target_semaphore(%arg25 : memref<!tpu.dma_semaphore, #tpu.memory_space<semaphore_mem>>)
      %add3A_37 = arith.constant 0 : i32
      %add3A_38 = arith.addi %add3A_33, %add3A_37 : i32
      %dma_start3A_39 = tpu.memref_slice %arg4[%add3A_38] : memref<327680xi32, #tpu.memory_space<hbm>> -> memref<128xi32, #tpu.memory_space<hbm>>
      %dma_start3A_40 = tpu.memref_slice %arg4[%add3A_38] : memref<327680xi32, #tpu.memory_space<hbm>> -> memref<128xi32, #tpu.memory_space<hbm>>
      tpu.enqueue_dma source(%dma_start3A_40 : memref<128xi32, #tpu.memory_space<hbm>>) target(%arg15 : memref<128xi32, #tpu.memory_space<vmem>>) target_semaphore(%arg25 : memref<!tpu.dma_semaphore, #tpu.memory_space<semaphore_mem>>)
      %add3A_41 = arith.constant 128 : i32
      %add3A_42 = arith.addi %add3A_33, %add3A_41 : i32
      %dma_start3A_43 = tpu.memref_slice %arg3[%add3A_42] : memref<327680xi32, #tpu.memory_space<hbm>> -> memref<128xi32, #tpu.memory_space<hbm>>
      %dma_start3A_44 = tpu.memref_slice %arg3[%add3A_42] : memref<327680xi32, #tpu.memory_space<hbm>> -> memref<128xi32, #tpu.memory_space<hbm>>
      tpu.enqueue_dma source(%dma_start3A_44 : memref<128xi32, #tpu.memory_space<hbm>>) target(%arg8 : memref<128xi32, #tpu.memory_space<vmem>>) target_semaphore(%arg26 : memref<!tpu.dma_semaphore, #tpu.memory_space<semaphore_mem>>)
      %add3A_45 = arith.constant 128 : i32
      %add3A_46 = arith.addi %add3A_33, %add3A_45 : i32
      %dma_start3A_47 = tpu.memref_slice %arg4[%add3A_46] : memref<327680xi32, #tpu.memory_space<hbm>> -> memref<128xi32, #tpu.memory_space<hbm>>
      %dma_start3A_48 = tpu.memref_slice %arg4[%add3A_46] : memref<327680xi32, #tpu.memory_space<hbm>> -> memref<128xi32, #tpu.memory_space<hbm>>
      tpu.enqueue_dma source(%dma_start3A_48 : memref<128xi32, #tpu.memory_space<hbm>>) target(%arg16 : memref<128xi32, #tpu.memory_space<vmem>>) target_semaphore(%arg26 : memref<!tpu.dma_semaphore, #tpu.memory_space<semaphore_mem>>)
      %add3A_49 = arith.constant 256 : i32
      %add3A_50 = arith.addi %add3A_33, %add3A_49 : i32
      %dma_start3A_51 = tpu.memref_slice %arg3[%add3A_50] : memref<327680xi32, #tpu.memory_space<hbm>> -> memref<128xi32, #tpu.memory_space<hbm>>
      %dma_start3A_52 = tpu.memref_slice %arg3[%add3A_50] : memref<327680xi32, #tpu.memory_space<hbm>> -> memref<128xi32, #tpu.memory_space<hbm>>
      tpu.enqueue_dma source(%dma_start3A_52 : memref<128xi32, #tpu.memory_space<hbm>>) target(%arg9 : memref<128xi32, #tpu.memory_space<vmem>>) target_semaphore(%arg27 : memref<!tpu.dma_semaphore, #tpu.memory_space<semaphore_mem>>)
      %add3A_53 = arith.constant 256 : i32
      %add3A_54 = arith.addi %add3A_33, %add3A_53 : i32
      %dma_start3A_55 = tpu.memref_slice %arg4[%add3A_54] : memref<327680xi32, #tpu.memory_space<hbm>> -> memref<128xi32, #tpu.memory_space<hbm>>
      %dma_start3A_56 = tpu.memref_slice %arg4[%add3A_54] : memref<327680xi32, #tpu.memory_space<hbm>> -> memref<128xi32, #tpu.memory_space<hbm>>
      tpu.enqueue_dma source(%dma_start3A_56 : memref<128xi32, #tpu.memory_space<hbm>>) target(%arg17 : memref<128xi32, #tpu.memory_space<vmem>>) target_semaphore(%arg27 : memref<!tpu.dma_semaphore, #tpu.memory_space<semaphore_mem>>)
      %add3A_57 = arith.constant 384 : i32
      %add3A_58 = arith.addi %add3A_33, %add3A_57 : i32
      %dma_start3A_59 = tpu.memref_slice %arg3[%add3A_58] : memref<327680xi32, #tpu.memory_space<hbm>> -> memref<128xi32, #tpu.memory_space<hbm>>
      %dma_start3A_60 = tpu.memref_slice %arg3[%add3A_58] : memref<327680xi32, #tpu.memory_space<hbm>> -> memref<128xi32, #tpu.memory_space<hbm>>
      tpu.enqueue_dma source(%dma_start3A_60 : memref<128xi32, #tpu.memory_space<hbm>>) target(%arg10 : memref<128xi32, #tpu.memory_space<vmem>>) target_semaphore(%arg28 : memref<!tpu.dma_semaphore, #tpu.memory_space<semaphore_mem>>)
      %add3A_61 = arith.constant 384 : i32
      %add3A_62 = arith.addi %add3A_33, %add3A_61 : i32
      %dma_start3A_63 = tpu.memref_slice %arg4[%add3A_62] : memref<327680xi32, #tpu.memory_space<hbm>> -> memref<128xi32, #tpu.memory_space<hbm>>
      %dma_start3A_64 = tpu.memref_slice %arg4[%add3A_62] : memref<327680xi32, #tpu.memory_space<hbm>> -> memref<128xi32, #tpu.memory_space<hbm>>
      tpu.enqueue_dma source(%dma_start3A_64 : memref<128xi32, #tpu.memory_space<hbm>>) target(%arg18 : memref<128xi32, #tpu.memory_space<vmem>>) target_semaphore(%arg28 : memref<!tpu.dma_semaphore, #tpu.memory_space<semaphore_mem>>)
      %add3A_65 = arith.constant 512 : i32
      %add3A_66 = arith.addi %add3A_33, %add3A_65 : i32
      %dma_start3A_67 = tpu.memref_slice %arg3[%add3A_66] : memref<327680xi32, #tpu.memory_space<hbm>> -> memref<128xi32, #tpu.memory_space<hbm>>
      %dma_start3A_68 = tpu.memref_slice %arg3[%add3A_66] : memref<327680xi32, #tpu.memory_space<hbm>> -> memref<128xi32, #tpu.memory_space<hbm>>
      tpu.enqueue_dma source(%dma_start3A_68 : memref<128xi32, #tpu.memory_space<hbm>>) target(%arg11 : memref<128xi32, #tpu.memory_space<vmem>>) target_semaphore(%arg29 : memref<!tpu.dma_semaphore, #tpu.memory_space<semaphore_mem>>)
      %add3A_69 = arith.constant 512 : i32
      %add3A_70 = arith.addi %add3A_33, %add3A_69 : i32
      %dma_start3A_71 = tpu.memref_slice %arg4[%add3A_70] : memref<327680xi32, #tpu.memory_space<hbm>> -> memref<128xi32, #tpu.memory_space<hbm>>
      %dma_start3A_72 = tpu.memref_slice %arg4[%add3A_70] : memref<327680xi32, #tpu.memory_space<hbm>> -> memref<128xi32, #tpu.memory_space<hbm>>
      tpu.enqueue_dma source(%dma_start3A_72 : memref<128xi32, #tpu.memory_space<hbm>>) target(%arg19 : memref<128xi32, #tpu.memory_space<vmem>>) target_semaphore(%arg29 : memref<!tpu.dma_semaphore, #tpu.memory_space<semaphore_mem>>)
      %add3A_73 = arith.constant 640 : i32
      %add3A_74 = arith.addi %add3A_33, %add3A_73 : i32
      %dma_start3A_75 = tpu.memref_slice %arg3[%add3A_74] : memref<327680xi32, #tpu.memory_space<hbm>> -> memref<128xi32, #tpu.memory_space<hbm>>
      %dma_start3A_76 = tpu.memref_slice %arg3[%add3A_74] : memref<327680xi32, #tpu.memory_space<hbm>> -> memref<128xi32, #tpu.memory_space<hbm>>
      tpu.enqueue_dma source(%dma_start3A_76 : memref<128xi32, #tpu.memory_space<hbm>>) target(%arg12 : memref<128xi32, #tpu.memory_space<vmem>>) target_semaphore(%arg30 : memref<!tpu.dma_semaphore, #tpu.memory_space<semaphore_mem>>)
      %add3A_77 = arith.constant 640 : i32
      %add3A_78 = arith.addi %add3A_33, %add3A_77 : i32
      %dma_start3A_79 = tpu.memref_slice %arg4[%add3A_78] : memref<327680xi32, #tpu.memory_space<hbm>> -> memref<128xi32, #tpu.memory_space<hbm>>
      %dma_start3A_80 = tpu.memref_slice %arg4[%add3A_78] : memref<327680xi32, #tpu.memory_space<hbm>> -> memref<128xi32, #tpu.memory_space<hbm>>
      tpu.enqueue_dma source(%dma_start3A_80 : memref<128xi32, #tpu.memory_space<hbm>>) target(%arg20 : memref<128xi32, #tpu.memory_space<vmem>>) target_semaphore(%arg30 : memref<!tpu.dma_semaphore, #tpu.memory_space<semaphore_mem>>)
      %add3A_81 = arith.constant 768 : i32
      %add3A_82 = arith.addi %add3A_33, %add3A_81 : i32
      %dma_start3A_83 = tpu.memref_slice %arg3[%add3A_82] : memref<327680xi32, #tpu.memory_space<hbm>> -> memref<128xi32, #tpu.memory_space<hbm>>
      %dma_start3A_84 = tpu.memref_slice %arg3[%add3A_82] : memref<327680xi32, #tpu.memory_space<hbm>> -> memref<128xi32, #tpu.memory_space<hbm>>
      tpu.enqueue_dma source(%dma_start3A_84 : memref<128xi32, #tpu.memory_space<hbm>>) target(%arg13 : memref<128xi32, #tpu.memory_space<vmem>>) target_semaphore(%arg31 : memref<!tpu.dma_semaphore, #tpu.memory_space<semaphore_mem>>)
      %add3A_85 = arith.constant 768 : i32
      %add3A_86 = arith.addi %add3A_33, %add3A_85 : i32
      %dma_start3A_87 = tpu.memref_slice %arg4[%add3A_86] : memref<327680xi32, #tpu.memory_space<hbm>> -> memref<128xi32, #tpu.memory_space<hbm>>
      %dma_start3A_88 = tpu.memref_slice %arg4[%add3A_86] : memref<327680xi32, #tpu.memory_space<hbm>> -> memref<128xi32, #tpu.memory_space<hbm>>
      tpu.enqueue_dma source(%dma_start3A_88 : memref<128xi32, #tpu.memory_space<hbm>>) target(%arg21 : memref<128xi32, #tpu.memory_space<vmem>>) target_semaphore(%arg31 : memref<!tpu.dma_semaphore, #tpu.memory_space<semaphore_mem>>)
      %add3A_89 = arith.constant 896 : i32
      %add3A_90 = arith.addi %add3A_33, %add3A_89 : i32
      %dma_start3A_91 = tpu.memref_slice %arg3[%add3A_90] : memref<327680xi32, #tpu.memory_space<hbm>> -> memref<128xi32, #tpu.memory_space<hbm>>
      %dma_start3A_92 = tpu.memref_slice %arg3[%add3A_90] : memref<327680xi32, #tpu.memory_space<hbm>> -> memref<128xi32, #tpu.memory_space<hbm>>
      tpu.enqueue_dma source(%dma_start3A_92 : memref<128xi32, #tpu.memory_space<hbm>>) target(%arg14 : memref<128xi32, #tpu.memory_space<vmem>>) target_semaphore(%arg32 : memref<!tpu.dma_semaphore, #tpu.memory_space<semaphore_mem>>)
      %add3A_93 = arith.constant 896 : i32
      %add3A_94 = arith.addi %add3A_33, %add3A_93 : i32
      %dma_start3A_95 = tpu.memref_slice %arg4[%add3A_94] : memref<327680xi32, #tpu.memory_space<hbm>> -> memref<128xi32, #tpu.memory_space<hbm>>
      %dma_start3A_96 = tpu.memref_slice %arg4[%add3A_94] : memref<327680xi32, #tpu.memory_space<hbm>> -> memref<128xi32, #tpu.memory_space<hbm>>
      tpu.enqueue_dma source(%dma_start3A_96 : memref<128xi32, #tpu.memory_space<hbm>>) target(%arg22 : memref<128xi32, #tpu.memory_space<vmem>>) target_semaphore(%arg32 : memref<!tpu.dma_semaphore, #tpu.memory_space<semaphore_mem>>)
      %dma_wait3A = tpu.memref_slice %arg3[%add3A_35] : memref<327680xi32, #tpu.memory_space<hbm>> -> memref<128xi32, #tpu.memory_space<hbm>>
      %dma_wait3A_97 = tpu.memref_slice %arg3[%add3A_35] : memref<327680xi32, #tpu.memory_space<hbm>> -> memref<128xi32, #tpu.memory_space<hbm>>
      tpu.wait_dma2 semaphore(%arg25 : memref<!tpu.dma_semaphore, #tpu.memory_space<semaphore_mem>>) src(%dma_wait3A_97 : memref<128xi32, #tpu.memory_space<hbm>>) dst(%arg7 : memref<128xi32, #tpu.memory_space<vmem>>)
      %dma_wait3A_98 = tpu.memref_slice %arg4[%add3A_38] : memref<327680xi32, #tpu.memory_space<hbm>> -> memref<128xi32, #tpu.memory_space<hbm>>
      %dma_wait3A_99 = tpu.memref_slice %arg4[%add3A_38] : memref<327680xi32, #tpu.memory_space<hbm>> -> memref<128xi32, #tpu.memory_space<hbm>>
      tpu.wait_dma2 semaphore(%arg25 : memref<!tpu.dma_semaphore, #tpu.memory_space<semaphore_mem>>) src(%dma_wait3A_99 : memref<128xi32, #tpu.memory_space<hbm>>) dst(%arg15 : memref<128xi32, #tpu.memory_space<vmem>>)
      %dma_start3A_100 = arith.constant 0 : i32
      %dma_start3A_101 = arith.constant 0 : i32
      %dma_start3A_102 = tpu.memref_slice %arg2[%dma_start3A_100, %dma_start3A_101] : memref<10240x128xf32, #tpu.memory_space<hbm>> -> memref<10240x128xf32, #tpu.memory_space<hbm>>
      tpu.enqueue_indirect_dma source(%dma_start3A_102 : memref<10240x128xf32, #tpu.memory_space<hbm>>) target(%arg23 : memref<128x128xf32, #tpu.memory_space<vmem>>) offsets(%arg7 : memref<128xi32, #tpu.memory_space<vmem>>) semaphore(%arg33 : memref<!tpu.dma_semaphore, #tpu.memory_space<semaphore_mem>>)
      %dma_wait3A_103 = arith.constant 0 : i32
      %dma_wait3A_104 = arith.constant 0 : i32
      %dma_wait3A_105 = tpu.memref_slice %arg2[%dma_wait3A_103, %dma_wait3A_104] : memref<10240x128xf32, #tpu.memory_space<hbm>> -> memref<10240x128xf32, #tpu.memory_space<hbm>>
      tpu.wait_indirect_dma semaphore(%arg33 : memref<!tpu.dma_semaphore, #tpu.memory_space<semaphore_mem>>) src(%dma_wait3A_105 : memref<10240x128xf32, #tpu.memory_space<hbm>>) dst(%arg23 : memref<128x128xf32, #tpu.memory_space<vmem>>)
      "tpu.region"() ({
        %run_scoped3A = tpu.sem_alloc : memref<!tpu.dma_semaphore, #tpu.memory_space<semaphore_mem>>
        %dma_start3A_176 = arith.constant 0 : i32
        %dma_start3A_177 = arith.constant 0 : i32
        %dma_start3A_178 = tpu.memref_slice %arg24[%dma_start3A_176, %dma_start3A_177] : memref<10240x128xf32, #tpu.memory_space<vmem_shared>> -> memref<10240x128xf32, #tpu.memory_space<vmem_shared>>
        tpu.enqueue_indirect_dma source(%arg23 : memref<128x128xf32, #tpu.memory_space<vmem>>) target(%dma_start3A_178 : memref<10240x128xf32, #tpu.memory_space<vmem_shared>>) offsets(%arg15 : memref<128xi32, #tpu.memory_space<vmem>>) semaphore(%run_scoped3A : memref<!tpu.dma_semaphore, #tpu.memory_space<semaphore_mem>>) {add = true}
        %dma_wait3A_179 = arith.constant 0 : i32
        %dma_wait3A_180 = arith.constant 0 : i32
        %dma_wait3A_181 = tpu.memref_slice %arg24[%dma_wait3A_179, %dma_wait3A_180] : memref<10240x128xf32, #tpu.memory_space<vmem_shared>> -> memref<10240x128xf32, #tpu.memory_space<vmem_shared>>
        tpu.wait_indirect_dma semaphore(%run_scoped3A : memref<!tpu.dma_semaphore, #tpu.memory_space<semaphore_mem>>) src(%arg23 : memref<128x128xf32, #tpu.memory_space<vmem>>) dst(%dma_wait3A_181 : memref<10240x128xf32, #tpu.memory_space<vmem_shared>>)
        tpu.yield
      }) : () -> ()
      %dma_wait3A_106 = tpu.memref_slice %arg3[%add3A_42] : memref<327680xi32, #tpu.memory_space<hbm>> -> memref<128xi32, #tpu.memory_space<hbm>>
      %dma_wait3A_107 = tpu.memref_slice %arg3[%add3A_42] : memref<327680xi32, #tpu.memory_space<hbm>> -> memref<128xi32, #tpu.memory_space<hbm>>
      tpu.wait_dma2 semaphore(%arg26 : memref<!tpu.dma_semaphore, #tpu.memory_space<semaphore_mem>>) src(%dma_wait3A_107 : memref<128xi32, #tpu.memory_space<hbm>>) dst(%arg8 : memref<128xi32, #tpu.memory_space<vmem>>)
      %dma_wait3A_108 = tpu.memref_slice %arg4[%add3A_46] : memref<327680xi32, #tpu.memory_space<hbm>> -> memref<128xi32, #tpu.memory_space<hbm>>
      %dma_wait3A_109 = tpu.memref_slice %arg4[%add3A_46] : memref<327680xi32, #tpu.memory_space<hbm>> -> memref<128xi32, #tpu.memory_space<hbm>>
      tpu.wait_dma2 semaphore(%arg26 : memref<!tpu.dma_semaphore, #tpu.memory_space<semaphore_mem>>) src(%dma_wait3A_109 : memref<128xi32, #tpu.memory_space<hbm>>) dst(%arg16 : memref<128xi32, #tpu.memory_space<vmem>>)
      %dma_start3A_110 = arith.constant 0 : i32
      %dma_start3A_111 = arith.constant 0 : i32
      %dma_start3A_112 = tpu.memref_slice %arg2[%dma_start3A_110, %dma_start3A_111] : memref<10240x128xf32, #tpu.memory_space<hbm>> -> memref<10240x128xf32, #tpu.memory_space<hbm>>
      tpu.enqueue_indirect_dma source(%dma_start3A_112 : memref<10240x128xf32, #tpu.memory_space<hbm>>) target(%arg23 : memref<128x128xf32, #tpu.memory_space<vmem>>) offsets(%arg8 : memref<128xi32, #tpu.memory_space<vmem>>) semaphore(%arg33 : memref<!tpu.dma_semaphore, #tpu.memory_space<semaphore_mem>>)
      %dma_wait3A_113 = arith.constant 0 : i32
      %dma_wait3A_114 = arith.constant 0 : i32
      %dma_wait3A_115 = tpu.memref_slice %arg2[%dma_wait3A_113, %dma_wait3A_114] : memref<10240x128xf32, #tpu.memory_space<hbm>> -> memref<10240x128xf32, #tpu.memory_space<hbm>>
      tpu.wait_indirect_dma semaphore(%arg33 : memref<!tpu.dma_semaphore, #tpu.memory_space<semaphore_mem>>) src(%dma_wait3A_115 : memref<10240x128xf32, #tpu.memory_space<hbm>>) dst(%arg23 : memref<128x128xf32, #tpu.memory_space<vmem>>)
      "tpu.region"() ({
        %run_scoped3A = tpu.sem_alloc : memref<!tpu.dma_semaphore, #tpu.memory_space<semaphore_mem>>
        %dma_start3A_176 = arith.constant 0 : i32
        %dma_start3A_177 = arith.constant 0 : i32
        %dma_start3A_178 = tpu.memref_slice %arg24[%dma_start3A_176, %dma_start3A_177] : memref<10240x128xf32, #tpu.memory_space<vmem_shared>> -> memref<10240x128xf32, #tpu.memory_space<vmem_shared>>
        tpu.enqueue_indirect_dma source(%arg23 : memref<128x128xf32, #tpu.memory_space<vmem>>) target(%dma_start3A_178 : memref<10240x128xf32, #tpu.memory_space<vmem_shared>>) offsets(%arg16 : memref<128xi32, #tpu.memory_space<vmem>>) semaphore(%run_scoped3A : memref<!tpu.dma_semaphore, #tpu.memory_space<semaphore_mem>>) {add = true}
        %dma_wait3A_179 = arith.constant 0 : i32
        %dma_wait3A_180 = arith.constant 0 : i32
        %dma_wait3A_181 = tpu.memref_slice %arg24[%dma_wait3A_179, %dma_wait3A_180] : memref<10240x128xf32, #tpu.memory_space<vmem_shared>> -> memref<10240x128xf32, #tpu.memory_space<vmem_shared>>
        tpu.wait_indirect_dma semaphore(%run_scoped3A : memref<!tpu.dma_semaphore, #tpu.memory_space<semaphore_mem>>) src(%arg23 : memref<128x128xf32, #tpu.memory_space<vmem>>) dst(%dma_wait3A_181 : memref<10240x128xf32, #tpu.memory_space<vmem_shared>>)
        tpu.yield
      }) : () -> ()
      %dma_wait3A_116 = tpu.memref_slice %arg3[%add3A_50] : memref<327680xi32, #tpu.memory_space<hbm>> -> memref<128xi32, #tpu.memory_space<hbm>>
      %dma_wait3A_117 = tpu.memref_slice %arg3[%add3A_50] : memref<327680xi32, #tpu.memory_space<hbm>> -> memref<128xi32, #tpu.memory_space<hbm>>
      tpu.wait_dma2 semaphore(%arg27 : memref<!tpu.dma_semaphore, #tpu.memory_space<semaphore_mem>>) src(%dma_wait3A_117 : memref<128xi32, #tpu.memory_space<hbm>>) dst(%arg9 : memref<128xi32, #tpu.memory_space<vmem>>)
      %dma_wait3A_118 = tpu.memref_slice %arg4[%add3A_54] : memref<327680xi32, #tpu.memory_space<hbm>> -> memref<128xi32, #tpu.memory_space<hbm>>
      %dma_wait3A_119 = tpu.memref_slice %arg4[%add3A_54] : memref<327680xi32, #tpu.memory_space<hbm>> -> memref<128xi32, #tpu.memory_space<hbm>>
      tpu.wait_dma2 semaphore(%arg27 : memref<!tpu.dma_semaphore, #tpu.memory_space<semaphore_mem>>) src(%dma_wait3A_119 : memref<128xi32, #tpu.memory_space<hbm>>) dst(%arg17 : memref<128xi32, #tpu.memory_space<vmem>>)
      %dma_start3A_120 = arith.constant 0 : i32
      %dma_start3A_121 = arith.constant 0 : i32
      %dma_start3A_122 = tpu.memref_slice %arg2[%dma_start3A_120, %dma_start3A_121] : memref<10240x128xf32, #tpu.memory_space<hbm>> -> memref<10240x128xf32, #tpu.memory_space<hbm>>
      tpu.enqueue_indirect_dma source(%dma_start3A_122 : memref<10240x128xf32, #tpu.memory_space<hbm>>) target(%arg23 : memref<128x128xf32, #tpu.memory_space<vmem>>) offsets(%arg9 : memref<128xi32, #tpu.memory_space<vmem>>) semaphore(%arg33 : memref<!tpu.dma_semaphore, #tpu.memory_space<semaphore_mem>>)
      %dma_wait3A_123 = arith.constant 0 : i32
      %dma_wait3A_124 = arith.constant 0 : i32
      %dma_wait3A_125 = tpu.memref_slice %arg2[%dma_wait3A_123, %dma_wait3A_124] : memref<10240x128xf32, #tpu.memory_space<hbm>> -> memref<10240x128xf32, #tpu.memory_space<hbm>>
      tpu.wait_indirect_dma semaphore(%arg33 : memref<!tpu.dma_semaphore, #tpu.memory_space<semaphore_mem>>) src(%dma_wait3A_125 : memref<10240x128xf32, #tpu.memory_space<hbm>>) dst(%arg23 : memref<128x128xf32, #tpu.memory_space<vmem>>)
      "tpu.region"() ({
        %run_scoped3A = tpu.sem_alloc : memref<!tpu.dma_semaphore, #tpu.memory_space<semaphore_mem>>
        %dma_start3A_176 = arith.constant 0 : i32
        %dma_start3A_177 = arith.constant 0 : i32
        %dma_start3A_178 = tpu.memref_slice %arg24[%dma_start3A_176, %dma_start3A_177] : memref<10240x128xf32, #tpu.memory_space<vmem_shared>> -> memref<10240x128xf32, #tpu.memory_space<vmem_shared>>
        tpu.enqueue_indirect_dma source(%arg23 : memref<128x128xf32, #tpu.memory_space<vmem>>) target(%dma_start3A_178 : memref<10240x128xf32, #tpu.memory_space<vmem_shared>>) offsets(%arg17 : memref<128xi32, #tpu.memory_space<vmem>>) semaphore(%run_scoped3A : memref<!tpu.dma_semaphore, #tpu.memory_space<semaphore_mem>>) {add = true}
        %dma_wait3A_179 = arith.constant 0 : i32
        %dma_wait3A_180 = arith.constant 0 : i32
        %dma_wait3A_181 = tpu.memref_slice %arg24[%dma_wait3A_179, %dma_wait3A_180] : memref<10240x128xf32, #tpu.memory_space<vmem_shared>> -> memref<10240x128xf32, #tpu.memory_space<vmem_shared>>
        tpu.wait_indirect_dma semaphore(%run_scoped3A : memref<!tpu.dma_semaphore, #tpu.memory_space<semaphore_mem>>) src(%arg23 : memref<128x128xf32, #tpu.memory_space<vmem>>) dst(%dma_wait3A_181 : memref<10240x128xf32, #tpu.memory_space<vmem_shared>>)
        tpu.yield
      }) : () -> ()
      %dma_wait3A_126 = tpu.memref_slice %arg3[%add3A_58] : memref<327680xi32, #tpu.memory_space<hbm>> -> memref<128xi32, #tpu.memory_space<hbm>>
      %dma_wait3A_127 = tpu.memref_slice %arg3[%add3A_58] : memref<327680xi32, #tpu.memory_space<hbm>> -> memref<128xi32, #tpu.memory_space<hbm>>
      tpu.wait_dma2 semaphore(%arg28 : memref<!tpu.dma_semaphore, #tpu.memory_space<semaphore_mem>>) src(%dma_wait3A_127 : memref<128xi32, #tpu.memory_space<hbm>>) dst(%arg10 : memref<128xi32, #tpu.memory_space<vmem>>)
      %dma_wait3A_128 = tpu.memref_slice %arg4[%add3A_62] : memref<327680xi32, #tpu.memory_space<hbm>> -> memref<128xi32, #tpu.memory_space<hbm>>
      %dma_wait3A_129 = tpu.memref_slice %arg4[%add3A_62] : memref<327680xi32, #tpu.memory_space<hbm>> -> memref<128xi32, #tpu.memory_space<hbm>>
      tpu.wait_dma2 semaphore(%arg28 : memref<!tpu.dma_semaphore, #tpu.memory_space<semaphore_mem>>) src(%dma_wait3A_129 : memref<128xi32, #tpu.memory_space<hbm>>) dst(%arg18 : memref<128xi32, #tpu.memory_space<vmem>>)
      %dma_start3A_130 = arith.constant 0 : i32
      %dma_start3A_131 = arith.constant 0 : i32
      %dma_start3A_132 = tpu.memref_slice %arg2[%dma_start3A_130, %dma_start3A_131] : memref<10240x128xf32, #tpu.memory_space<hbm>> -> memref<10240x128xf32, #tpu.memory_space<hbm>>
      tpu.enqueue_indirect_dma source(%dma_start3A_132 : memref<10240x128xf32, #tpu.memory_space<hbm>>) target(%arg23 : memref<128x128xf32, #tpu.memory_space<vmem>>) offsets(%arg10 : memref<128xi32, #tpu.memory_space<vmem>>) semaphore(%arg33 : memref<!tpu.dma_semaphore, #tpu.memory_space<semaphore_mem>>)
      %dma_wait3A_133 = arith.constant 0 : i32
      %dma_wait3A_134 = arith.constant 0 : i32
      %dma_wait3A_135 = tpu.memref_slice %arg2[%dma_wait3A_133, %dma_wait3A_134] : memref<10240x128xf32, #tpu.memory_space<hbm>> -> memref<10240x128xf32, #tpu.memory_space<hbm>>
      tpu.wait_indirect_dma semaphore(%arg33 : memref<!tpu.dma_semaphore, #tpu.memory_space<semaphore_mem>>) src(%dma_wait3A_135 : memref<10240x128xf32, #tpu.memory_space<hbm>>) dst(%arg23 : memref<128x128xf32, #tpu.memory_space<vmem>>)
      "tpu.region"() ({
        %run_scoped3A = tpu.sem_alloc : memref<!tpu.dma_semaphore, #tpu.memory_space<semaphore_mem>>
        %dma_start3A_176 = arith.constant 0 : i32
        %dma_start3A_177 = arith.constant 0 : i32
        %dma_start3A_178 = tpu.memref_slice %arg24[%dma_start3A_176, %dma_start3A_177] : memref<10240x128xf32, #tpu.memory_space<vmem_shared>> -> memref<10240x128xf32, #tpu.memory_space<vmem_shared>>
        tpu.enqueue_indirect_dma source(%arg23 : memref<128x128xf32, #tpu.memory_space<vmem>>) target(%dma_start3A_178 : memref<10240x128xf32, #tpu.memory_space<vmem_shared>>) offsets(%arg18 : memref<128xi32, #tpu.memory_space<vmem>>) semaphore(%run_scoped3A : memref<!tpu.dma_semaphore, #tpu.memory_space<semaphore_mem>>) {add = true}
        %dma_wait3A_179 = arith.constant 0 : i32
        %dma_wait3A_180 = arith.constant 0 : i32
        %dma_wait3A_181 = tpu.memref_slice %arg24[%dma_wait3A_179, %dma_wait3A_180] : memref<10240x128xf32, #tpu.memory_space<vmem_shared>> -> memref<10240x128xf32, #tpu.memory_space<vmem_shared>>
        tpu.wait_indirect_dma semaphore(%run_scoped3A : memref<!tpu.dma_semaphore, #tpu.memory_space<semaphore_mem>>) src(%arg23 : memref<128x128xf32, #tpu.memory_space<vmem>>) dst(%dma_wait3A_181 : memref<10240x128xf32, #tpu.memory_space<vmem_shared>>)
        tpu.yield
      }) : () -> ()
      %dma_wait3A_136 = tpu.memref_slice %arg3[%add3A_66] : memref<327680xi32, #tpu.memory_space<hbm>> -> memref<128xi32, #tpu.memory_space<hbm>>
      %dma_wait3A_137 = tpu.memref_slice %arg3[%add3A_66] : memref<327680xi32, #tpu.memory_space<hbm>> -> memref<128xi32, #tpu.memory_space<hbm>>
      tpu.wait_dma2 semaphore(%arg29 : memref<!tpu.dma_semaphore, #tpu.memory_space<semaphore_mem>>) src(%dma_wait3A_137 : memref<128xi32, #tpu.memory_space<hbm>>) dst(%arg11 : memref<128xi32, #tpu.memory_space<vmem>>)
      %dma_wait3A_138 = tpu.memref_slice %arg4[%add3A_70] : memref<327680xi32, #tpu.memory_space<hbm>> -> memref<128xi32, #tpu.memory_space<hbm>>
      %dma_wait3A_139 = tpu.memref_slice %arg4[%add3A_70] : memref<327680xi32, #tpu.memory_space<hbm>> -> memref<128xi32, #tpu.memory_space<hbm>>
      tpu.wait_dma2 semaphore(%arg29 : memref<!tpu.dma_semaphore, #tpu.memory_space<semaphore_mem>>) src(%dma_wait3A_139 : memref<128xi32, #tpu.memory_space<hbm>>) dst(%arg19 : memref<128xi32, #tpu.memory_space<vmem>>)
      %dma_start3A_140 = arith.constant 0 : i32
      %dma_start3A_141 = arith.constant 0 : i32
      %dma_start3A_142 = tpu.memref_slice %arg2[%dma_start3A_140, %dma_start3A_141] : memref<10240x128xf32, #tpu.memory_space<hbm>> -> memref<10240x128xf32, #tpu.memory_space<hbm>>
      tpu.enqueue_indirect_dma source(%dma_start3A_142 : memref<10240x128xf32, #tpu.memory_space<hbm>>) target(%arg23 : memref<128x128xf32, #tpu.memory_space<vmem>>) offsets(%arg11 : memref<128xi32, #tpu.memory_space<vmem>>) semaphore(%arg33 : memref<!tpu.dma_semaphore, #tpu.memory_space<semaphore_mem>>)
      %dma_wait3A_143 = arith.constant 0 : i32
      %dma_wait3A_144 = arith.constant 0 : i32
      %dma_wait3A_145 = tpu.memref_slice %arg2[%dma_wait3A_143, %dma_wait3A_144] : memref<10240x128xf32, #tpu.memory_space<hbm>> -> memref<10240x128xf32, #tpu.memory_space<hbm>>
      tpu.wait_indirect_dma semaphore(%arg33 : memref<!tpu.dma_semaphore, #tpu.memory_space<semaphore_mem>>) src(%dma_wait3A_145 : memref<10240x128xf32, #tpu.memory_space<hbm>>) dst(%arg23 : memref<128x128xf32, #tpu.memory_space<vmem>>)
      "tpu.region"() ({
        %run_scoped3A = tpu.sem_alloc : memref<!tpu.dma_semaphore, #tpu.memory_space<semaphore_mem>>
        %dma_start3A_176 = arith.constant 0 : i32
        %dma_start3A_177 = arith.constant 0 : i32
        %dma_start3A_178 = tpu.memref_slice %arg24[%dma_start3A_176, %dma_start3A_177] : memref<10240x128xf32, #tpu.memory_space<vmem_shared>> -> memref<10240x128xf32, #tpu.memory_space<vmem_shared>>
        tpu.enqueue_indirect_dma source(%arg23 : memref<128x128xf32, #tpu.memory_space<vmem>>) target(%dma_start3A_178 : memref<10240x128xf32, #tpu.memory_space<vmem_shared>>) offsets(%arg19 : memref<128xi32, #tpu.memory_space<vmem>>) semaphore(%run_scoped3A : memref<!tpu.dma_semaphore, #tpu.memory_space<semaphore_mem>>) {add = true}
        %dma_wait3A_179 = arith.constant 0 : i32
        %dma_wait3A_180 = arith.constant 0 : i32
        %dma_wait3A_181 = tpu.memref_slice %arg24[%dma_wait3A_179, %dma_wait3A_180] : memref<10240x128xf32, #tpu.memory_space<vmem_shared>> -> memref<10240x128xf32, #tpu.memory_space<vmem_shared>>
        tpu.wait_indirect_dma semaphore(%run_scoped3A : memref<!tpu.dma_semaphore, #tpu.memory_space<semaphore_mem>>) src(%arg23 : memref<128x128xf32, #tpu.memory_space<vmem>>) dst(%dma_wait3A_181 : memref<10240x128xf32, #tpu.memory_space<vmem_shared>>)
        tpu.yield
      }) : () -> ()
      %dma_wait3A_146 = tpu.memref_slice %arg3[%add3A_74] : memref<327680xi32, #tpu.memory_space<hbm>> -> memref<128xi32, #tpu.memory_space<hbm>>
      %dma_wait3A_147 = tpu.memref_slice %arg3[%add3A_74] : memref<327680xi32, #tpu.memory_space<hbm>> -> memref<128xi32, #tpu.memory_space<hbm>>
      tpu.wait_dma2 semaphore(%arg30 : memref<!tpu.dma_semaphore, #tpu.memory_space<semaphore_mem>>) src(%dma_wait3A_147 : memref<128xi32, #tpu.memory_space<hbm>>) dst(%arg12 : memref<128xi32, #tpu.memory_space<vmem>>)
      %dma_wait3A_148 = tpu.memref_slice %arg4[%add3A_78] : memref<327680xi32, #tpu.memory_space<hbm>> -> memref<128xi32, #tpu.memory_space<hbm>>
      %dma_wait3A_149 = tpu.memref_slice %arg4[%add3A_78] : memref<327680xi32, #tpu.memory_space<hbm>> -> memref<128xi32, #tpu.memory_space<hbm>>
      tpu.wait_dma2 semaphore(%arg30 : memref<!tpu.dma_semaphore, #tpu.memory_space<semaphore_mem>>) src(%dma_wait3A_149 : memref<128xi32, #tpu.memory_space<hbm>>) dst(%arg20 : memref<128xi32, #tpu.memory_space<vmem>>)
      %dma_start3A_150 = arith.constant 0 : i32
      %dma_start3A_151 = arith.constant 0 : i32
      %dma_start3A_152 = tpu.memref_slice %arg2[%dma_start3A_150, %dma_start3A_151] : memref<10240x128xf32, #tpu.memory_space<hbm>> -> memref<10240x128xf32, #tpu.memory_space<hbm>>
      tpu.enqueue_indirect_dma source(%dma_start3A_152 : memref<10240x128xf32, #tpu.memory_space<hbm>>) target(%arg23 : memref<128x128xf32, #tpu.memory_space<vmem>>) offsets(%arg12 : memref<128xi32, #tpu.memory_space<vmem>>) semaphore(%arg33 : memref<!tpu.dma_semaphore, #tpu.memory_space<semaphore_mem>>)
      %dma_wait3A_153 = arith.constant 0 : i32
      %dma_wait3A_154 = arith.constant 0 : i32
      %dma_wait3A_155 = tpu.memref_slice %arg2[%dma_wait3A_153, %dma_wait3A_154] : memref<10240x128xf32, #tpu.memory_space<hbm>> -> memref<10240x128xf32, #tpu.memory_space<hbm>>
      tpu.wait_indirect_dma semaphore(%arg33 : memref<!tpu.dma_semaphore, #tpu.memory_space<semaphore_mem>>) src(%dma_wait3A_155 : memref<10240x128xf32, #tpu.memory_space<hbm>>) dst(%arg23 : memref<128x128xf32, #tpu.memory_space<vmem>>)
      "tpu.region"() ({
        %run_scoped3A = tpu.sem_alloc : memref<!tpu.dma_semaphore, #tpu.memory_space<semaphore_mem>>
        %dma_start3A_176 = arith.constant 0 : i32
        %dma_start3A_177 = arith.constant 0 : i32
        %dma_start3A_178 = tpu.memref_slice %arg24[%dma_start3A_176, %dma_start3A_177] : memref<10240x128xf32, #tpu.memory_space<vmem_shared>> -> memref<10240x128xf32, #tpu.memory_space<vmem_shared>>
        tpu.enqueue_indirect_dma source(%arg23 : memref<128x128xf32, #tpu.memory_space<vmem>>) target(%dma_start3A_178 : memref<10240x128xf32, #tpu.memory_space<vmem_shared>>) offsets(%arg20 : memref<128xi32, #tpu.memory_space<vmem>>) semaphore(%run_scoped3A : memref<!tpu.dma_semaphore, #tpu.memory_space<semaphore_mem>>) {add = true}
        %dma_wait3A_179 = arith.constant 0 : i32
        %dma_wait3A_180 = arith.constant 0 : i32
        %dma_wait3A_181 = tpu.memref_slice %arg24[%dma_wait3A_179, %dma_wait3A_180] : memref<10240x128xf32, #tpu.memory_space<vmem_shared>> -> memref<10240x128xf32, #tpu.memory_space<vmem_shared>>
        tpu.wait_indirect_dma semaphore(%run_scoped3A : memref<!tpu.dma_semaphore, #tpu.memory_space<semaphore_mem>>) src(%arg23 : memref<128x128xf32, #tpu.memory_space<vmem>>) dst(%dma_wait3A_181 : memref<10240x128xf32, #tpu.memory_space<vmem_shared>>)
        tpu.yield
      }) : () -> ()
      %dma_wait3A_156 = tpu.memref_slice %arg3[%add3A_82] : memref<327680xi32, #tpu.memory_space<hbm>> -> memref<128xi32, #tpu.memory_space<hbm>>
      %dma_wait3A_157 = tpu.memref_slice %arg3[%add3A_82] : memref<327680xi32, #tpu.memory_space<hbm>> -> memref<128xi32, #tpu.memory_space<hbm>>
      tpu.wait_dma2 semaphore(%arg31 : memref<!tpu.dma_semaphore, #tpu.memory_space<semaphore_mem>>) src(%dma_wait3A_157 : memref<128xi32, #tpu.memory_space<hbm>>) dst(%arg13 : memref<128xi32, #tpu.memory_space<vmem>>)
      %dma_wait3A_158 = tpu.memref_slice %arg4[%add3A_86] : memref<327680xi32, #tpu.memory_space<hbm>> -> memref<128xi32, #tpu.memory_space<hbm>>
      %dma_wait3A_159 = tpu.memref_slice %arg4[%add3A_86] : memref<327680xi32, #tpu.memory_space<hbm>> -> memref<128xi32, #tpu.memory_space<hbm>>
      tpu.wait_dma2 semaphore(%arg31 : memref<!tpu.dma_semaphore, #tpu.memory_space<semaphore_mem>>) src(%dma_wait3A_159 : memref<128xi32, #tpu.memory_space<hbm>>) dst(%arg21 : memref<128xi32, #tpu.memory_space<vmem>>)
      %dma_start3A_160 = arith.constant 0 : i32
      %dma_start3A_161 = arith.constant 0 : i32
      %dma_start3A_162 = tpu.memref_slice %arg2[%dma_start3A_160, %dma_start3A_161] : memref<10240x128xf32, #tpu.memory_space<hbm>> -> memref<10240x128xf32, #tpu.memory_space<hbm>>
      tpu.enqueue_indirect_dma source(%dma_start3A_162 : memref<10240x128xf32, #tpu.memory_space<hbm>>) target(%arg23 : memref<128x128xf32, #tpu.memory_space<vmem>>) offsets(%arg13 : memref<128xi32, #tpu.memory_space<vmem>>) semaphore(%arg33 : memref<!tpu.dma_semaphore, #tpu.memory_space<semaphore_mem>>)
      %dma_wait3A_163 = arith.constant 0 : i32
      %dma_wait3A_164 = arith.constant 0 : i32
      %dma_wait3A_165 = tpu.memref_slice %arg2[%dma_wait3A_163, %dma_wait3A_164] : memref<10240x128xf32, #tpu.memory_space<hbm>> -> memref<10240x128xf32, #tpu.memory_space<hbm>>
      tpu.wait_indirect_dma semaphore(%arg33 : memref<!tpu.dma_semaphore, #tpu.memory_space<semaphore_mem>>) src(%dma_wait3A_165 : memref<10240x128xf32, #tpu.memory_space<hbm>>) dst(%arg23 : memref<128x128xf32, #tpu.memory_space<vmem>>)
      "tpu.region"() ({
        %run_scoped3A = tpu.sem_alloc : memref<!tpu.dma_semaphore, #tpu.memory_space<semaphore_mem>>
        %dma_start3A_176 = arith.constant 0 : i32
        %dma_start3A_177 = arith.constant 0 : i32
        %dma_start3A_178 = tpu.memref_slice %arg24[%dma_start3A_176, %dma_start3A_177] : memref<10240x128xf32, #tpu.memory_space<vmem_shared>> -> memref<10240x128xf32, #tpu.memory_space<vmem_shared>>
        tpu.enqueue_indirect_dma source(%arg23 : memref<128x128xf32, #tpu.memory_space<vmem>>) target(%dma_start3A_178 : memref<10240x128xf32, #tpu.memory_space<vmem_shared>>) offsets(%arg21 : memref<128xi32, #tpu.memory_space<vmem>>) semaphore(%run_scoped3A : memref<!tpu.dma_semaphore, #tpu.memory_space<semaphore_mem>>) {add = true}
        %dma_wait3A_179 = arith.constant 0 : i32
        %dma_wait3A_180 = arith.constant 0 : i32
        %dma_wait3A_181 = tpu.memref_slice %arg24[%dma_wait3A_179, %dma_wait3A_180] : memref<10240x128xf32, #tpu.memory_space<vmem_shared>> -> memref<10240x128xf32, #tpu.memory_space<vmem_shared>>
        tpu.wait_indirect_dma semaphore(%run_scoped3A : memref<!tpu.dma_semaphore, #tpu.memory_space<semaphore_mem>>) src(%arg23 : memref<128x128xf32, #tpu.memory_space<vmem>>) dst(%dma_wait3A_181 : memref<10240x128xf32, #tpu.memory_space<vmem_shared>>)
        tpu.yield
      }) : () -> ()
      %dma_wait3A_166 = tpu.memref_slice %arg3[%add3A_90] : memref<327680xi32, #tpu.memory_space<hbm>> -> memref<128xi32, #tpu.memory_space<hbm>>
      %dma_wait3A_167 = tpu.memref_slice %arg3[%add3A_90] : memref<327680xi32, #tpu.memory_space<hbm>> -> memref<128xi32, #tpu.memory_space<hbm>>
      tpu.wait_dma2 semaphore(%arg32 : memref<!tpu.dma_semaphore, #tpu.memory_space<semaphore_mem>>) src(%dma_wait3A_167 : memref<128xi32, #tpu.memory_space<hbm>>) dst(%arg14 : memref<128xi32, #tpu.memory_space<vmem>>)
      %dma_wait3A_168 = tpu.memref_slice %arg4[%add3A_94] : memref<327680xi32, #tpu.memory_space<hbm>> -> memref<128xi32, #tpu.memory_space<hbm>>
      %dma_wait3A_169 = tpu.memref_slice %arg4[%add3A_94] : memref<327680xi32, #tpu.memory_space<hbm>> -> memref<128xi32, #tpu.memory_space<hbm>>
      tpu.wait_dma2 semaphore(%arg32 : memref<!tpu.dma_semaphore, #tpu.memory_space<semaphore_mem>>) src(%dma_wait3A_169 : memref<128xi32, #tpu.memory_space<hbm>>) dst(%arg22 : memref<128xi32, #tpu.memory_space<vmem>>)
      %dma_start3A_170 = arith.constant 0 : i32
      %dma_start3A_171 = arith.constant 0 : i32
      %dma_start3A_172 = tpu.memref_slice %arg2[%dma_start3A_170, %dma_start3A_171] : memref<10240x128xf32, #tpu.memory_space<hbm>> -> memref<10240x128xf32, #tpu.memory_space<hbm>>
      tpu.enqueue_indirect_dma source(%dma_start3A_172 : memref<10240x128xf32, #tpu.memory_space<hbm>>) target(%arg23 : memref<128x128xf32, #tpu.memory_space<vmem>>) offsets(%arg14 : memref<128xi32, #tpu.memory_space<vmem>>) semaphore(%arg33 : memref<!tpu.dma_semaphore, #tpu.memory_space<semaphore_mem>>)
      %dma_wait3A_173 = arith.constant 0 : i32
      %dma_wait3A_174 = arith.constant 0 : i32
      %dma_wait3A_175 = tpu.memref_slice %arg2[%dma_wait3A_173, %dma_wait3A_174] : memref<10240x128xf32, #tpu.memory_space<hbm>> -> memref<10240x128xf32, #tpu.memory_space<hbm>>
      tpu.wait_indirect_dma semaphore(%arg33 : memref<!tpu.dma_semaphore, #tpu.memory_space<semaphore_mem>>) src(%dma_wait3A_175 : memref<10240x128xf32, #tpu.memory_space<hbm>>) dst(%arg23 : memref<128x128xf32, #tpu.memory_space<vmem>>)
      "tpu.region"() ({
        %run_scoped3A = tpu.sem_alloc : memref<!tpu.dma_semaphore, #tpu.memory_space<semaphore_mem>>
        %dma_start3A_176 = arith.constant 0 : i32
        %dma_start3A_177 = arith.constant 0 : i32
        %dma_start3A_178 = tpu.memref_slice %arg24[%dma_start3A_176, %dma_start3A_177] : memref<10240x128xf32, #tpu.memory_space<vmem_shared>> -> memref<10240x128xf32, #tpu.memory_space<vmem_shared>>
        tpu.enqueue_indirect_dma source(%arg23 : memref<128x128xf32, #tpu.memory_space<vmem>>) target(%dma_start3A_178 : memref<10240x128xf32, #tpu.memory_space<vmem_shared>>) offsets(%arg22 : memref<128xi32, #tpu.memory_space<vmem>>) semaphore(%run_scoped3A : memref<!tpu.dma_semaphore, #tpu.memory_space<semaphore_mem>>) {add = true}
        %dma_wait3A_179 = arith.constant 0 : i32
        %dma_wait3A_180 = arith.constant 0 : i32
        %dma_wait3A_181 = tpu.memref_slice %arg24[%dma_wait3A_179, %dma_wait3A_180] : memref<10240x128xf32, #tpu.memory_space<vmem_shared>> -> memref<10240x128xf32, #tpu.memory_space<vmem_shared>>
        tpu.wait_indirect_dma semaphore(%run_scoped3A : memref<!tpu.dma_semaphore, #tpu.memory_space<semaphore_mem>>) src(%arg23 : memref<128x128xf32, #tpu.memory_space<vmem>>) dst(%dma_wait3A_181 : memref<10240x128xf32, #tpu.memory_space<vmem_shared>>)
        tpu.yield
      }) : () -> ()
    }
    %while3A_21 = arith.constant 1 : i32
    scf.for %while3A_30 = %while3A_19 to %while3A_15 step %while3A_21  : i32 {
      %mul3A_31 = arith.constant 1024 : i32
      %mul3A_32 = arith.muli %while3A_30, %mul3A_31 : i32
      %add3A_33 = arith.addi %select_n3A, %mul3A_32 : i32
      %add3A_34 = arith.constant 0 : i32
      %add3A_35 = arith.addi %add3A_33, %add3A_34 : i32
      %dma_start3A = tpu.memref_slice %arg3[%add3A_35] : memref<327680xi32, #tpu.memory_space<hbm>> -> memref<128xi32, #tpu.memory_space<hbm>>
      %dma_start3A_36 = tpu.memref_slice %arg3[%add3A_35] : memref<327680xi32, #tpu.memory_space<hbm>> -> memref<128xi32, #tpu.memory_space<hbm>>
      tpu.enqueue_dma source(%dma_start3A_36 : memref<128xi32, #tpu.memory_space<hbm>>) target(%arg7 : memref<128xi32, #tpu.memory_space<vmem>>) target_semaphore(%arg25 : memref<!tpu.dma_semaphore, #tpu.memory_space<semaphore_mem>>)
      %add3A_37 = arith.constant 0 : i32
      %add3A_38 = arith.addi %add3A_33, %add3A_37 : i32
      %dma_start3A_39 = tpu.memref_slice %arg4[%add3A_38] : memref<327680xi32, #tpu.memory_space<hbm>> -> memref<128xi32, #tpu.memory_space<hbm>>
      %dma_start3A_40 = tpu.memref_slice %arg4[%add3A_38] : memref<327680xi32, #tpu.memory_space<hbm>> -> memref<128xi32, #tpu.memory_space<hbm>>
      tpu.enqueue_dma source(%dma_start3A_40 : memref<128xi32, #tpu.memory_space<hbm>>) target(%arg15 : memref<128xi32, #tpu.memory_space<vmem>>) target_semaphore(%arg25 : memref<!tpu.dma_semaphore, #tpu.memory_space<semaphore_mem>>)
      %add3A_41 = arith.constant 128 : i32
      %add3A_42 = arith.addi %add3A_33, %add3A_41 : i32
      %dma_start3A_43 = tpu.memref_slice %arg3[%add3A_42] : memref<327680xi32, #tpu.memory_space<hbm>> -> memref<128xi32, #tpu.memory_space<hbm>>
      %dma_start3A_44 = tpu.memref_slice %arg3[%add3A_42] : memref<327680xi32, #tpu.memory_space<hbm>> -> memref<128xi32, #tpu.memory_space<hbm>>
      tpu.enqueue_dma source(%dma_start3A_44 : memref<128xi32, #tpu.memory_space<hbm>>) target(%arg8 : memref<128xi32, #tpu.memory_space<vmem>>) target_semaphore(%arg26 : memref<!tpu.dma_semaphore, #tpu.memory_space<semaphore_mem>>)
      %add3A_45 = arith.constant 128 : i32
      %add3A_46 = arith.addi %add3A_33, %add3A_45 : i32
      %dma_start3A_47 = tpu.memref_slice %arg4[%add3A_46] : memref<327680xi32, #tpu.memory_space<hbm>> -> memref<128xi32, #tpu.memory_space<hbm>>
      %dma_start3A_48 = tpu.memref_slice %arg4[%add3A_46] : memref<327680xi32, #tpu.memory_space<hbm>> -> memref<128xi32, #tpu.memory_space<hbm>>
      tpu.enqueue_dma source(%dma_start3A_48 : memref<128xi32, #tpu.memory_space<hbm>>) target(%arg16 : memref<128xi32, #tpu.memory_space<vmem>>) target_semaphore(%arg26 : memref<!tpu.dma_semaphore, #tpu.memory_space<semaphore_mem>>)
      %add3A_49 = arith.constant 256 : i32
      %add3A_50 = arith.addi %add3A_33, %add3A_49 : i32
      %dma_start3A_51 = tpu.memref_slice %arg3[%add3A_50] : memref<327680xi32, #tpu.memory_space<hbm>> -> memref<128xi32, #tpu.memory_space<hbm>>
      %dma_start3A_52 = tpu.memref_slice %arg3[%add3A_50] : memref<327680xi32, #tpu.memory_space<hbm>> -> memref<128xi32, #tpu.memory_space<hbm>>
      tpu.enqueue_dma source(%dma_start3A_52 : memref<128xi32, #tpu.memory_space<hbm>>) target(%arg9 : memref<128xi32, #tpu.memory_space<vmem>>) target_semaphore(%arg27 : memref<!tpu.dma_semaphore, #tpu.memory_space<semaphore_mem>>)
      %add3A_53 = arith.constant 256 : i32
      %add3A_54 = arith.addi %add3A_33, %add3A_53 : i32
      %dma_start3A_55 = tpu.memref_slice %arg4[%add3A_54] : memref<327680xi32, #tpu.memory_space<hbm>> -> memref<128xi32, #tpu.memory_space<hbm>>
      %dma_start3A_56 = tpu.memref_slice %arg4[%add3A_54] : memref<327680xi32, #tpu.memory_space<hbm>> -> memref<128xi32, #tpu.memory_space<hbm>>
      tpu.enqueue_dma source(%dma_start3A_56 : memref<128xi32, #tpu.memory_space<hbm>>) target(%arg17 : memref<128xi32, #tpu.memory_space<vmem>>) target_semaphore(%arg27 : memref<!tpu.dma_semaphore, #tpu.memory_space<semaphore_mem>>)
      %add3A_57 = arith.constant 384 : i32
      %add3A_58 = arith.addi %add3A_33, %add3A_57 : i32
      %dma_start3A_59 = tpu.memref_slice %arg3[%add3A_58] : memref<327680xi32, #tpu.memory_space<hbm>> -> memref<128xi32, #tpu.memory_space<hbm>>
      %dma_start3A_60 = tpu.memref_slice %arg3[%add3A_58] : memref<327680xi32, #tpu.memory_space<hbm>> -> memref<128xi32, #tpu.memory_space<hbm>>
      tpu.enqueue_dma source(%dma_start3A_60 : memref<128xi32, #tpu.memory_space<hbm>>) target(%arg10 : memref<128xi32, #tpu.memory_space<vmem>>) target_semaphore(%arg28 : memref<!tpu.dma_semaphore, #tpu.memory_space<semaphore_mem>>)
      %add3A_61 = arith.constant 384 : i32
      %add3A_62 = arith.addi %add3A_33, %add3A_61 : i32
      %dma_start3A_63 = tpu.memref_slice %arg4[%add3A_62] : memref<327680xi32, #tpu.memory_space<hbm>> -> memref<128xi32, #tpu.memory_space<hbm>>
      %dma_start3A_64 = tpu.memref_slice %arg4[%add3A_62] : memref<327680xi32, #tpu.memory_space<hbm>> -> memref<128xi32, #tpu.memory_space<hbm>>
      tpu.enqueue_dma source(%dma_start3A_64 : memref<128xi32, #tpu.memory_space<hbm>>) target(%arg18 : memref<128xi32, #tpu.memory_space<vmem>>) target_semaphore(%arg28 : memref<!tpu.dma_semaphore, #tpu.memory_space<semaphore_mem>>)
      %add3A_65 = arith.constant 512 : i32
      %add3A_66 = arith.addi %add3A_33, %add3A_65 : i32
      %dma_start3A_67 = tpu.memref_slice %arg3[%add3A_66] : memref<327680xi32, #tpu.memory_space<hbm>> -> memref<128xi32, #tpu.memory_space<hbm>>
      %dma_start3A_68 = tpu.memref_slice %arg3[%add3A_66] : memref<327680xi32, #tpu.memory_space<hbm>> -> memref<128xi32, #tpu.memory_space<hbm>>
      tpu.enqueue_dma source(%dma_start3A_68 : memref<128xi32, #tpu.memory_space<hbm>>) target(%arg11 : memref<128xi32, #tpu.memory_space<vmem>>) target_semaphore(%arg29 : memref<!tpu.dma_semaphore, #tpu.memory_space<semaphore_mem>>)
      %add3A_69 = arith.constant 512 : i32
      %add3A_70 = arith.addi %add3A_33, %add3A_69 : i32
      %dma_start3A_71 = tpu.memref_slice %arg4[%add3A_70] : memref<327680xi32, #tpu.memory_space<hbm>> -> memref<128xi32, #tpu.memory_space<hbm>>
      %dma_start3A_72 = tpu.memref_slice %arg4[%add3A_70] : memref<327680xi32, #tpu.memory_space<hbm>> -> memref<128xi32, #tpu.memory_space<hbm>>
      tpu.enqueue_dma source(%dma_start3A_72 : memref<128xi32, #tpu.memory_space<hbm>>) target(%arg19 : memref<128xi32, #tpu.memory_space<vmem>>) target_semaphore(%arg29 : memref<!tpu.dma_semaphore, #tpu.memory_space<semaphore_mem>>)
      %add3A_73 = arith.constant 640 : i32
      %add3A_74 = arith.addi %add3A_33, %add3A_73 : i32
      %dma_start3A_75 = tpu.memref_slice %arg3[%add3A_74] : memref<327680xi32, #tpu.memory_space<hbm>> -> memref<128xi32, #tpu.memory_space<hbm>>
      %dma_start3A_76 = tpu.memref_slice %arg3[%add3A_74] : memref<327680xi32, #tpu.memory_space<hbm>> -> memref<128xi32, #tpu.memory_space<hbm>>
      tpu.enqueue_dma source(%dma_start3A_76 : memref<128xi32, #tpu.memory_space<hbm>>) target(%arg12 : memref<128xi32, #tpu.memory_space<vmem>>) target_semaphore(%arg30 : memref<!tpu.dma_semaphore, #tpu.memory_space<semaphore_mem>>)
      %add3A_77 = arith.constant 640 : i32
      %add3A_78 = arith.addi %add3A_33, %add3A_77 : i32
      %dma_start3A_79 = tpu.memref_slice %arg4[%add3A_78] : memref<327680xi32, #tpu.memory_space<hbm>> -> memref<128xi32, #tpu.memory_space<hbm>>
      %dma_start3A_80 = tpu.memref_slice %arg4[%add3A_78] : memref<327680xi32, #tpu.memory_space<hbm>> -> memref<128xi32, #tpu.memory_space<hbm>>
      tpu.enqueue_dma source(%dma_start3A_80 : memref<128xi32, #tpu.memory_space<hbm>>) target(%arg20 : memref<128xi32, #tpu.memory_space<vmem>>) target_semaphore(%arg30 : memref<!tpu.dma_semaphore, #tpu.memory_space<semaphore_mem>>)
      %add3A_81 = arith.constant 768 : i32
      %add3A_82 = arith.addi %add3A_33, %add3A_81 : i32
      %dma_start3A_83 = tpu.memref_slice %arg3[%add3A_82] : memref<327680xi32, #tpu.memory_space<hbm>> -> memref<128xi32, #tpu.memory_space<hbm>>
      %dma_start3A_84 = tpu.memref_slice %arg3[%add3A_82] : memref<327680xi32, #tpu.memory_space<hbm>> -> memref<128xi32, #tpu.memory_space<hbm>>
      tpu.enqueue_dma source(%dma_start3A_84 : memref<128xi32, #tpu.memory_space<hbm>>) target(%arg13 : memref<128xi32, #tpu.memory_space<vmem>>) target_semaphore(%arg31 : memref<!tpu.dma_semaphore, #tpu.memory_space<semaphore_mem>>)
      %add3A_85 = arith.constant 768 : i32
      %add3A_86 = arith.addi %add3A_33, %add3A_85 : i32
      %dma_start3A_87 = tpu.memref_slice %arg4[%add3A_86] : memref<327680xi32, #tpu.memory_space<hbm>> -> memref<128xi32, #tpu.memory_space<hbm>>
      %dma_start3A_88 = tpu.memref_slice %arg4[%add3A_86] : memref<327680xi32, #tpu.memory_space<hbm>> -> memref<128xi32, #tpu.memory_space<hbm>>
      tpu.enqueue_dma source(%dma_start3A_88 : memref<128xi32, #tpu.memory_space<hbm>>) target(%arg21 : memref<128xi32, #tpu.memory_space<vmem>>) target_semaphore(%arg31 : memref<!tpu.dma_semaphore, #tpu.memory_space<semaphore_mem>>)
      %add3A_89 = arith.constant 896 : i32
      %add3A_90 = arith.addi %add3A_33, %add3A_89 : i32
      %dma_start3A_91 = tpu.memref_slice %arg3[%add3A_90] : memref<327680xi32, #tpu.memory_space<hbm>> -> memref<128xi32, #tpu.memory_space<hbm>>
      %dma_start3A_92 = tpu.memref_slice %arg3[%add3A_90] : memref<327680xi32, #tpu.memory_space<hbm>> -> memref<128xi32, #tpu.memory_space<hbm>>
      tpu.enqueue_dma source(%dma_start3A_92 : memref<128xi32, #tpu.memory_space<hbm>>) target(%arg14 : memref<128xi32, #tpu.memory_space<vmem>>) target_semaphore(%arg32 : memref<!tpu.dma_semaphore, #tpu.memory_space<semaphore_mem>>)
      %add3A_93 = arith.constant 896 : i32
      %add3A_94 = arith.addi %add3A_33, %add3A_93 : i32
      %dma_start3A_95 = tpu.memref_slice %arg4[%add3A_94] : memref<327680xi32, #tpu.memory_space<hbm>> -> memref<128xi32, #tpu.memory_space<hbm>>
      %dma_start3A_96 = tpu.memref_slice %arg4[%add3A_94] : memref<327680xi32, #tpu.memory_space<hbm>> -> memref<128xi32, #tpu.memory_space<hbm>>
      tpu.enqueue_dma source(%dma_start3A_96 : memref<128xi32, #tpu.memory_space<hbm>>) target(%arg22 : memref<128xi32, #tpu.memory_space<vmem>>) target_semaphore(%arg32 : memref<!tpu.dma_semaphore, #tpu.memory_space<semaphore_mem>>)
      %dma_wait3A = tpu.memref_slice %arg3[%add3A_35] : memref<327680xi32, #tpu.memory_space<hbm>> -> memref<128xi32, #tpu.memory_space<hbm>>
      %dma_wait3A_97 = tpu.memref_slice %arg3[%add3A_35] : memref<327680xi32, #tpu.memory_space<hbm>> -> memref<128xi32, #tpu.memory_space<hbm>>
      tpu.wait_dma2 semaphore(%arg25 : memref<!tpu.dma_semaphore, #tpu.memory_space<semaphore_mem>>) src(%dma_wait3A_97 : memref<128xi32, #tpu.memory_space<hbm>>) dst(%arg7 : memref<128xi32, #tpu.memory_space<vmem>>)
      %dma_wait3A_98 = tpu.memref_slice %arg4[%add3A_38] : memref<327680xi32, #tpu.memory_space<hbm>> -> memref<128xi32, #tpu.memory_space<hbm>>
      %dma_wait3A_99 = tpu.memref_slice %arg4[%add3A_38] : memref<327680xi32, #tpu.memory_space<hbm>> -> memref<128xi32, #tpu.memory_space<hbm>>
      tpu.wait_dma2 semaphore(%arg25 : memref<!tpu.dma_semaphore, #tpu.memory_space<semaphore_mem>>) src(%dma_wait3A_99 : memref<128xi32, #tpu.memory_space<hbm>>) dst(%arg15 : memref<128xi32, #tpu.memory_space<vmem>>)
      %dma_start3A_100 = arith.constant 0 : i32
      %dma_start3A_101 = arith.constant 0 : i32
      %dma_start3A_102 = tpu.memref_slice %arg2[%dma_start3A_100, %dma_start3A_101] : memref<10240x128xf32, #tpu.memory_space<hbm>> -> memref<10240x128xf32, #tpu.memory_space<hbm>>
      tpu.enqueue_indirect_dma source(%dma_start3A_102 : memref<10240x128xf32, #tpu.memory_space<hbm>>) target(%arg23 : memref<128x128xf32, #tpu.memory_space<vmem>>) offsets(%arg7 : memref<128xi32, #tpu.memory_space<vmem>>) semaphore(%arg33 : memref<!tpu.dma_semaphore, #tpu.memory_space<semaphore_mem>>)
      %dma_wait3A_103 = arith.constant 0 : i32
      %dma_wait3A_104 = arith.constant 0 : i32
      %dma_wait3A_105 = tpu.memref_slice %arg2[%dma_wait3A_103, %dma_wait3A_104] : memref<10240x128xf32, #tpu.memory_space<hbm>> -> memref<10240x128xf32, #tpu.memory_space<hbm>>
      tpu.wait_indirect_dma semaphore(%arg33 : memref<!tpu.dma_semaphore, #tpu.memory_space<semaphore_mem>>) src(%dma_wait3A_105 : memref<10240x128xf32, #tpu.memory_space<hbm>>) dst(%arg23 : memref<128x128xf32, #tpu.memory_space<vmem>>)
      "tpu.region"() ({
        %run_scoped3A = tpu.sem_alloc : memref<!tpu.dma_semaphore, #tpu.memory_space<semaphore_mem>>
        %dma_start3A_176 = arith.constant 0 : i32
        %dma_start3A_177 = arith.constant 0 : i32
        %dma_start3A_178 = tpu.memref_slice %arg24[%dma_start3A_176, %dma_start3A_177] : memref<10240x128xf32, #tpu.memory_space<vmem_shared>> -> memref<10240x128xf32, #tpu.memory_space<vmem_shared>>
        tpu.enqueue_indirect_dma source(%arg23 : memref<128x128xf32, #tpu.memory_space<vmem>>) target(%dma_start3A_178 : memref<10240x128xf32, #tpu.memory_space<vmem_shared>>) offsets(%arg15 : memref<128xi32, #tpu.memory_space<vmem>>) semaphore(%run_scoped3A : memref<!tpu.dma_semaphore, #tpu.memory_space<semaphore_mem>>) {add = true}
        %dma_wait3A_179 = arith.constant 0 : i32
        %dma_wait3A_180 = arith.constant 0 : i32
        %dma_wait3A_181 = tpu.memref_slice %arg24[%dma_wait3A_179, %dma_wait3A_180] : memref<10240x128xf32, #tpu.memory_space<vmem_shared>> -> memref<10240x128xf32, #tpu.memory_space<vmem_shared>>
        tpu.wait_indirect_dma semaphore(%run_scoped3A : memref<!tpu.dma_semaphore, #tpu.memory_space<semaphore_mem>>) src(%arg23 : memref<128x128xf32, #tpu.memory_space<vmem>>) dst(%dma_wait3A_181 : memref<10240x128xf32, #tpu.memory_space<vmem_shared>>)
        tpu.yield
      }) : () -> ()
      %dma_wait3A_106 = tpu.memref_slice %arg3[%add3A_42] : memref<327680xi32, #tpu.memory_space<hbm>> -> memref<128xi32, #tpu.memory_space<hbm>>
      %dma_wait3A_107 = tpu.memref_slice %arg3[%add3A_42] : memref<327680xi32, #tpu.memory_space<hbm>> -> memref<128xi32, #tpu.memory_space<hbm>>
      tpu.wait_dma2 semaphore(%arg26 : memref<!tpu.dma_semaphore, #tpu.memory_space<semaphore_mem>>) src(%dma_wait3A_107 : memref<128xi32, #tpu.memory_space<hbm>>) dst(%arg8 : memref<128xi32, #tpu.memory_space<vmem>>)
      %dma_wait3A_108 = tpu.memref_slice %arg4[%add3A_46] : memref<327680xi32, #tpu.memory_space<hbm>> -> memref<128xi32, #tpu.memory_space<hbm>>
      %dma_wait3A_109 = tpu.memref_slice %arg4[%add3A_46] : memref<327680xi32, #tpu.memory_space<hbm>> -> memref<128xi32, #tpu.memory_space<hbm>>
      tpu.wait_dma2 semaphore(%arg26 : memref<!tpu.dma_semaphore, #tpu.memory_space<semaphore_mem>>) src(%dma_wait3A_109 : memref<128xi32, #tpu.memory_space<hbm>>) dst(%arg16 : memref<128xi32, #tpu.memory_space<vmem>>)
      %dma_start3A_110 = arith.constant 0 : i32
      %dma_start3A_111 = arith.constant 0 : i32
      %dma_start3A_112 = tpu.memref_slice %arg2[%dma_start3A_110, %dma_start3A_111] : memref<10240x128xf32, #tpu.memory_space<hbm>> -> memref<10240x128xf32, #tpu.memory_space<hbm>>
      tpu.enqueue_indirect_dma source(%dma_start3A_112 : memref<10240x128xf32, #tpu.memory_space<hbm>>) target(%arg23 : memref<128x128xf32, #tpu.memory_space<vmem>>) offsets(%arg8 : memref<128xi32, #tpu.memory_space<vmem>>) semaphore(%arg33 : memref<!tpu.dma_semaphore, #tpu.memory_space<semaphore_mem>>)
      %dma_wait3A_113 = arith.constant 0 : i32
      %dma_wait3A_114 = arith.constant 0 : i32
      %dma_wait3A_115 = tpu.memref_slice %arg2[%dma_wait3A_113, %dma_wait3A_114] : memref<10240x128xf32, #tpu.memory_space<hbm>> -> memref<10240x128xf32, #tpu.memory_space<hbm>>
      tpu.wait_indirect_dma semaphore(%arg33 : memref<!tpu.dma_semaphore, #tpu.memory_space<semaphore_mem>>) src(%dma_wait3A_115 : memref<10240x128xf32, #tpu.memory_space<hbm>>) dst(%arg23 : memref<128x128xf32, #tpu.memory_space<vmem>>)
      "tpu.region"() ({
        %run_scoped3A = tpu.sem_alloc : memref<!tpu.dma_semaphore, #tpu.memory_space<semaphore_mem>>
        %dma_start3A_176 = arith.constant 0 : i32
        %dma_start3A_177 = arith.constant 0 : i32
        %dma_start3A_178 = tpu.memref_slice %arg24[%dma_start3A_176, %dma_start3A_177] : memref<10240x128xf32, #tpu.memory_space<vmem_shared>> -> memref<10240x128xf32, #tpu.memory_space<vmem_shared>>
        tpu.enqueue_indirect_dma source(%arg23 : memref<128x128xf32, #tpu.memory_space<vmem>>) target(%dma_start3A_178 : memref<10240x128xf32, #tpu.memory_space<vmem_shared>>) offsets(%arg16 : memref<128xi32, #tpu.memory_space<vmem>>) semaphore(%run_scoped3A : memref<!tpu.dma_semaphore, #tpu.memory_space<semaphore_mem>>) {add = true}
        %dma_wait3A_179 = arith.constant 0 : i32
        %dma_wait3A_180 = arith.constant 0 : i32
        %dma_wait3A_181 = tpu.memref_slice %arg24[%dma_wait3A_179, %dma_wait3A_180] : memref<10240x128xf32, #tpu.memory_space<vmem_shared>> -> memref<10240x128xf32, #tpu.memory_space<vmem_shared>>
        tpu.wait_indirect_dma semaphore(%run_scoped3A : memref<!tpu.dma_semaphore, #tpu.memory_space<semaphore_mem>>) src(%arg23 : memref<128x128xf32, #tpu.memory_space<vmem>>) dst(%dma_wait3A_181 : memref<10240x128xf32, #tpu.memory_space<vmem_shared>>)
        tpu.yield
      }) : () -> ()
      %dma_wait3A_116 = tpu.memref_slice %arg3[%add3A_50] : memref<327680xi32, #tpu.memory_space<hbm>> -> memref<128xi32, #tpu.memory_space<hbm>>
      %dma_wait3A_117 = tpu.memref_slice %arg3[%add3A_50] : memref<327680xi32, #tpu.memory_space<hbm>> -> memref<128xi32, #tpu.memory_space<hbm>>
      tpu.wait_dma2 semaphore(%arg27 : memref<!tpu.dma_semaphore, #tpu.memory_space<semaphore_mem>>) src(%dma_wait3A_117 : memref<128xi32, #tpu.memory_space<hbm>>) dst(%arg9 : memref<128xi32, #tpu.memory_space<vmem>>)
      %dma_wait3A_118 = tpu.memref_slice %arg4[%add3A_54] : memref<327680xi32, #tpu.memory_space<hbm>> -> memref<128xi32, #tpu.memory_space<hbm>>
      %dma_wait3A_119 = tpu.memref_slice %arg4[%add3A_54] : memref<327680xi32, #tpu.memory_space<hbm>> -> memref<128xi32, #tpu.memory_space<hbm>>
      tpu.wait_dma2 semaphore(%arg27 : memref<!tpu.dma_semaphore, #tpu.memory_space<semaphore_mem>>) src(%dma_wait3A_119 : memref<128xi32, #tpu.memory_space<hbm>>) dst(%arg17 : memref<128xi32, #tpu.memory_space<vmem>>)
      %dma_start3A_120 = arith.constant 0 : i32
      %dma_start3A_121 = arith.constant 0 : i32
      %dma_start3A_122 = tpu.memref_slice %arg2[%dma_start3A_120, %dma_start3A_121] : memref<10240x128xf32, #tpu.memory_space<hbm>> -> memref<10240x128xf32, #tpu.memory_space<hbm>>
      tpu.enqueue_indirect_dma source(%dma_start3A_122 : memref<10240x128xf32, #tpu.memory_space<hbm>>) target(%arg23 : memref<128x128xf32, #tpu.memory_space<vmem>>) offsets(%arg9 : memref<128xi32, #tpu.memory_space<vmem>>) semaphore(%arg33 : memref<!tpu.dma_semaphore, #tpu.memory_space<semaphore_mem>>)
      %dma_wait3A_123 = arith.constant 0 : i32
      %dma_wait3A_124 = arith.constant 0 : i32
      %dma_wait3A_125 = tpu.memref_slice %arg2[%dma_wait3A_123, %dma_wait3A_124] : memref<10240x128xf32, #tpu.memory_space<hbm>> -> memref<10240x128xf32, #tpu.memory_space<hbm>>
      tpu.wait_indirect_dma semaphore(%arg33 : memref<!tpu.dma_semaphore, #tpu.memory_space<semaphore_mem>>) src(%dma_wait3A_125 : memref<10240x128xf32, #tpu.memory_space<hbm>>) dst(%arg23 : memref<128x128xf32, #tpu.memory_space<vmem>>)
      "tpu.region"() ({
        %run_scoped3A = tpu.sem_alloc : memref<!tpu.dma_semaphore, #tpu.memory_space<semaphore_mem>>
        %dma_start3A_176 = arith.constant 0 : i32
        %dma_start3A_177 = arith.constant 0 : i32
        %dma_start3A_178 = tpu.memref_slice %arg24[%dma_start3A_176, %dma_start3A_177] : memref<10240x128xf32, #tpu.memory_space<vmem_shared>> -> memref<10240x128xf32, #tpu.memory_space<vmem_shared>>
        tpu.enqueue_indirect_dma source(%arg23 : memref<128x128xf32, #tpu.memory_space<vmem>>) target(%dma_start3A_178 : memref<10240x128xf32, #tpu.memory_space<vmem_shared>>) offsets(%arg17 : memref<128xi32, #tpu.memory_space<vmem>>) semaphore(%run_scoped3A : memref<!tpu.dma_semaphore, #tpu.memory_space<semaphore_mem>>) {add = true}
        %dma_wait3A_179 = arith.constant 0 : i32
        %dma_wait3A_180 = arith.constant 0 : i32
        %dma_wait3A_181 = tpu.memref_slice %arg24[%dma_wait3A_179, %dma_wait3A_180] : memref<10240x128xf32, #tpu.memory_space<vmem_shared>> -> memref<10240x128xf32, #tpu.memory_space<vmem_shared>>
        tpu.wait_indirect_dma semaphore(%run_scoped3A : memref<!tpu.dma_semaphore, #tpu.memory_space<semaphore_mem>>) src(%arg23 : memref<128x128xf32, #tpu.memory_space<vmem>>) dst(%dma_wait3A_181 : memref<10240x128xf32, #tpu.memory_space<vmem_shared>>)
        tpu.yield
      }) : () -> ()
      %dma_wait3A_126 = tpu.memref_slice %arg3[%add3A_58] : memref<327680xi32, #tpu.memory_space<hbm>> -> memref<128xi32, #tpu.memory_space<hbm>>
      %dma_wait3A_127 = tpu.memref_slice %arg3[%add3A_58] : memref<327680xi32, #tpu.memory_space<hbm>> -> memref<128xi32, #tpu.memory_space<hbm>>
      tpu.wait_dma2 semaphore(%arg28 : memref<!tpu.dma_semaphore, #tpu.memory_space<semaphore_mem>>) src(%dma_wait3A_127 : memref<128xi32, #tpu.memory_space<hbm>>) dst(%arg10 : memref<128xi32, #tpu.memory_space<vmem>>)
      %dma_wait3A_128 = tpu.memref_slice %arg4[%add3A_62] : memref<327680xi32, #tpu.memory_space<hbm>> -> memref<128xi32, #tpu.memory_space<hbm>>
      %dma_wait3A_129 = tpu.memref_slice %arg4[%add3A_62] : memref<327680xi32, #tpu.memory_space<hbm>> -> memref<128xi32, #tpu.memory_space<hbm>>
      tpu.wait_dma2 semaphore(%arg28 : memref<!tpu.dma_semaphore, #tpu.memory_space<semaphore_mem>>) src(%dma_wait3A_129 : memref<128xi32, #tpu.memory_space<hbm>>) dst(%arg18 : memref<128xi32, #tpu.memory_space<vmem>>)
      %dma_start3A_130 = arith.constant 0 : i32
      %dma_start3A_131 = arith.constant 0 : i32
      %dma_start3A_132 = tpu.memref_slice %arg2[%dma_start3A_130, %dma_start3A_131] : memref<10240x128xf32, #tpu.memory_space<hbm>> -> memref<10240x128xf32, #tpu.memory_space<hbm>>
      tpu.enqueue_indirect_dma source(%dma_start3A_132 : memref<10240x128xf32, #tpu.memory_space<hbm>>) target(%arg23 : memref<128x128xf32, #tpu.memory_space<vmem>>) offsets(%arg10 : memref<128xi32, #tpu.memory_space<vmem>>) semaphore(%arg33 : memref<!tpu.dma_semaphore, #tpu.memory_space<semaphore_mem>>)
      %dma_wait3A_133 = arith.constant 0 : i32
      %dma_wait3A_134 = arith.constant 0 : i32
      %dma_wait3A_135 = tpu.memref_slice %arg2[%dma_wait3A_133, %dma_wait3A_134] : memref<10240x128xf32, #tpu.memory_space<hbm>> -> memref<10240x128xf32, #tpu.memory_space<hbm>>
      tpu.wait_indirect_dma semaphore(%arg33 : memref<!tpu.dma_semaphore, #tpu.memory_space<semaphore_mem>>) src(%dma_wait3A_135 : memref<10240x128xf32, #tpu.memory_space<hbm>>) dst(%arg23 : memref<128x128xf32, #tpu.memory_space<vmem>>)
      "tpu.region"() ({
        %run_scoped3A = tpu.sem_alloc : memref<!tpu.dma_semaphore, #tpu.memory_space<semaphore_mem>>
        %dma_start3A_176 = arith.constant 0 : i32
        %dma_start3A_177 = arith.constant 0 : i32
        %dma_start3A_178 = tpu.memref_slice %arg24[%dma_start3A_176, %dma_start3A_177] : memref<10240x128xf32, #tpu.memory_space<vmem_shared>> -> memref<10240x128xf32, #tpu.memory_space<vmem_shared>>
        tpu.enqueue_indirect_dma source(%arg23 : memref<128x128xf32, #tpu.memory_space<vmem>>) target(%dma_start3A_178 : memref<10240x128xf32, #tpu.memory_space<vmem_shared>>) offsets(%arg18 : memref<128xi32, #tpu.memory_space<vmem>>) semaphore(%run_scoped3A : memref<!tpu.dma_semaphore, #tpu.memory_space<semaphore_mem>>) {add = true}
        %dma_wait3A_179 = arith.constant 0 : i32
        %dma_wait3A_180 = arith.constant 0 : i32
        %dma_wait3A_181 = tpu.memref_slice %arg24[%dma_wait3A_179, %dma_wait3A_180] : memref<10240x128xf32, #tpu.memory_space<vmem_shared>> -> memref<10240x128xf32, #tpu.memory_space<vmem_shared>>
        tpu.wait_indirect_dma semaphore(%run_scoped3A : memref<!tpu.dma_semaphore, #tpu.memory_space<semaphore_mem>>) src(%arg23 : memref<128x128xf32, #tpu.memory_space<vmem>>) dst(%dma_wait3A_181 : memref<10240x128xf32, #tpu.memory_space<vmem_shared>>)
        tpu.yield
      }) : () -> ()
      %dma_wait3A_136 = tpu.memref_slice %arg3[%add3A_66] : memref<327680xi32, #tpu.memory_space<hbm>> -> memref<128xi32, #tpu.memory_space<hbm>>
      %dma_wait3A_137 = tpu.memref_slice %arg3[%add3A_66] : memref<327680xi32, #tpu.memory_space<hbm>> -> memref<128xi32, #tpu.memory_space<hbm>>
      tpu.wait_dma2 semaphore(%arg29 : memref<!tpu.dma_semaphore, #tpu.memory_space<semaphore_mem>>) src(%dma_wait3A_137 : memref<128xi32, #tpu.memory_space<hbm>>) dst(%arg11 : memref<128xi32, #tpu.memory_space<vmem>>)
      %dma_wait3A_138 = tpu.memref_slice %arg4[%add3A_70] : memref<327680xi32, #tpu.memory_space<hbm>> -> memref<128xi32, #tpu.memory_space<hbm>>
      %dma_wait3A_139 = tpu.memref_slice %arg4[%add3A_70] : memref<327680xi32, #tpu.memory_space<hbm>> -> memref<128xi32, #tpu.memory_space<hbm>>
      tpu.wait_dma2 semaphore(%arg29 : memref<!tpu.dma_semaphore, #tpu.memory_space<semaphore_mem>>) src(%dma_wait3A_139 : memref<128xi32, #tpu.memory_space<hbm>>) dst(%arg19 : memref<128xi32, #tpu.memory_space<vmem>>)
      %dma_start3A_140 = arith.constant 0 : i32
      %dma_start3A_141 = arith.constant 0 : i32
      %dma_start3A_142 = tpu.memref_slice %arg2[%dma_start3A_140, %dma_start3A_141] : memref<10240x128xf32, #tpu.memory_space<hbm>> -> memref<10240x128xf32, #tpu.memory_space<hbm>>
      tpu.enqueue_indirect_dma source(%dma_start3A_142 : memref<10240x128xf32, #tpu.memory_space<hbm>>) target(%arg23 : memref<128x128xf32, #tpu.memory_space<vmem>>) offsets(%arg11 : memref<128xi32, #tpu.memory_space<vmem>>) semaphore(%arg33 : memref<!tpu.dma_semaphore, #tpu.memory_space<semaphore_mem>>)
      %dma_wait3A_143 = arith.constant 0 : i32
      %dma_wait3A_144 = arith.constant 0 : i32
      %dma_wait3A_145 = tpu.memref_slice %arg2[%dma_wait3A_143, %dma_wait3A_144] : memref<10240x128xf32, #tpu.memory_space<hbm>> -> memref<10240x128xf32, #tpu.memory_space<hbm>>
      tpu.wait_indirect_dma semaphore(%arg33 : memref<!tpu.dma_semaphore, #tpu.memory_space<semaphore_mem>>) src(%dma_wait3A_145 : memref<10240x128xf32, #tpu.memory_space<hbm>>) dst(%arg23 : memref<128x128xf32, #tpu.memory_space<vmem>>)
      "tpu.region"() ({
        %run_scoped3A = tpu.sem_alloc : memref<!tpu.dma_semaphore, #tpu.memory_space<semaphore_mem>>
        %dma_start3A_176 = arith.constant 0 : i32
        %dma_start3A_177 = arith.constant 0 : i32
        %dma_start3A_178 = tpu.memref_slice %arg24[%dma_start3A_176, %dma_start3A_177] : memref<10240x128xf32, #tpu.memory_space<vmem_shared>> -> memref<10240x128xf32, #tpu.memory_space<vmem_shared>>
        tpu.enqueue_indirect_dma source(%arg23 : memref<128x128xf32, #tpu.memory_space<vmem>>) target(%dma_start3A_178 : memref<10240x128xf32, #tpu.memory_space<vmem_shared>>) offsets(%arg19 : memref<128xi32, #tpu.memory_space<vmem>>) semaphore(%run_scoped3A : memref<!tpu.dma_semaphore, #tpu.memory_space<semaphore_mem>>) {add = true}
        %dma_wait3A_179 = arith.constant 0 : i32
        %dma_wait3A_180 = arith.constant 0 : i32
        %dma_wait3A_181 = tpu.memref_slice %arg24[%dma_wait3A_179, %dma_wait3A_180] : memref<10240x128xf32, #tpu.memory_space<vmem_shared>> -> memref<10240x128xf32, #tpu.memory_space<vmem_shared>>
        tpu.wait_indirect_dma semaphore(%run_scoped3A : memref<!tpu.dma_semaphore, #tpu.memory_space<semaphore_mem>>) src(%arg23 : memref<128x128xf32, #tpu.memory_space<vmem>>) dst(%dma_wait3A_181 : memref<10240x128xf32, #tpu.memory_space<vmem_shared>>)
        tpu.yield
      }) : () -> ()
      %dma_wait3A_146 = tpu.memref_slice %arg3[%add3A_74] : memref<327680xi32, #tpu.memory_space<hbm>> -> memref<128xi32, #tpu.memory_space<hbm>>
      %dma_wait3A_147 = tpu.memref_slice %arg3[%add3A_74] : memref<327680xi32, #tpu.memory_space<hbm>> -> memref<128xi32, #tpu.memory_space<hbm>>
      tpu.wait_dma2 semaphore(%arg30 : memref<!tpu.dma_semaphore, #tpu.memory_space<semaphore_mem>>) src(%dma_wait3A_147 : memref<128xi32, #tpu.memory_space<hbm>>) dst(%arg12 : memref<128xi32, #tpu.memory_space<vmem>>)
      %dma_wait3A_148 = tpu.memref_slice %arg4[%add3A_78] : memref<327680xi32, #tpu.memory_space<hbm>> -> memref<128xi32, #tpu.memory_space<hbm>>
      %dma_wait3A_149 = tpu.memref_slice %arg4[%add3A_78] : memref<327680xi32, #tpu.memory_space<hbm>> -> memref<128xi32, #tpu.memory_space<hbm>>
      tpu.wait_dma2 semaphore(%arg30 : memref<!tpu.dma_semaphore, #tpu.memory_space<semaphore_mem>>) src(%dma_wait3A_149 : memref<128xi32, #tpu.memory_space<hbm>>) dst(%arg20 : memref<128xi32, #tpu.memory_space<vmem>>)
      %dma_start3A_150 = arith.constant 0 : i32
      %dma_start3A_151 = arith.constant 0 : i32
      %dma_start3A_152 = tpu.memref_slice %arg2[%dma_start3A_150, %dma_start3A_151] : memref<10240x128xf32, #tpu.memory_space<hbm>> -> memref<10240x128xf32, #tpu.memory_space<hbm>>
      tpu.enqueue_indirect_dma source(%dma_start3A_152 : memref<10240x128xf32, #tpu.memory_space<hbm>>) target(%arg23 : memref<128x128xf32, #tpu.memory_space<vmem>>) offsets(%arg12 : memref<128xi32, #tpu.memory_space<vmem>>) semaphore(%arg33 : memref<!tpu.dma_semaphore, #tpu.memory_space<semaphore_mem>>)
      %dma_wait3A_153 = arith.constant 0 : i32
      %dma_wait3A_154 = arith.constant 0 : i32
      %dma_wait3A_155 = tpu.memref_slice %arg2[%dma_wait3A_153, %dma_wait3A_154] : memref<10240x128xf32, #tpu.memory_space<hbm>> -> memref<10240x128xf32, #tpu.memory_space<hbm>>
      tpu.wait_indirect_dma semaphore(%arg33 : memref<!tpu.dma_semaphore, #tpu.memory_space<semaphore_mem>>) src(%dma_wait3A_155 : memref<10240x128xf32, #tpu.memory_space<hbm>>) dst(%arg23 : memref<128x128xf32, #tpu.memory_space<vmem>>)
      "tpu.region"() ({
        %run_scoped3A = tpu.sem_alloc : memref<!tpu.dma_semaphore, #tpu.memory_space<semaphore_mem>>
        %dma_start3A_176 = arith.constant 0 : i32
        %dma_start3A_177 = arith.constant 0 : i32
        %dma_start3A_178 = tpu.memref_slice %arg24[%dma_start3A_176, %dma_start3A_177] : memref<10240x128xf32, #tpu.memory_space<vmem_shared>> -> memref<10240x128xf32, #tpu.memory_space<vmem_shared>>
        tpu.enqueue_indirect_dma source(%arg23 : memref<128x128xf32, #tpu.memory_space<vmem>>) target(%dma_start3A_178 : memref<10240x128xf32, #tpu.memory_space<vmem_shared>>) offsets(%arg20 : memref<128xi32, #tpu.memory_space<vmem>>) semaphore(%run_scoped3A : memref<!tpu.dma_semaphore, #tpu.memory_space<semaphore_mem>>) {add = true}
        %dma_wait3A_179 = arith.constant 0 : i32
        %dma_wait3A_180 = arith.constant 0 : i32
        %dma_wait3A_181 = tpu.memref_slice %arg24[%dma_wait3A_179, %dma_wait3A_180] : memref<10240x128xf32, #tpu.memory_space<vmem_shared>> -> memref<10240x128xf32, #tpu.memory_space<vmem_shared>>
        tpu.wait_indirect_dma semaphore(%run_scoped3A : memref<!tpu.dma_semaphore, #tpu.memory_space<semaphore_mem>>) src(%arg23 : memref<128x128xf32, #tpu.memory_space<vmem>>) dst(%dma_wait3A_181 : memref<10240x128xf32, #tpu.memory_space<vmem_shared>>)
        tpu.yield
      }) : () -> ()
      %dma_wait3A_156 = tpu.memref_slice %arg3[%add3A_82] : memref<327680xi32, #tpu.memory_space<hbm>> -> memref<128xi32, #tpu.memory_space<hbm>>
      %dma_wait3A_157 = tpu.memref_slice %arg3[%add3A_82] : memref<327680xi32, #tpu.memory_space<hbm>> -> memref<128xi32, #tpu.memory_space<hbm>>
      tpu.wait_dma2 semaphore(%arg31 : memref<!tpu.dma_semaphore, #tpu.memory_space<semaphore_mem>>) src(%dma_wait3A_157 : memref<128xi32, #tpu.memory_space<hbm>>) dst(%arg13 : memref<128xi32, #tpu.memory_space<vmem>>)
      %dma_wait3A_158 = tpu.memref_slice %arg4[%add3A_86] : memref<327680xi32, #tpu.memory_space<hbm>> -> memref<128xi32, #tpu.memory_space<hbm>>
      %dma_wait3A_159 = tpu.memref_slice %arg4[%add3A_86] : memref<327680xi32, #tpu.memory_space<hbm>> -> memref<128xi32, #tpu.memory_space<hbm>>
      tpu.wait_dma2 semaphore(%arg31 : memref<!tpu.dma_semaphore, #tpu.memory_space<semaphore_mem>>) src(%dma_wait3A_159 : memref<128xi32, #tpu.memory_space<hbm>>) dst(%arg21 : memref<128xi32, #tpu.memory_space<vmem>>)
      %dma_start3A_160 = arith.constant 0 : i32
      %dma_start3A_161 = arith.constant 0 : i32
      %dma_start3A_162 = tpu.memref_slice %arg2[%dma_start3A_160, %dma_start3A_161] : memref<10240x128xf32, #tpu.memory_space<hbm>> -> memref<10240x128xf32, #tpu.memory_space<hbm>>
      tpu.enqueue_indirect_dma source(%dma_start3A_162 : memref<10240x128xf32, #tpu.memory_space<hbm>>) target(%arg23 : memref<128x128xf32, #tpu.memory_space<vmem>>) offsets(%arg13 : memref<128xi32, #tpu.memory_space<vmem>>) semaphore(%arg33 : memref<!tpu.dma_semaphore, #tpu.memory_space<semaphore_mem>>)
      %dma_wait3A_163 = arith.constant 0 : i32
      %dma_wait3A_164 = arith.constant 0 : i32
      %dma_wait3A_165 = tpu.memref_slice %arg2[%dma_wait3A_163, %dma_wait3A_164] : memref<10240x128xf32, #tpu.memory_space<hbm>> -> memref<10240x128xf32, #tpu.memory_space<hbm>>
      tpu.wait_indirect_dma semaphore(%arg33 : memref<!tpu.dma_semaphore, #tpu.memory_space<semaphore_mem>>) src(%dma_wait3A_165 : memref<10240x128xf32, #tpu.memory_space<hbm>>) dst(%arg23 : memref<128x128xf32, #tpu.memory_space<vmem>>)
      "tpu.region"() ({
        %run_scoped3A = tpu.sem_alloc : memref<!tpu.dma_semaphore, #tpu.memory_space<semaphore_mem>>
        %dma_start3A_176 = arith.constant 0 : i32
        %dma_start3A_177 = arith.constant 0 : i32
        %dma_start3A_178 = tpu.memref_slice %arg24[%dma_start3A_176, %dma_start3A_177] : memref<10240x128xf32, #tpu.memory_space<vmem_shared>> -> memref<10240x128xf32, #tpu.memory_space<vmem_shared>>
        tpu.enqueue_indirect_dma source(%arg23 : memref<128x128xf32, #tpu.memory_space<vmem>>) target(%dma_start3A_178 : memref<10240x128xf32, #tpu.memory_space<vmem_shared>>) offsets(%arg21 : memref<128xi32, #tpu.memory_space<vmem>>) semaphore(%run_scoped3A : memref<!tpu.dma_semaphore, #tpu.memory_space<semaphore_mem>>) {add = true}
        %dma_wait3A_179 = arith.constant 0 : i32
        %dma_wait3A_180 = arith.constant 0 : i32
        %dma_wait3A_181 = tpu.memref_slice %arg24[%dma_wait3A_179, %dma_wait3A_180] : memref<10240x128xf32, #tpu.memory_space<vmem_shared>> -> memref<10240x128xf32, #tpu.memory_space<vmem_shared>>
        tpu.wait_indirect_dma semaphore(%run_scoped3A : memref<!tpu.dma_semaphore, #tpu.memory_space<semaphore_mem>>) src(%arg23 : memref<128x128xf32, #tpu.memory_space<vmem>>) dst(%dma_wait3A_181 : memref<10240x128xf32, #tpu.memory_space<vmem_shared>>)
        tpu.yield
      }) : () -> ()
      %dma_wait3A_166 = tpu.memref_slice %arg3[%add3A_90] : memref<327680xi32, #tpu.memory_space<hbm>> -> memref<128xi32, #tpu.memory_space<hbm>>
      %dma_wait3A_167 = tpu.memref_slice %arg3[%add3A_90] : memref<327680xi32, #tpu.memory_space<hbm>> -> memref<128xi32, #tpu.memory_space<hbm>>
      tpu.wait_dma2 semaphore(%arg32 : memref<!tpu.dma_semaphore, #tpu.memory_space<semaphore_mem>>) src(%dma_wait3A_167 : memref<128xi32, #tpu.memory_space<hbm>>) dst(%arg14 : memref<128xi32, #tpu.memory_space<vmem>>)
      %dma_wait3A_168 = tpu.memref_slice %arg4[%add3A_94] : memref<327680xi32, #tpu.memory_space<hbm>> -> memref<128xi32, #tpu.memory_space<hbm>>
      %dma_wait3A_169 = tpu.memref_slice %arg4[%add3A_94] : memref<327680xi32, #tpu.memory_space<hbm>> -> memref<128xi32, #tpu.memory_space<hbm>>
      tpu.wait_dma2 semaphore(%arg32 : memref<!tpu.dma_semaphore, #tpu.memory_space<semaphore_mem>>) src(%dma_wait3A_169 : memref<128xi32, #tpu.memory_space<hbm>>) dst(%arg22 : memref<128xi32, #tpu.memory_space<vmem>>)
      %dma_start3A_170 = arith.constant 0 : i32
      %dma_start3A_171 = arith.constant 0 : i32
      %dma_start3A_172 = tpu.memref_slice %arg2[%dma_start3A_170, %dma_start3A_171] : memref<10240x128xf32, #tpu.memory_space<hbm>> -> memref<10240x128xf32, #tpu.memory_space<hbm>>
      tpu.enqueue_indirect_dma source(%dma_start3A_172 : memref<10240x128xf32, #tpu.memory_space<hbm>>) target(%arg23 : memref<128x128xf32, #tpu.memory_space<vmem>>) offsets(%arg14 : memref<128xi32, #tpu.memory_space<vmem>>) semaphore(%arg33 : memref<!tpu.dma_semaphore, #tpu.memory_space<semaphore_mem>>)
      %dma_wait3A_173 = arith.constant 0 : i32
      %dma_wait3A_174 = arith.constant 0 : i32
      %dma_wait3A_175 = tpu.memref_slice %arg2[%dma_wait3A_173, %dma_wait3A_174] : memref<10240x128xf32, #tpu.memory_space<hbm>> -> memref<10240x128xf32, #tpu.memory_space<hbm>>
      tpu.wait_indirect_dma semaphore(%arg33 : memref<!tpu.dma_semaphore, #tpu.memory_space<semaphore_mem>>) src(%dma_wait3A_175 : memref<10240x128xf32, #tpu.memory_space<hbm>>) dst(%arg23 : memref<128x128xf32, #tpu.memory_space<vmem>>)
      "tpu.region"() ({
        %run_scoped3A = tpu.sem_alloc : memref<!tpu.dma_semaphore, #tpu.memory_space<semaphore_mem>>
        %dma_start3A_176 = arith.constant 0 : i32
        %dma_start3A_177 = arith.constant 0 : i32
        %dma_start3A_178 = tpu.memref_slice %arg24[%dma_start3A_176, %dma_start3A_177] : memref<10240x128xf32, #tpu.memory_space<vmem_shared>> -> memref<10240x128xf32, #tpu.memory_space<vmem_shared>>
        tpu.enqueue_indirect_dma source(%arg23 : memref<128x128xf32, #tpu.memory_space<vmem>>) target(%dma_start3A_178 : memref<10240x128xf32, #tpu.memory_space<vmem_shared>>) offsets(%arg22 : memref<128xi32, #tpu.memory_space<vmem>>) semaphore(%run_scoped3A : memref<!tpu.dma_semaphore, #tpu.memory_space<semaphore_mem>>) {add = true}
        %dma_wait3A_179 = arith.constant 0 : i32
        %dma_wait3A_180 = arith.constant 0 : i32
        %dma_wait3A_181 = tpu.memref_slice %arg24[%dma_wait3A_179, %dma_wait3A_180] : memref<10240x128xf32, #tpu.memory_space<vmem_shared>> -> memref<10240x128xf32, #tpu.memory_space<vmem_shared>>
        tpu.wait_indirect_dma semaphore(%run_scoped3A : memref<!tpu.dma_semaphore, #tpu.memory_space<semaphore_mem>>) src(%arg23 : memref<128x128xf32, #tpu.memory_space<vmem>>) dst(%dma_wait3A_181 : memref<10240x128xf32, #tpu.memory_space<vmem_shared>>)
        tpu.yield
      }) : () -> ()
    }
    %barrier3A_22 = arith.constant 0 : index
    tpu.barrier barrier_id(%barrier3A_22)
    %mul3A_23 = arith.constant 640 : i32
    %mul3A_24 = arith.muli %arg1, %mul3A_23 : i32
    %mul3A_25 = arith.constant 10240 : i32
    %mul3A_26 = arith.muli %arg0, %mul3A_25 : i32
    %mul3A_27 = arith.constant 640 : i32
    %mul3A_28 = arith.muli %arg1, %mul3A_27 : i32
    %add3A_29 = arith.addi %mul3A_26, %mul3A_28 : i32
    "tpu.region"() ({
      %run_scoped3A = tpu.sem_alloc : memref<!tpu.dma_semaphore, #tpu.memory_space<semaphore_mem>>
      %dma_start3A = arith.constant 0 : i32
      %dma_start3A_30 = tpu.memref_slice %arg6[%add3A_29, %dma_start3A] : memref<20480x128xf32, #tpu.memory_space<hbm>> -> memref<640x128xf32, #tpu.memory_space<hbm>>
      %dma_start3A_31 = arith.constant 0 : i32
      %dma_start3A_32 = tpu.memref_slice %arg24[%mul3A_24, %dma_start3A_31] : memref<10240x128xf32, #tpu.memory_space<vmem_shared>> -> memref<640x128xf32, #tpu.memory_space<vmem_shared>>
      tpu.enqueue_dma source(%dma_start3A_32 : memref<640x128xf32, #tpu.memory_space<vmem_shared>>) target(%dma_start3A_30 : memref<640x128xf32, #tpu.memory_space<hbm>>) target_semaphore(%run_scoped3A : memref<!tpu.dma_semaphore, #tpu.memory_space<semaphore_mem>>)
      %dma_wait3A = arith.constant 0 : i32
      %dma_wait3A_33 = tpu.memref_slice %arg6[%add3A_29, %dma_wait3A] : memref<20480x128xf32, #tpu.memory_space<hbm>> -> memref<640x128xf32, #tpu.memory_space<hbm>>
      %dma_wait3A_34 = arith.constant 0 : i32
      %dma_wait3A_35 = tpu.memref_slice %arg24[%mul3A_24, %dma_wait3A_34] : memref<10240x128xf32, #tpu.memory_space<vmem_shared>> -> memref<640x128xf32, #tpu.memory_space<vmem_shared>>
      tpu.wait_dma2 semaphore(%run_scoped3A : memref<!tpu.dma_semaphore, #tpu.memory_space<semaphore_mem>>) src(%dma_wait3A_35 : memref<640x128xf32, #tpu.memory_space<vmem_shared>>) dst(%dma_wait3A_33 : memref<640x128xf32, #tpu.memory_space<hbm>>)
      tpu.yield
    }) : () -> ()
    return
  }
}

module attributes {stable_mosaic.version = 14 : i64} {
  func.func @_tc1_body(%arg0: i32, %arg1: memref<1024x128xf32, #tpu.memory_space<vmem>>, %arg2: memref<128x128xf32, #tpu.memory_space<vmem>>, %arg3: memref<2x1024x128xf32, #tpu.memory_space<vmem>>, %arg4: memref<1024x128xf32, #tpu.memory_space<vmem>>) attributes {dimension_semantics = [#tpu.dimension_semantics<arbitrary>], iteration_bounds = array<i64: 10>, scalar_prefetch = 0 : i64, scratch_operands = 0 : i64, tpu.core_type = #tpu.core_type<tc>, window_params = [{transform_indices = @transform_0, window_bounds = array<i64: 1024, 128>}, {pipeline_mode = #tpu.pipeline_mode<synchronous>, transform_indices = @transform_1, window_bounds = array<i64: 128, 128>}, {transform_indices = @transform_2, window_bounds = array<i64: 2, 1024, 128>}, {transform_indices = @transform_3, window_bounds = array<i64: 1024, 128>}]} {
    %get3A = arith.constant 0 : index
    %get3A_0 = arith.constant 0 : index
    %get3A_1 = arith.constant 0 : index
    %get3A_2 = vector.load %arg3[%get3A, %get3A_0, %get3A_1] : memref<2x1024x128xf32, #tpu.memory_space<vmem>>, vector<2x1024x128xf32>
    %slice3A = vector.extract_strided_slice %get3A_2 {offsets = [0, 0, 0], sizes = [1, 1024, 1], strides = [1, 1, 1]} : vector<2x1024x128xf32> to vector<1x1024x1xf32>
    %squeeze3A = vector.shape_cast %slice3A : vector<1x1024x1xf32> to vector<1024xf32>
    %slice3A_3 = vector.extract_strided_slice %get3A_2 {offsets = [1, 0, 0], sizes = [1, 1024, 1], strides = [1, 1, 1]} : vector<2x1024x128xf32> to vector<1x1024x1xf32>
    %squeeze3A_4 = vector.shape_cast %slice3A_3 : vector<1x1024x1xf32> to vector<1024xf32>
    %add3A = arith.addf %squeeze3A, %squeeze3A_4 : vector<1024xf32>
    %add3A_5 = arith.constant 1.000000e+00 : f32
    %add3A_6 = vector.broadcast %add3A_5 : f32 to vector<1024xf32>
    %add3A_7 = arith.addf %add3A, %add3A_6 : vector<1024xf32>
    %rsqrt3A = math.rsqrt %add3A_7 : vector<1024xf32>
    %get3A_8 = arith.constant 0 : index
    %get3A_9 = arith.constant 0 : index
    %get3A_10 = vector.load %arg1[%get3A_8, %get3A_9] : memref<1024x128xf32, #tpu.memory_space<vmem>>, vector<1024x128xf32>
    %get3A_11 = arith.constant 0 : index
    %get3A_12 = arith.constant 0 : index
    %get3A_13 = vector.load %arg2[%get3A_11, %get3A_12] : memref<128x128xf32, #tpu.memory_space<vmem>>, vector<128x128xf32>
    %dot_general3A = arith.constant dense<0.000000e+00> : vector<1024x128xf32>
    %dot_general3A_14 = tpu.matmul %get3A_10, %get3A_13, %dot_general3A {dimension_numbers = #tpu.dot_dimension_numbers<[1], [0], [0], [1], [0, 0, 1, 1], [], []>, transpose_lhs_hint = false} : vector<1024x128xf32>, vector<128x128xf32>, vector<1024x128xf32> -> vector<1024x128xf32>
    %broadcast_in_dim3A = vector.shape_cast %rsqrt3A : vector<1024xf32> to vector<1024x1xf32>
    %mul3A = vector.broadcast %broadcast_in_dim3A : vector<1024x1xf32> to vector<1024x128xf32>
    %mul3A_15 = arith.mulf %dot_general3A_14, %mul3A : vector<1024x128xf32>
    %swap3A = arith.constant 0 : index
    %swap3A_16 = arith.constant 0 : index
    %swap3A_17 = vector.load %arg4[%swap3A, %swap3A_16] : memref<1024x128xf32, #tpu.memory_space<vmem>>, vector<1024x128xf32>
    tpu.vector_store %arg4[%swap3A, %swap3A_16], %mul3A_15 {strides = array<i32>} : memref<1024x128xf32, #tpu.memory_space<vmem>>, vector<1024x128xf32>,
    return
  }
  func.func @transform_0(%arg0: i32) -> (i32, i32) {
    %c0_i32 = arith.constant 0 : i32
    %c0_i32_0 = arith.constant 0 : i32
    return %arg0, %c0_i32 : i32, i32
  }
  func.func @transform_1(%arg0: i32) -> (i32, i32) {
    %c0_i32 = arith.constant 0 : i32
    %c0_i32_0 = arith.constant 0 : i32
    %c0_i32_1 = arith.constant 0 : i32
    return %c0_i32, %c0_i32_0 : i32, i32
  }
  func.func @transform_2(%arg0: i32) -> (i32, i32, i32) {
    %c0_i32 = arith.constant 0 : i32
    %c0_i32_0 = arith.constant 0 : i32
    %c0_i32_1 = arith.constant 0 : i32
    return %c0_i32, %arg0, %c0_i32_0 : i32, i32, i32
  }
  func.func @transform_3(%arg0: i32) -> (i32, i32) {
    %c0_i32 = arith.constant 0 : i32
    %c0_i32_0 = arith.constant 0 : i32
    return %arg0, %c0_i32 : i32, i32
  }
}

module attributes {stable_mosaic.version = 14 : i64} {
  func.func @_tc2_body(%arg0: i32, %arg1: memref<2x1024x128xf32, #tpu.memory_space<vmem>>, %arg2: memref<1024x128xf32, #tpu.memory_space<vmem>>, %arg3: memref<2x1024x128xf32, #tpu.memory_space<vmem>>, %arg4: memref<1x128xf32, #tpu.memory_space<vmem>>, %arg5: memref<128x128xf32, #tpu.memory_space<vmem>>, %arg6: memref<1024x128xf32, #tpu.memory_space<vmem>>) attributes {dimension_semantics = [#tpu.dimension_semantics<arbitrary>], iteration_bounds = array<i64: 10>, scalar_prefetch = 0 : i64, scratch_operands = 0 : i64, tpu.core_type = #tpu.core_type<tc>, window_params = [{transform_indices = @transform_0, window_bounds = array<i64: 2, 1024, 128>}, {transform_indices = @transform_1, window_bounds = array<i64: 1024, 128>}, {transform_indices = @transform_2, window_bounds = array<i64: 2, 1024, 128>}, {pipeline_mode = #tpu.pipeline_mode<synchronous>, transform_indices = @transform_3, window_bounds = array<i64: 1, 128>}, {pipeline_mode = #tpu.pipeline_mode<synchronous>, transform_indices = @transform_4, window_bounds = array<i64: 128, 128>}, {transform_indices = @transform_5, window_bounds = array<i64: 1024, 128>}]} {
    %get3A = arith.constant 0 : index
    %get3A_0 = arith.constant 0 : index
    %get3A_1 = arith.constant 0 : index
    %get3A_2 = vector.load %arg3[%get3A, %get3A_0, %get3A_1] : memref<2x1024x128xf32, #tpu.memory_space<vmem>>, vector<2x1024x128xf32>
    %slice3A = vector.extract_strided_slice %get3A_2 {offsets = [0, 0, 0], sizes = [1, 1024, 1], strides = [1, 1, 1]} : vector<2x1024x128xf32> to vector<1x1024x1xf32>
    %squeeze3A = vector.shape_cast %slice3A : vector<1x1024x1xf32> to vector<1024xf32>
    %slice3A_3 = vector.extract_strided_slice %get3A_2 {offsets = [1, 0, 0], sizes = [1, 1024, 1], strides = [1, 1, 1]} : vector<2x1024x128xf32> to vector<1x1024x1xf32>
    %squeeze3A_4 = vector.shape_cast %slice3A_3 : vector<1x1024x1xf32> to vector<1024xf32>
    %add3A = arith.addf %squeeze3A, %squeeze3A_4 : vector<1024xf32>
    %add3A_5 = arith.constant 1.000000e+00 : f32
    %add3A_6 = vector.broadcast %add3A_5 : f32 to vector<1024xf32>
    %add3A_7 = arith.addf %add3A, %add3A_6 : vector<1024xf32>
    %rsqrt3A = math.rsqrt %add3A_7 : vector<1024xf32>
    %get3A_8 = arith.constant 0 : index
    %get3A_9 = arith.constant 0 : index
    %get3A_10 = arith.constant 0 : index
    %get3A_11 = vector.load %arg1[%get3A_8, %get3A_9, %get3A_10] : memref<2x1024x128xf32, #tpu.memory_space<vmem>>, vector<1x1024x128xf32>
    %get3A_12 = vector.shape_cast %get3A_11 : vector<1x1024x128xf32> to vector<1024x128xf32>
    %get3A_13 = arith.constant 1 : index
    %get3A_14 = arith.constant 0 : index
    %get3A_15 = arith.constant 0 : index
    %get3A_16 = vector.load %arg1[%get3A_13, %get3A_14, %get3A_15] : memref<2x1024x128xf32, #tpu.memory_space<vmem>>, vector<1x1024x128xf32>
    %get3A_17 = vector.shape_cast %get3A_16 : vector<1x1024x128xf32> to vector<1024x128xf32>
    %add3A_18 = arith.addf %get3A_12, %get3A_17 : vector<1024x128xf32>
    %get3A_19 = arith.constant 0 : index
    %get3A_20 = arith.constant 0 : index
    %get3A_21 = vector.load %arg2[%get3A_19, %get3A_20] : memref<1024x128xf32, #tpu.memory_space<vmem>>, vector<1024x128xf32>
    %add3A_22 = arith.addf %add3A_18, %get3A_21 : vector<1024x128xf32>
    %broadcast_in_dim3A = vector.shape_cast %rsqrt3A : vector<1024xf32> to vector<1024x1xf32>
    %mul3A = vector.broadcast %broadcast_in_dim3A : vector<1024x1xf32> to vector<1024x128xf32>
    %mul3A_23 = arith.mulf %add3A_22, %mul3A : vector<1024x128xf32>
    %get3A_24 = arith.constant 0 : index
    %get3A_25 = arith.constant 0 : index
    %get3A_26 = vector.load %arg4[%get3A_24, %get3A_25] : memref<1x128xf32, #tpu.memory_space<vmem>>, vector<1x128xf32>
    %add3A_27 = vector.broadcast %get3A_26 : vector<1x128xf32> to vector<1024x128xf32>
    %add3A_28 = arith.addf %mul3A_23, %add3A_27 : vector<1024x128xf32>
    %max3A = arith.constant 0.000000e+00 : f32
    %max3A_29 = vector.broadcast %max3A : f32 to vector<1024x128xf32>
    %max3A_30 = arith.maximumf %add3A_28, %max3A_29 : vector<1024x128xf32>
    %get3A_31 = arith.constant 0 : index
    %get3A_32 = arith.constant 0 : index
    %get3A_33 = vector.load %arg5[%get3A_31, %get3A_32] : memref<128x128xf32, #tpu.memory_space<vmem>>, vector<128x128xf32>
    %dot_general3A = arith.constant dense<0.000000e+00> : vector<1024x128xf32>
    %dot_general3A_34 = tpu.matmul %max3A_30, %get3A_33, %dot_general3A {dimension_numbers = #tpu.dot_dimension_numbers<[1], [0], [0], [1], [0, 0, 1, 1], [], []>, transpose_lhs_hint = false} : vector<1024x128xf32>, vector<128x128xf32>, vector<1024x128xf32> -> vector<1024x128xf32>
    %broadcast_in_dim3A_35 = vector.shape_cast %rsqrt3A : vector<1024xf32> to vector<1024x1xf32>
    %mul3A_36 = vector.broadcast %broadcast_in_dim3A_35 : vector<1024x1xf32> to vector<1024x128xf32>
    %mul3A_37 = arith.mulf %dot_general3A_34, %mul3A_36 : vector<1024x128xf32>
    %mul3A_38 = arith.constant 1024 : i32
    %mul3A_39 = arith.muli %arg0, %mul3A_38 : i32
    %iota3A = tpu.iota {dimensions = array<i32: 0>} : vector<1024x128xi32>
    %add3A_40 = vector.broadcast %mul3A_39 : i32 to vector<1024x128xi32>
    %add3A_41 = arith.addi %add3A_40, %iota3A : vector<1024x128xi32>
    %lt3A = arith.constant 10000 : i32
    %lt3A_42 = vector.broadcast %lt3A : i32 to vector<1024x128xi32>
    %lt3A_43 = arith.cmpi slt, %add3A_41, %lt3A_42 : vector<1024x128xi32>
    %jit3A = arith.constant 0.000000e+00 : f32
    %broadcast_in_dim3A_44 = vector.broadcast %jit3A : f32 to vector<1024x128xf32>
    %select_n3A = arith.select %lt3A_43, %mul3A_37, %broadcast_in_dim3A_44 : vector<1024x128xi1>, vector<1024x128xf32>
    %swap3A = arith.constant 0 : index
    %swap3A_45 = arith.constant 0 : index
    %swap3A_46 = vector.load %arg6[%swap3A, %swap3A_45] : memref<1024x128xf32, #tpu.memory_space<vmem>>, vector<1024x128xf32>
    tpu.vector_store %arg6[%swap3A, %swap3A_45], %select_n3A {strides = array<i32>} : memref<1024x128xf32, #tpu.memory_space<vmem>>, vector<1024x128xf32>,
    return
  }
  func.func @transform_0(%arg0: i32) -> (i32, i32, i32) {
    %c0_i32 = arith.constant 0 : i32
    %c0_i32_0 = arith.constant 0 : i32
    %c0_i32_1 = arith.constant 0 : i32
    return %c0_i32, %arg0, %c0_i32_0 : i32, i32, i32
  }
  func.func @transform_1(%arg0: i32) -> (i32, i32) {
    %c0_i32 = arith.constant 0 : i32
    %c0_i32_0 = arith.constant 0 : i32
    return %arg0, %c0_i32 : i32, i32
  }
  func.func @transform_2(%arg0: i32) -> (i32, i32, i32) {
    %c0_i32 = arith.constant 0 : i32
    %c0_i32_0 = arith.constant 0 : i32
    %c0_i32_1 = arith.constant 0 : i32
    return %c0_i32, %arg0, %c0_i32_0 : i32, i32, i32
  }
  func.func @transform_3(%arg0: i32) -> (i32, i32) {
    %c0_i32 = arith.constant 0 : i32
    %c0_i32_0 = arith.constant 0 : i32
    %c0_i32_1 = arith.constant 0 : i32
    return %c0_i32, %c0_i32_0 : i32, i32
  }
  func.func @transform_4(%arg0: i32) -> (i32, i32) {
    %c0_i32 = arith.constant 0 : i32
    %c0_i32_0 = arith.constant 0 : i32
    %c0_i32_1 = arith.constant 0 : i32
    return %c0_i32, %c0_i32_0 : i32, i32
  }
  func.func @transform_5(%arg0: i32) -> (i32, i32) {
    %c0_i32 = arith.constant 0 : i32
    %c0_i32_0 = arith.constant 0 : i32
    return %arg0, %c0_i32 : i32, i32
  }
}

module attributes {stable_mosaic.version = 14 : i64} {
  func.func @_tc3_body(%arg0: i32, %arg1: memref<2x1024x128xf32, #tpu.memory_space<vmem>>, %arg2: memref<1024x128xf32, #tpu.memory_space<vmem>>, %arg3: memref<2x1024x128xf32, #tpu.memory_space<vmem>>, %arg4: memref<1x128xf32, #tpu.memory_space<vmem>>, %arg5: memref<1024x128xf32, #tpu.memory_space<vmem>>) attributes {dimension_semantics = [#tpu.dimension_semantics<arbitrary>], iteration_bounds = array<i64: 10>, scalar_prefetch = 0 : i64, scratch_operands = 0 : i64, tpu.core_type = #tpu.core_type<tc>, window_params = [{transform_indices = @transform_0, window_bounds = array<i64: 2, 1024, 128>}, {transform_indices = @transform_1, window_bounds = array<i64: 1024, 128>}, {transform_indices = @transform_2, window_bounds = array<i64: 2, 1024, 128>}, {pipeline_mode = #tpu.pipeline_mode<synchronous>, transform_indices = @transform_3, window_bounds = array<i64: 1, 128>}, {transform_indices = @transform_4, window_bounds = array<i64: 1024, 128>}]} {
    %get3A = arith.constant 0 : index
    %get3A_0 = arith.constant 0 : index
    %get3A_1 = arith.constant 0 : index
    %get3A_2 = vector.load %arg3[%get3A, %get3A_0, %get3A_1] : memref<2x1024x128xf32, #tpu.memory_space<vmem>>, vector<2x1024x128xf32>
    %slice3A = vector.extract_strided_slice %get3A_2 {offsets = [0, 0, 0], sizes = [1, 1024, 1], strides = [1, 1, 1]} : vector<2x1024x128xf32> to vector<1x1024x1xf32>
    %squeeze3A = vector.shape_cast %slice3A : vector<1x1024x1xf32> to vector<1024xf32>
    %slice3A_3 = vector.extract_strided_slice %get3A_2 {offsets = [1, 0, 0], sizes = [1, 1024, 1], strides = [1, 1, 1]} : vector<2x1024x128xf32> to vector<1x1024x1xf32>
    %squeeze3A_4 = vector.shape_cast %slice3A_3 : vector<1x1024x1xf32> to vector<1024xf32>
    %add3A = arith.addf %squeeze3A, %squeeze3A_4 : vector<1024xf32>
    %add3A_5 = arith.constant 1.000000e+00 : f32
    %add3A_6 = vector.broadcast %add3A_5 : f32 to vector<1024xf32>
    %add3A_7 = arith.addf %add3A, %add3A_6 : vector<1024xf32>
    %rsqrt3A = math.rsqrt %add3A_7 : vector<1024xf32>
    %get3A_8 = arith.constant 0 : index
    %get3A_9 = arith.constant 0 : index
    %get3A_10 = arith.constant 0 : index
    %get3A_11 = vector.load %arg1[%get3A_8, %get3A_9, %get3A_10] : memref<2x1024x128xf32, #tpu.memory_space<vmem>>, vector<1x1024x128xf32>
    %get3A_12 = vector.shape_cast %get3A_11 : vector<1x1024x128xf32> to vector<1024x128xf32>
    %get3A_13 = arith.constant 1 : index
    %get3A_14 = arith.constant 0 : index
    %get3A_15 = arith.constant 0 : index
    %get3A_16 = vector.load %arg1[%get3A_13, %get3A_14, %get3A_15] : memref<2x1024x128xf32, #tpu.memory_space<vmem>>, vector<1x1024x128xf32>
    %get3A_17 = vector.shape_cast %get3A_16 : vector<1x1024x128xf32> to vector<1024x128xf32>
    %add3A_18 = arith.addf %get3A_12, %get3A_17 : vector<1024x128xf32>
    %get3A_19 = arith.constant 0 : index
    %get3A_20 = arith.constant 0 : index
    %get3A_21 = vector.load %arg2[%get3A_19, %get3A_20] : memref<1024x128xf32, #tpu.memory_space<vmem>>, vector<1024x128xf32>
    %add3A_22 = arith.addf %add3A_18, %get3A_21 : vector<1024x128xf32>
    %broadcast_in_dim3A = vector.shape_cast %rsqrt3A : vector<1024xf32> to vector<1024x1xf32>
    %mul3A = vector.broadcast %broadcast_in_dim3A : vector<1024x1xf32> to vector<1024x128xf32>
    %mul3A_23 = arith.mulf %add3A_22, %mul3A : vector<1024x128xf32>
    %get3A_24 = arith.constant 0 : index
    %get3A_25 = arith.constant 0 : index
    %get3A_26 = vector.load %arg4[%get3A_24, %get3A_25] : memref<1x128xf32, #tpu.memory_space<vmem>>, vector<1x128xf32>
    %add3A_27 = vector.broadcast %get3A_26 : vector<1x128xf32> to vector<1024x128xf32>
    %add3A_28 = arith.addf %mul3A_23, %add3A_27 : vector<1024x128xf32>
    %max3A = arith.constant 0.000000e+00 : f32
    %max3A_29 = vector.broadcast %max3A : f32 to vector<1024x128xf32>
    %max3A_30 = arith.maximumf %add3A_28, %max3A_29 : vector<1024x128xf32>
    %swap3A = arith.constant 0 : index
    %swap3A_31 = arith.constant 0 : index
    %swap3A_32 = vector.load %arg5[%swap3A, %swap3A_31] : memref<1024x128xf32, #tpu.memory_space<vmem>>, vector<1024x128xf32>
    tpu.vector_store %arg5[%swap3A, %swap3A_31], %max3A_30 {strides = array<i32>} : memref<1024x128xf32, #tpu.memory_space<vmem>>, vector<1024x128xf32>,
    return
  }
  func.func @transform_0(%arg0: i32) -> (i32, i32, i32) {
    %c0_i32 = arith.constant 0 : i32
    %c0_i32_0 = arith.constant 0 : i32
    %c0_i32_1 = arith.constant 0 : i32
    return %c0_i32, %arg0, %c0_i32_0 : i32, i32, i32
  }
  func.func @transform_1(%arg0: i32) -> (i32, i32) {
    %c0_i32 = arith.constant 0 : i32
    %c0_i32_0 = arith.constant 0 : i32
    return %arg0, %c0_i32 : i32, i32
  }
  func.func @transform_2(%arg0: i32) -> (i32, i32, i32) {
    %c0_i32 = arith.constant 0 : i32
    %c0_i32_0 = arith.constant 0 : i32
    %c0_i32_1 = arith.constant 0 : i32
    return %c0_i32, %arg0, %c0_i32_0 : i32, i32, i32
  }
  func.func @transform_3(%arg0: i32) -> (i32, i32) {
    %c0_i32 = arith.constant 0 : i32
    %c0_i32_0 = arith.constant 0 : i32
    %c0_i32_1 = arith.constant 0 : i32
    return %c0_i32, %c0_i32_0 : i32, i32
  }
  func.func @transform_4(%arg0: i32) -> (i32, i32) {
    %c0_i32 = arith.constant 0 : i32
    %c0_i32_0 = arith.constant 0 : i32
    return %arg0, %c0_i32 : i32, i32
  }
}

</mosaic_0001>

<sc_bundles>
// kernel: kernel.11.cloned.1.call-start
scs
__scs_entry_jumppad:
0x0: {  	(pc) =	sbr.rel $0x88, $3  }
0x1: {  	(tag) =	ssettag $0x0;
	lr =	simm.s32 $0x1  }
0x2: {  	[smem:$0x3F9B] =	sst lr;
	_ =	strace $0xD0000000  }
0x3: {  	_ = 	snop  }
0x4: {  	_ = 	snop  }
0x5: {  	_ = 	snop  }
0x6: {  	_ = 	snop  }
0x7: {  	_ = 	snop  }
__scs_overlays_trampoline_lowered:
0x8: {  	[smem:$0x3FAA] =	sst s0  }
0x9: {  	[smem:$0x3FAB] =	sst s1  }
0xa: {  	[smem:$0x3FAC] =	sst s2  }
0xb: {  	[smem:$0x3FAD] =	sst s3  }
0xc: {  	[smem:$0x3FAE] =	sst s4  }
0xd: {  	[smem:$0x3FAF] =	sst s5  }
0xe: {  	[smem:$0x3FB0] =	sst s6  }
0xf: {  	[smem:$0x3FB1] =	sst s7  }
0x10: {  	[smem:$0x3FB2] =	sst s8  }
0x11: {  	[smem:$0x3FB3] =	sst s9;
	s0 =	simm.s32 @!p0 $0x0  }
0x12: {  	s1 =	sld [smem:$0x3F99];
	s0 =	simm.s32 @p0 $0x1  }
0x13: {  	[smem:$0x3FB4] =	sst s0;
	s0 =	simm.s32 @!p1 $0x0  }
0x14: {  	s2 =	sld [smem:$0x3F98];
	s0 =	simm.s32 @p1 $0x1  }
0x15: {  	[smem:$0x3FB5] =	sst s0;
	s0 =	simm.s32 @!p2 $0x0  }
0x16: {  	s3 =	sld [smem:$0x3FDB];
	s0 =	simm.s32 @p2 $0x1  }
0x17: {  	s4 =	simm.s32 $0x1BF5;
	[smem:$0x3FB7] =	sst s0  }
0x18: {  	s0 =	sld [smem:$0x3F9A];
	_ =	swait.ge [sflag:s4], $0x0  }
0x19: {  	s7 =	sld [smem:$0x3F9B]  }
0x1a: {  	s8 =	sadd.s32 $0xFFFFE003, lr  }
0x1b: {  	s9 =	sadd.s32 $0xFFFFFEF7, lr;
	s5 =	simm.s32 $0xFFFFFFFF;
	p2 =	slt.u32 s8, $0xFFFFF086  }
0x1c: {  	p1 =	slt.u32 s9, $0xF7A;
	s5 =	simm.s32 @!p2 $0x0  }
0x1d: {  	s5 =	simm.s32 @p1 $0x1;
	p0 =	seq.s32 s7, s2  }
0x1e: {  	s7 =	smul.u32 @!p0 $0xF7A, s2;
	p2 =	seq.s32 @!p0 s5, $0x0  }
0x1f: {  	s9 =	smul.u32 $0xF7A, s1;
	s8 =	simm.s32 @!p0 $0x1BF5;
	p2 =	por !p2, p0  }
0x20: {  	[sflag:s8] =	ssyncset.s32 @!p0 $0xFFFFF086;
	s6 =	sadd.s32 @!p0 s3, s7;
	s7 =	simm.s32 @!p0 $0x108  }
0x21: {  	s3 =	sadd.s32 s3, s9;
	s6 =	sadd.s32 @!p0 $0x88, s6;
	s7 =	simm.s32 @p2 $0x1082  }
0x22: {  	[simem:s7], [sflag:s8] =	dma.local @!p0 [hbm:s6], $0xF7A  }
0x23: {  	s9 =	sor.u32 $0xD0000000, s2;
	s6 =	simm.s32 $0x108;
	_ =	swait.ge @!p0 [sflag:s8], $0x0  }
0x24: {  	s3 =	sadd.s32 $0x88, s3;
	s6 =	simm.s32 @!p1 $0x1082;
	[sflag:s4] =	ssyncset.s32 $0xFFFFF086  }
0x25: {  	[simem:s6], [sflag:s4] =	dma.local [hbm:s3], $0xF7A  }
0x26: {  	[smem:$0x3F9B] =	sst s1;
	(tag) =	ssettag s2;
	_ =	strace s9  }
0x27: {  	s1 =	sld [smem:$0x3FAB]  }
0x28: {  	s2 =	sld [smem:$0x3FAC]  }
0x29: {  	s4 =	sld [smem:$0x3FAE]  }
0x2a: {  	p0 =	seq.s32 s5, $0x0;
	s5 =	sld [smem:$0x3FAF]  }
0x2b: {  	s6 =	sld [smem:$0x3FB0]  }
0x2c: {  	s7 =	sld [smem:$0x3FB1]  }
0x2d: {  	s3 =	simm.s32 $0x108;
	s8 =	sld [smem:$0x3FB2]  }
0x2e: {  	s3 =	simm.s32 @!p0 $0x1082;
	s9 =	sld [smem:$0x3FB3]  }
0x2f: {  	lr =	sadd.s32 s0, s3;
	s0 =	sld [smem:$0x3FAA]  }
0x30: {  	s3 =	sld [smem:$0x3FAD]  }
0x31: {  	[smem:$0x3FB6] =	sst s10  }
0x32: {  	s10 =	sld [smem:$0x3FB4];
	_ =	sdelay $0x3  }
0x33: {  	p0 =	seq.s32 s10, $0x1;
	s10 =	sld [smem:$0x3FB6];
	_ =	sdelay $0x3  }
0x34: {  	[smem:$0x3FB6] =	sst s10  }
0x35: {  	s10 =	sld [smem:$0x3FB5];
	_ =	sdelay $0x3  }
0x36: {  	p1 =	seq.s32 s10, $0x1;
	s10 =	sld [smem:$0x3FB6];
	_ =	sdelay $0x3  }
0x37: {  	[smem:$0x3FB6] =	sst s10  }
0x38: {  	s10 =	sld [smem:$0x3FB7]  }
0x39: {  	_ = 	snop;
	(pc) =	sbr.ind lr, $3  }
0x3a: {  	_ = 	snop  }
0x3b: {  	_ = 	snop  }
0x3c: {  	p2 =	seq.s32 s10, $0x1;
	s10 =	sld [smem:$0x3FB6]  }
0x3d: {  	_ =	shalt  }
0x3e: {  	_ =	shalt  }
0x3f: {  	_ =	shalt  }
0x40: {  	_ =	shalt  }
0x41: {  	_ =	shalt  }
0x42: {  	_ =	shalt  }
0x43: {  	_ =	shalt  }
0x44: {  	_ =	shalt  }
0x45: {  	_ =	shalt  }
0x46: {  	_ =	shalt  }
0x47: {  	_ =	shalt  }
0x48: {  	_ =	shalt  }
0x49: {  	_ =	shalt  }
0x4a: {  	_ =	shalt  }
0x4b: {  	_ =	shalt  }
0x4c: {  	_ =	shalt  }
0x4d: {  	_ =	shalt  }
0x4e: {  	_ =	shalt  }
0x4f: {  	_ =	shalt  }
0x50: {  	_ =	shalt  }
0x51: {  	_ =	shalt  }
0x52: {  	_ =	shalt  }
0x53: {  	_ =	shalt  }
0x54: {  	_ =	shalt  }
0x55: {  	_ =	shalt  }
0x56: {  	_ =	shalt  }
0x57: {  	_ =	shalt  }
0x58: {  	_ =	shalt  }
0x59: {  	_ =	shalt  }
0x5a: {  	_ =	shalt  }
0x5b: {  	_ =	shalt  }
0x5c: {  	_ =	shalt  }
0x5d: {  	_ =	shalt  }
0x5e: {  	_ =	shalt  }
0x5f: {  	_ =	shalt  }
0x60: {  	_ =	shalt  }
0x61: {  	_ =	shalt  }
0x62: {  	_ =	shalt  }
0x63: {  	_ =	shalt  }
0x64: {  	_ =	shalt  }
0x65: {  	_ =	shalt  }
0x66: {  	_ =	shalt  }
0x67: {  	_ =	shalt  }
0x68: {  	_ =	shalt  }
0x69: {  	_ =	shalt  }
0x6a: {  	_ =	shalt  }
0x6b: {  	_ =	shalt  }
0x6c: {  	_ =	shalt  }
0x6d: {  	_ =	shalt  }
0x6e: {  	_ =	shalt  }
0x6f: {  	_ =	shalt  }
0x70: {  	_ =	shalt  }
0x71: {  	_ =	shalt  }
0x72: {  	_ =	shalt  }
0x73: {  	_ =	shalt  }
0x74: {  	_ =	shalt  }
0x75: {  	_ =	shalt  }
0x76: {  	_ =	shalt  }
0x77: {  	_ =	shalt  }
0x78: {  	_ =	shalt  }
0x79: {  	_ =	shalt  }
0x7a: {  	_ =	shalt  }
0x7b: {  	_ =	shalt  }
0x7c: {  	_ =	shalt  }
0x7d: {  	_ =	shalt  }
0x7e: {  	_ =	shalt  }
0x7f: {  	_ =	shalt  }
0x80: {  	_ =	shalt  }
0x81: {  	_ =	shalt  }
0x82: {  	_ =	shalt  }
0x83: {  	_ =	shalt  }
0x84: {  	_ =	shalt  }
0x85: {  	_ =	shalt  }
0x86: {  	_ =	shalt  }
0x87: {  	_ =	shalt  }
.Lfunc_end0:
.L_simem_size_0:
called_computation.1_lowered:
.L_overlay_start_0:
0x88: {  	s2 =	sld [smem:$0x3FD9]  }
0x89: {  	s3 =	sld [smem:$0x3FFE];
	_ =	sdelay $0x1  }
0x8a: {  	s1 =	srdreg.scid  }
0x8b: {  	s0 =	sand.u32 $0x1, s1  }
0x8c: {  	s17 =	sshll.u32 s0, $0xA;
	s2 =	sadd.s32 s3, s2  }
0x8d: {  	s2 =	sadd.s32 s2, s17  }
0x8e: {  	[smem:$0x3FC2] =	sst s2  }
0x8f: {  	_ = 	snop  }
0x90: {  	s2 =	sld [smem:$0x3FD0];
	(tm) =	ssettm $0x1  }
0x91: {  	s18 =	sld [smem:$0x3FFB];
	_ =	sdelay $0x3  }
0x92: {  	_ =	strace s18  }
0x93: {  	s3 =	sld [smem:$0x3FFC];
	_ =	sdelay $0x3  }
0x94: {  	_ =	strace s3  }
0x95: {  	s3 =	sld [smem:$0x3FFD];
	_ =	sdelay $0x3  }
0x96: {  	_ =	strace s3  }
0x97: {  	_ =	strace $0x8FFFFFFF  }
0x98: {  	s19 =	sld [smem:$0x3FDB];
	_ =	sdelay $0x1  }
0x99: {  	s4 =	simm.s32 $_scs_section_size  }
0x9a: {  	s5 =	simm.s32 $_size__tile_overlayer_lowered;
	s6 =	simm.s32 $_tile_overlayer_lowered  }
0x9b: {  	s22 =	simm.s32 $0x1BFF;
	s21 =	sshll.u32 s6, $0x1;
	s3 =	sadd.s32 s4, s19  }
0x9c: {  	s7 =	simm.s32 $0x0;
	s20 =	sshll.u32 s5, $0x1;
	s5 =	sadd.s32 s21, s3  }
0x9d: {  	[timem:s7], [sflag:s22] =	dma.local [hbm:s5], s20  }
0x9e: {  	_ =	swait.ge [sflag:s22], s20  }
0x9f: {  	s4 =	ssub.s32 $0x0, s20;
	[sflag:s22] =	ssyncset.done $0x0  }
0xa0: {  	[sflag:s22] =	ssyncadd.s32 s4;
	_ =	sdelay $0x1  }
0xa1: {  	s23 =	simm.s32 $0x1B8B  }
0xa2: {  	_ =	swait.ge [sflag:s23], $0x1  }
0xa3: {  	[sflag:s23] =	ssyncset.done $0x0  }
0xa4: {  	s25 =	simm.s32 $0x1B8E;
	s24 =	sld [smem:$0x3FFE];
	[sflag:s23] =	ssyncadd.s32 $0xFFFFFFFF  }
0xa5: {  	s26 =	simm.s32 $execute0_lowered;
	[smem:$0x3FD2] =	sst s25  }
0xa6: {  	s5 =	sshll.u32 s26, $0x1;
	_ =	strace $0x80000049;
	[dreg:$0x1] =	wrdreg $0xFFFFFFFF  }
0xa7: {  	s28 =	simm.s32 $_size_execute0_lowered;
	s3 =	sadd.s32 s3, s5;
	[dreg:$0x0] =	wrdreg $0x0  }
0xa8: {  	s5 =	sshll.u32 s28, $0x1;
	[dreg:$0x2] =	wrdreg s3  }
0xa9: {  	[dreg:$0x3] =	wrdreg s5  }
0xaa: {  	[dreg:$0x4] =	wrdreg $0xC0  }
0xab: {  	_ =	task [dreg:s7], $0x5FFFF  }
0xac: {  	[dreg:$0x1] =	wrdreg $0xFFFFFFFF  }
0xad: {  	[dreg:$0x0] =	wrdreg $0x60  }
0xae: {  	[dreg:$0x2] =	wrdreg s24  }
0xaf: {  	[dreg:$0x3] =	wrdreg s2  }
0xb0: {  	[dreg:$0x4] =	wrdreg $0x48000  }
0xb1: {  	[dreg:$0x5] =	wrdreg $0x9  }
0xb2: {  	_ =	task.clear_ibuf [dreg:s7], $0x6FFFF;
	_ =	strace $0x90000049  }
0xb3: {  	s29 =	simm.s32 $0x9;
	_ =	strace $0x8000004B  }
0xb4: {  	_ =	swait.ge [sflag:s29], $0x1  }
0xb5: {  	[sflag:s29] =	ssyncadd.s32 $0xFFFFFFFF  }
0xb6: {  	_ =	strace $0x9000004B  }
0xb7: {  	_ =	sfence  }
0xb8: {  	s30 =	sld [smem:$0x0];
	_ =	sdelay $0x2  }
0xb9: {  	s31 =	sshll.u32 s1, $0xD;
	s1 =	sshrl.u32 s1, $0x2  }
0xba: {  	s3 =	sand.u32 $0x4000, s31;
	s1 =	sadd.s32 s1, s30  }
0xbb: {  	s0 =	sor.u32 s3, s0;
	s1 =	sshll.u32 s1, $0x11  }
0xbc: {  	s0 =	sor.u32 s1, s0  }
0xbd: {  	s0 =	sadd.s32 $0x8F2B, s0  }
0xbe: {  	[sflag:s0] =	ssyncadd.remote.s32 $0x1  }
0xbf: {  	_ =	sfence.sel $0xFFFF  }
0xc0: {  	[dreg:$0x0] =	wrdreg $0xFFFFFFFF;
	(pc) =	sbr.abs _section_cstart, $3  }
0xc1: {  	[dreg:$0x1] =	wrdreg $0xFFFFFFFF  }
0xc2: {  	_ =	task.clear_ibuf [dreg:s7], $0x2FFFF;
	_ =	strace $0x9FFFFFFF  }
0xc3: {  	(tm) =	ssettm $0x7FFFFFFF  }
tec
execute0_lowered:
.L_overlay_start_1:
0x0: {  	(tag) =	ssettag $0x1  }
0x1: {  	s0 =	rddreg [dreg:$0x0]  }
0x2: {  	s1 =	rddreg [dreg:$0x1]  }
0x3: {  	s2 =	rddreg [dreg:$0x2];
	s3 =	simm.s32 $0x0;
	s4 =	srdreg.scid  }
0x4: {  	s12 =	stileid.u32;
	s11 =	simm.s32 $0x900;
	s13 =	simm.s32 $0x400  }
0x5: {  	s28 =	simm.s32 $0x800;
	s29 =	simm.s32 $0x9;
	s30 =	simm.s32 $0x2  }
0x6: {  	s31 =	simm.s32 $0x3;
	s14 =	simm.s32 $0x0;
	s15 =	simm.s32 $0x480  }
0x7: {  	s16 =	simm.s32 $0x100;
	s17 =	simm.s32 $0x500;
	s18 =	simm.s32 $0x180  }
0x8: {  	s19 =	simm.s32 $0x580;
	s5 =	sand.u32 $0x1, s4;
	s4 =	smul.u32 $0x4800, s12  }
0x9: {  	s6 =	sshll.u32 s12, $0xB;
	[smem:$0x7FF] =	sst s3;
	s7 =	smul.u32 $0x2800, s12  }
0xa: {  	s20 =	smul.u32 $0x50000, s12;
	s23 =	sshll.u32 s12, $0x6;
	s12 =	simm.s32 $0x80  }
0xb: {  	p0 =	seq.s32 s5, $0x0;
	s6 =	sor.u32 $0x48000, s6;
	_ =	strace $0x8000004A  }
0xc: {  	s8 =	smul.u32 $0x28000, s5;
	s5 =	ssub.s32 $0x2, s5;
	s6 =	smov.u32 @p0 s4  }
0xd: {  	s4 =	sadd.s32 $0x84800, s0;
	s10 =	sadd.s32 s7, s0;
	s21 =	sshrl.u32 s5, $0x1  }
0xe: {  	s11 =	simm.s32 @!p0 $0x100;
	s22 =	sshrl.u32 s20, $0x2;
	s20 =	simm.s32 $0x200  }
0xf: {  	s6 =	sshrl.u32 s6, $0x3;
	s7 =	sadd.s32 s7, s8;
	s5 =	ssub.s32 s5, s21  }
0x10: {  	[dreg:$0x6] =	wrdreg s11;
	s10 =	sadd.s32 $0x2600, s10;
	s11 =	sor.u32 $0x1C0A, s23  }
0x11: {  	s8 =	simm.s32 $0x8;
	s21 =	simm.s32 $0x600;
	s23 =	simm.s32 $0x680  }
0x12: {  	s9 =	sadd.s32 s6, s0;
	s0 =	sadd.s32 s7, s0;
	s7 =	sadd.s32 s22, s2  }
0x13: {  	[dreg:$0x7] =	wrdreg s10;
	s25 =	sadd.s32 s6, s1;
	s26 =	smax.u32 s5, $0x1  }
0x14: {  	s10 =	simm.s32 $0xA;
	s1 =	simm.s32 $0x5;
	[dreg:$0x8] =	wrdreg s11  }
0x15: {  	s5 =	simm.s32 $0x6;
	s22 =	simm.s32 $0x280;
	[dreg:$0xa] =	wrdreg s26  }
0x16: {  	s24 =	sadd.s32 $0x7A800, s9;
	s0 =	sadd.s32 $0xAC800, s0;
	[dreg:$0x5] =	wrdreg s25  }
0x17: {  	s9 =	sshrl.u32 s7, $0x3;
	s26 =	simm.s32 $0x1;
	[dreg:$0x9] =	wrdreg s0  }
0x18: {  	s7 =	simm.s32 $0x7;
	s25 =	simm.s32 $0x700;
	[dreg:$0x4] =	wrdreg s24  }
0x19: {  	s0 =	simm.s32 $0x4;
	[dreg:$0xb] =	wrdreg s9;
	s24 =	simm.s32 $0x300  }
.LBB2_1:
0x1a: {  	[dreg:$0xc] =	wrdreg s14  }
0x1b: {  	s6 =	rddreg [dreg:$0x7]  }
0x1c: {  	[spmem:s9], [sflag:s11] =	dma.local [hbm:s6], $0x2800  }
0x1d: {  	_ =	swait.ge [sflag:s10], $0x2800  }
0x1e: {  	[sflag:s10] =	ssyncset.done $0x0  }
0x1f: {  	[sflag:s10] =	ssyncadd.s32 $0xFFFFD800  }
0x20: {  	s9 =	simm.s32 $0x0;
	[bflag:$0x0] =	sbarrier.arrive $0xFFFF  }
.LBB2_2:
0x21: {  	s6 =	rddreg [dreg:$0x4]  }
0x22: {  	s11 =	rddreg [dreg:$0x5];
	s6 =	sadd.s32 s9, s6  }
0x23: {  	[tilespmem:s3], [sflag:$0x1] =	stream.linear.gather [hbm4b:s6+s3], $0x80, $0x38;
	[tilespmem:$0x18800] =	vst v63  }
0x24: {  	s11 =	sadd.s32 s9, s11  }
0x25: {  	[tilespmem:s13], [sflag:$0x1] =	stream.linear.gather [hbm4b:s11+s3], $0x80, $0x38;
	[tilespmem:$0x18800] =	vst v63  }
0x26: {  	s14 =	sadd.s32 $0x10, s6  }
0x27: {  	[tilespmem:s12], [sflag:$0x2] =	stream.linear.gather [hbm4b:s14+s3], $0x80, $0x38;
	[tilespmem:$0x18800] =	vst v63  }
0x28: {  	s14 =	sadd.s32 $0x10, s11  }
0x29: {  	[tilespmem:s15], [sflag:$0x2] =	stream.linear.gather [hbm4b:s14+s3], $0x80, $0x38;
	[tilespmem:$0x18800] =	vst v63  }
0x2a: {  	s14 =	sadd.s32 $0x20, s6  }
0x2b: {  	[tilespmem:s16], [sflag:$0x3] =	stream.linear.gather [hbm4b:s14+s3], $0x80, $0x38;
	[tilespmem:$0x18800] =	vst v63  }
0x2c: {  	s14 =	sadd.s32 $0x20, s11  }
0x2d: {  	[tilespmem:s17], [sflag:$0x3] =	stream.linear.gather [hbm4b:s14+s3], $0x80, $0x38;
	[tilespmem:$0x18800] =	vst v63  }
0x2e: {  	s14 =	sadd.s32 $0x30, s6  }
0x2f: {  	[tilespmem:s18], [sflag:$0x4] =	stream.linear.gather [hbm4b:s14+s3], $0x80, $0x38;
	[tilespmem:$0x18800] =	vst v63  }
0x30: {  	s14 =	sadd.s32 $0x30, s11  }
0x31: {  	[tilespmem:s19], [sflag:$0x4] =	stream.linear.gather [hbm4b:s14+s3], $0x80, $0x38;
	[tilespmem:$0x18800] =	vst v63  }
0x32: {  	s14 =	sadd.s32 $0x40, s6  }
0x33: {  	[tilespmem:s20], [sflag:$0x5] =	stream.linear.gather [hbm4b:s14+s3], $0x80, $0x38;
	[tilespmem:$0x18800] =	vst v63  }
0x34: {  	s14 =	sadd.s32 $0x40, s11  }
0x35: {  	[tilespmem:s21], [sflag:$0x5] =	stream.linear.gather [hbm4b:s14+s3], $0x80, $0x38;
	[tilespmem:$0x18800] =	vst v63  }
0x36: {  	s14 =	sadd.s32 $0x50, s6  }
0x37: {  	[tilespmem:s22], [sflag:$0x6] =	stream.linear.gather [hbm4b:s14+s3], $0x80, $0x38;
	[tilespmem:$0x18800] =	vst v63  }
0x38: {  	s14 =	sadd.s32 $0x50, s11  }
0x39: {  	[tilespmem:s23], [sflag:$0x6] =	stream.linear.gather [hbm4b:s14+s3], $0x80, $0x38;
	[tilespmem:$0x18800] =	vst v63  }
0x3a: {  	s14 =	sadd.s32 $0x60, s6  }
0x3b: {  	[tilespmem:s24], [sflag:$0x7] =	stream.linear.gather [hbm4b:s14+s3], $0x80, $0x38;
	[tilespmem:$0x18800] =	vst v63  }
0x3c: {  	s14 =	sadd.s32 $0x60, s11  }
0x3d: {  	[tilespmem:s25], [sflag:$0x7] =	stream.linear.gather [hbm4b:s14+s3], $0x80, $0x38;
	[tilespmem:$0x18800] =	vst v63  }
0x3e: {  	s6 =	sadd.s32 $0x70, s6;
	s14 =	simm.s32 $0x380  }
0x3f: {  	[tilespmem:s14], [sflag:$0x8] =	stream.linear.gather [hbm4b:s6+s3], $0x80, $0x38;
	[tilespmem:$0x18800] =	vst v63  }
0x40: {  	s6 =	sadd.s32 $0x70, s11;
	s11 =	simm.s32 $0x780  }
0x41: {  	[tilespmem:s11], [sflag:$0x8] =	stream.linear.gather [hbm4b:s6+s3], $0x80, $0x38;
	[tilespmem:$0x18800] =	vst v63  }
0x42: {  	_ =	swait.ge [sflag:s26], $0x80  }
0x43: {  	[sflag:s26] =	ssyncset.done $0x0  }
0x44: {  	[sflag:s26] =	ssyncadd.s32 $0xFFFFFF80  }
0x45: {  	_ =	swait.ge [sflag:s26], $0x80  }
0x46: {  	[sflag:s26] =	ssyncset.done $0x0  }
0x47: {  	[sflag:s26] =	ssyncadd.s32 $0xFFFFFF80  }
0x48: {  	[tilespmem:s28], [sflag:$0x9] =	stream.indirect.gather [hbm4b:s4+s12], $0x80, s3, s12, $0xb8;
	[tilespmem:$0x18800] =	vst v63  }
0x49: {  	_ =	swait.ge [sflag:s29], $0x4000  }
0x4a: {  	[sflag:s29] =	ssyncset.done $0x0  }
0x4b: {  	s13 =	simm.s32 $0x400;
	[sflag:s29] =	ssyncadd.s32 $0xFFFFC000  }
0x4c: {  	[spmem:s2] =	stream.indirect.scatter.add.f32 [tilespmem:s28], [sflag:$0xA], $0x80, s13, s12, $0xb8;
	[tilespmem:$0x18800] =	vst v63  }
0x4d: {  	_ =	swait.ge [sflag:s10], $0x4000  }
0x4e: {  	[sflag:s10] =	ssyncset.done $0x0  }
0x4f: {  	[sflag:s10] =	ssyncadd.s32 $0xFFFFC000  }
0x50: {  	_ =	swait.ge [sflag:s30], $0x80  }
0x51: {  	[sflag:s30] =	ssyncset.done $0x0  }
0x52: {  	[sflag:s30] =	ssyncadd.s32 $0xFFFFFF80  }
0x53: {  	_ =	swait.ge [sflag:s30], $0x80  }
0x54: {  	[sflag:s30] =	ssyncset.done $0x0  }
0x55: {  	[sflag:s30] =	ssyncadd.s32 $0xFFFFFF80  }
0x56: {  	[tilespmem:s28], [sflag:$0x9] =	stream.indirect.gather [hbm4b:s4+s12], $0x80, s12, s12, $0xb8;
	[tilespmem:$0x18800] =	vst v63  }
0x57: {  	_ =	swait.ge [sflag:s29], $0x4000  }
0x58: {  	[sflag:s29] =	ssyncset.done $0x0  }
0x59: {  	[sflag:s29] =	ssyncadd.s32 $0xFFFFC000  }
0x5a: {  	[spmem:s2] =	stream.indirect.scatter.add.f32 [tilespmem:s28], [sflag:$0xA], $0x80, s15, s12, $0xb8;
	[tilespmem:$0x18800] =	vst v63  }
0x5b: {  	_ =	swait.ge [sflag:s10], $0x4000  }
0x5c: {  	[sflag:s10] =	ssyncset.done $0x0  }
0x5d: {  	[sflag:s10] =	ssyncadd.s32 $0xFFFFC000  }
0x5e: {  	_ =	swait.ge [sflag:s31], $0x80  }
0x5f: {  	[sflag:s31] =	ssyncset.done $0x0  }
0x60: {  	[sflag:s31] =	ssyncadd.s32 $0xFFFFFF80  }
0x61: {  	_ =	swait.ge [sflag:s31], $0x80  }
0x62: {  	[sflag:s31] =	ssyncset.done $0x0  }
0x63: {  	[sflag:s31] =	ssyncadd.s32 $0xFFFFFF80  }
0x64: {  	[tilespmem:s28], [sflag:$0x9] =	stream.indirect.gather [hbm4b:s4+s12], $0x80, s16, s12, $0xb8;
	[tilespmem:$0x18800] =	vst v63  }
0x65: {  	_ =	swait.ge [sflag:s29], $0x4000  }
0x66: {  	[sflag:s29] =	ssyncset.done $0x0  }
0x67: {  	[sflag:s29] =	ssyncadd.s32 $0xFFFFC000  }
0x68: {  	[spmem:s2] =	stream.indirect.scatter.add.f32 [tilespmem:s28], [sflag:$0xA], $0x80, s17, s12, $0xb8;
	[tilespmem:$0x18800] =	vst v63  }
0x69: {  	_ =	swait.ge [sflag:s10], $0x4000  }
0x6a: {  	[sflag:s10] =	ssyncset.done $0x0  }
0x6b: {  	[sflag:s10] =	ssyncadd.s32 $0xFFFFC000  }
0x6c: {  	_ =	swait.ge [sflag:s0], $0x80  }
0x6d: {  	[sflag:s0] =	ssyncset.done $0x0  }
0x6e: {  	[sflag:s0] =	ssyncadd.s32 $0xFFFFFF80  }
0x6f: {  	_ =	swait.ge [sflag:s0], $0x80  }
0x70: {  	[sflag:s0] =	ssyncset.done $0x0  }
0x71: {  	[sflag:s0] =	ssyncadd.s32 $0xFFFFFF80  }
0x72: {  	[tilespmem:s28], [sflag:$0x9] =	stream.indirect.gather [hbm4b:s4+s12], $0x80, s18, s12, $0xb8;
	[tilespmem:$0x18800] =	vst v63  }
0x73: {  	_ =	swait.ge [sflag:s29], $0x4000  }
0x74: {  	[sflag:s29] =	ssyncset.done $0x0  }
0x75: {  	[sflag:s29] =	ssyncadd.s32 $0xFFFFC000  }
0x76: {  	[spmem:s2] =	stream.indirect.scatter.add.f32 [tilespmem:s28], [sflag:$0xA], $0x80, s19, s12, $0xb8;
	[tilespmem:$0x18800] =	vst v63  }
0x77: {  	_ =	swait.ge [sflag:s10], $0x4000  }
0x78: {  	[sflag:s10] =	ssyncset.done $0x0  }
0x79: {  	[sflag:s10] =	ssyncadd.s32 $0xFFFFC000  }
0x7a: {  	_ =	swait.ge [sflag:s1], $0x80  }
0x7b: {  	[sflag:s1] =	ssyncset.done $0x0  }
0x7c: {  	[sflag:s1] =	ssyncadd.s32 $0xFFFFFF80  }
0x7d: {  	_ =	swait.ge [sflag:s1], $0x80  }
0x7e: {  	[sflag:s1] =	ssyncset.done $0x0  }
0x7f: {  	[sflag:s1] =	ssyncadd.s32 $0xFFFFFF80  }
0x80: {  	[tilespmem:s28], [sflag:$0x9] =	stream.indirect.gather [hbm4b:s4+s12], $0x80, s20, s12, $0xb8;
	[tilespmem:$0x18800] =	vst v63  }
0x81: {  	_ =	swait.ge [sflag:s29], $0x4000  }
0x82: {  	[sflag:s29] =	ssyncset.done $0x0  }
0x83: {  	[sflag:s29] =	ssyncadd.s32 $0xFFFFC000  }
0x84: {  	[spmem:s2] =	stream.indirect.scatter.add.f32 [tilespmem:s28], [sflag:$0xA], $0x80, s21, s12, $0xb8;
	[tilespmem:$0x18800] =	vst v63  }
0x85: {  	_ =	swait.ge [sflag:s10], $0x4000  }
0x86: {  	[sflag:s10] =	ssyncset.done $0x0  }
0x87: {  	[sflag:s10] =	ssyncadd.s32 $0xFFFFC000  }
0x88: {  	_ =	swait.ge [sflag:s5], $0x80  }
0x89: {  	[sflag:s5] =	ssyncset.done $0x0  }
0x8a: {  	[sflag:s5] =	ssyncadd.s32 $0xFFFFFF80  }
0x8b: {  	_ =	swait.ge [sflag:s5], $0x80  }
0x8c: {  	[sflag:s5] =	ssyncset.done $0x0  }
0x8d: {  	[sflag:s5] =	ssyncadd.s32 $0xFFFFFF80  }
0x8e: {  	[tilespmem:s28], [sflag:$0x9] =	stream.indirect.gather [hbm4b:s4+s12], $0x80, s22, s12, $0xb8;
	[tilespmem:$0x18800] =	vst v63  }
0x8f: {  	_ =	swait.ge [sflag:s29], $0x4000  }
0x90: {  	[sflag:s29] =	ssyncset.done $0x0  }
0x91: {  	[sflag:s29] =	ssyncadd.s32 $0xFFFFC000  }
0x92: {  	[spmem:s2] =	stream.indirect.scatter.add.f32 [tilespmem:s28], [sflag:$0xA], $0x80, s23, s12, $0xb8;
	[tilespmem:$0x18800] =	vst v63  }
0x93: {  	_ =	swait.ge [sflag:s10], $0x4000  }
0x94: {  	[sflag:s10] =	ssyncset.done $0x0  }
0x95: {  	[sflag:s10] =	ssyncadd.s32 $0xFFFFC000  }
0x96: {  	_ =	swait.ge [sflag:s7], $0x80  }
0x97: {  	[sflag:s7] =	ssyncset.done $0x0  }
0x98: {  	[sflag:s7] =	ssyncadd.s32 $0xFFFFFF80  }
0x99: {  	_ =	swait.ge [sflag:s7], $0x80  }
0x9a: {  	[sflag:s7] =	ssyncset.done $0x0  }
0x9b: {  	[sflag:s7] =	ssyncadd.s32 $0xFFFFFF80  }
0x9c: {  	[tilespmem:s28], [sflag:$0x9] =	stream.indirect.gather [hbm4b:s4+s12], $0x80, s24, s12, $0xb8;
	[tilespmem:$0x18800] =	vst v63  }
0x9d: {  	_ =	swait.ge [sflag:s29], $0x4000  }
0x9e: {  	[sflag:s29] =	ssyncset.done $0x0  }
0x9f: {  	[sflag:s29] =	ssyncadd.s32 $0xFFFFC000  }
0xa0: {  	[spmem:s2] =	stream.indirect.scatter.add.f32 [tilespmem:s28], [sflag:$0xA], $0x80, s25, s12, $0xb8;
	[tilespmem:$0x18800] =	vst v63  }
0xa1: {  	_ =	swait.ge [sflag:s10], $0x4000  }
0xa2: {  	[sflag:s10] =	ssyncset.done $0x0  }
0xa3: {  	[sflag:s10] =	ssyncadd.s32 $0xFFFFC000  }
0xa4: {  	_ =	swait.ge [sflag:s8], $0x80  }
0xa5: {  	[sflag:s8] =	ssyncset.done $0x0  }
0xa6: {  	[sflag:s8] =	ssyncadd.s32 $0xFFFFFF80  }
0xa7: {  	_ =	swait.ge [sflag:s8], $0x80  }
0xa8: {  	[sflag:s8] =	ssyncset.done $0x0  }
0xa9: {  	[sflag:s8] =	ssyncadd.s32 $0xFFFFFF80  }
0xaa: {  	[tilespmem:s28], [sflag:$0x9] =	stream.indirect.gather [hbm4b:s4+s12], $0x80, s14, s12, $0xb8;
	[tilespmem:$0x18800] =	vst v63  }
0xab: {  	_ =	swait.ge [sflag:s29], $0x4000  }
0xac: {  	[sflag:s29] =	ssyncset.done $0x0  }
0xad: {  	[sflag:s29] =	ssyncadd.s32 $0xFFFFC000  }
0xae: {  	[spmem:s2] =	stream.indirect.scatter.add.f32 [tilespmem:s28], [sflag:$0xA], $0x80, s11, s12, $0xb8;
	[tilespmem:$0x18800] =	vst v63  }
0xaf: {  	_ =	swait.ge [sflag:s10], $0x4000  }
0xb0: {  	s9 =	sadd.s32 $0x80, s9;
	s14 =	rddreg [dreg:$0x6]  }
0xb1: {  	p0 =	sne.s32 s14, s9  }
.Ltmp0:
0xb2: {  	_ = 	snop;
	(pc) =	sbr.rel @p0 .LBB2_2-.Ltmp0, $3  }
0xb3: {  	_ =	sdelay $0x1  }
0xb4: {  	[sflag:s10] =	ssyncset.done $0x0  }
0xb5: {  	[sflag:s10] =	ssyncadd.s32 $0xFFFFC000  }
0xb6: {  	[bflag:$0x0] =	sbarrier.arrive $0xFFFF  }
0xb7: {  	s11 =	rddreg [dreg:$0x8]  }
0xb8: {  	s6 =	rddreg [dreg:$0x9]  }
0xb9: {  	s9 =	rddreg [dreg:$0xb]  }
0xba: {  	[hbm:s6], [sflag:s11] =	dma.local [spmem:s9], $0x2800  }
0xbb: {  	_ =	swait.ge [sflag:s10], $0x2800  }
0xbc: {  	s14 =	rddreg [dreg:$0xc]  }
0xbd: {  	s6 =	rddreg [dreg:$0xa];
	s14 =	sadd.s32 $0x1, s14  }
0xbe: {  	p0 =	sne.s32 s14, s6  }
.Ltmp1:
0xbf: {  	_ = 	snop;
	(pc) =	sbr.rel @p0 .LBB2_1-.Ltmp1, $3  }
0xc0: {  	_ =	sdelay $0x1  }
0xc1: {  	[sflag:s10] =	ssyncset.done $0x0  }
0xc2: {  	[sflag:s10] =	ssyncadd.s32 $0xFFFFD800  }
0xc3: {  	_ =	sfence.sel $0x180000  }
0xc4: {  	[bflag:$0x0] =	sbarrier.arrive $0xFFFF  }
0xc5: {  	_ =	strace $0x9000004A  }
0xc6: {  	s0 =	stileid.u32;
	[bflag:$0x2] =	sbarrier.arrive $0xFFFF  }
0xc7: {  	p0 =	sne.s32 s0, $0x0;
	s0 =	rddreg [dreg:$0x3]  }
0xc8: {  	s0 =	sadd.s32 @!p0 $0x100000, s0  }
0xc9: {  	[sflag:s0] =	ssyncadd.tile.s32 @!p0 $0x1;
	_ =	shalt  }
.Lfunc_end2:
_tile_overlayer_lowered:
.L_overlay_start_2:
0xca: {  	(tag) =	ssettag $0x2  }
0xcb: {  	s0 =	rddreg [dreg:$0x0];
	s2 =	stileid.u32  }
0xcc: {  	s1 =	rddreg [dreg:$0x1];
	p0 =	sne.s32 s2, $0x0  }
0xcd: {  	s3 =	rddreg [dreg:$0x2];
	[bflag:$0x3] =	sbarrier.arrive $0xFFFF;
	s2 =	simm.s32 @!p0 $0x1C0A  }
0xce: {  	[timem:s3], [sflag:s2] =	dma.local @!p0 [hbm:s0], s1  }
0xcf: {  	s0 =	simm.s32 @!p0 $0xA  }
0xd0: {  	_ =	swait.ge @!p0 [sflag:s0], s1  }
0xd1: {  	s1 =	ssub.s32 @!p0 $0x0, s1;
	[sflag:s0] =	ssyncset.done @!p0 $0x0  }
0xd2: {  	[sflag:s0] =	ssyncadd.s32 @!p0 s1  }
0xd3: {  	[bflag:$0x3] =	sbarrier.arrive $0xFFFF  }
0xd4: {  	_ =	shalt  }

// kernel: kernel.14.cloned.1.call-start
scs
__scs_entry_jumppad:
0x0: {  	(pc) =	sbr.rel $0x88, $3  }
0x1: {  	(tag) =	ssettag $0x0;
	lr =	simm.s32 $0x1  }
0x2: {  	[smem:$0x3F9B] =	sst lr;
	_ =	strace $0xD0000000  }
0x3: {  	_ = 	snop  }
0x4: {  	_ = 	snop  }
0x5: {  	_ = 	snop  }
0x6: {  	_ = 	snop  }
0x7: {  	_ = 	snop  }
__scs_overlays_trampoline_lowered:
0x8: {  	[smem:$0x3FAA] =	sst s0  }
0x9: {  	[smem:$0x3FAB] =	sst s1  }
0xa: {  	[smem:$0x3FAC] =	sst s2  }
0xb: {  	[smem:$0x3FAD] =	sst s3  }
0xc: {  	[smem:$0x3FAE] =	sst s4  }
0xd: {  	[smem:$0x3FAF] =	sst s5  }
0xe: {  	[smem:$0x3FB0] =	sst s6  }
0xf: {  	[smem:$0x3FB1] =	sst s7  }
0x10: {  	[smem:$0x3FB2] =	sst s8  }
0x11: {  	[smem:$0x3FB3] =	sst s9;
	s0 =	simm.s32 @!p0 $0x0  }
0x12: {  	s1 =	sld [smem:$0x3F99];
	s0 =	simm.s32 @p0 $0x1  }
0x13: {  	[smem:$0x3FB4] =	sst s0;
	s0 =	simm.s32 @!p1 $0x0  }
0x14: {  	s2 =	sld [smem:$0x3F98];
	s0 =	simm.s32 @p1 $0x1  }
0x15: {  	[smem:$0x3FB5] =	sst s0;
	s0 =	simm.s32 @!p2 $0x0  }
0x16: {  	s3 =	sld [smem:$0x3FDB];
	s0 =	simm.s32 @p2 $0x1  }
0x17: {  	s4 =	simm.s32 $0x1BF5;
	[smem:$0x3FB7] =	sst s0  }
0x18: {  	s0 =	sld [smem:$0x3F9A];
	_ =	swait.ge [sflag:s4], $0x0  }
0x19: {  	s7 =	sld [smem:$0x3F9B]  }
0x1a: {  	s8 =	sadd.s32 $0xFFFFE003, lr  }
0x1b: {  	s9 =	sadd.s32 $0xFFFFFEF7, lr;
	s5 =	simm.s32 $0xFFFFFFFF;
	p2 =	slt.u32 s8, $0xFFFFF086  }
0x1c: {  	p1 =	slt.u32 s9, $0xF7A;
	s5 =	simm.s32 @!p2 $0x0  }
0x1d: {  	s5 =	simm.s32 @p1 $0x1;
	p0 =	seq.s32 s7, s2  }
0x1e: {  	s7 =	smul.u32 @!p0 $0xF7A, s2;
	p2 =	seq.s32 @!p0 s5, $0x0  }
0x1f: {  	s9 =	smul.u32 $0xF7A, s1;
	s8 =	simm.s32 @!p0 $0x1BF5;
	p2 =	por !p2, p0  }
0x20: {  	[sflag:s8] =	ssyncset.s32 @!p0 $0xFFFFF086;
	s6 =	sadd.s32 @!p0 s3, s7;
	s7 =	simm.s32 @!p0 $0x108  }
0x21: {  	s3 =	sadd.s32 s3, s9;
	s6 =	sadd.s32 @!p0 $0x88, s6;
	s7 =	simm.s32 @p2 $0x1082  }
0x22: {  	[simem:s7], [sflag:s8] =	dma.local @!p0 [hbm:s6], $0xF7A  }
0x23: {  	s9 =	sor.u32 $0xD0000000, s2;
	s6 =	simm.s32 $0x108;
	_ =	swait.ge @!p0 [sflag:s8], $0x0  }
0x24: {  	s3 =	sadd.s32 $0x88, s3;
	s6 =	simm.s32 @!p1 $0x1082;
	[sflag:s4] =	ssyncset.s32 $0xFFFFF086  }
0x25: {  	[simem:s6], [sflag:s4] =	dma.local [hbm:s3], $0xF7A  }
0x26: {  	[smem:$0x3F9B] =	sst s1;
	(tag) =	ssettag s2;
	_ =	strace s9  }
0x27: {  	s1 =	sld [smem:$0x3FAB]  }
0x28: {  	s2 =	sld [smem:$0x3FAC]  }
0x29: {  	s4 =	sld [smem:$0x3FAE]  }
0x2a: {  	p0 =	seq.s32 s5, $0x0;
	s5 =	sld [smem:$0x3FAF]  }
0x2b: {  	s6 =	sld [smem:$0x3FB0]  }
0x2c: {  	s7 =	sld [smem:$0x3FB1]  }
0x2d: {  	s3 =	simm.s32 $0x108;
	s8 =	sld [smem:$0x3FB2]  }
0x2e: {  	s3 =	simm.s32 @!p0 $0x1082;
	s9 =	sld [smem:$0x3FB3]  }
0x2f: {  	lr =	sadd.s32 s0, s3;
	s0 =	sld [smem:$0x3FAA]  }
0x30: {  	s3 =	sld [smem:$0x3FAD]  }
0x31: {  	[smem:$0x3FB6] =	sst s10  }
0x32: {  	s10 =	sld [smem:$0x3FB4];
	_ =	sdelay $0x3  }
0x33: {  	p0 =	seq.s32 s10, $0x1;
	s10 =	sld [smem:$0x3FB6];
	_ =	sdelay $0x3  }
0x34: {  	[smem:$0x3FB6] =	sst s10  }
0x35: {  	s10 =	sld [smem:$0x3FB5];
	_ =	sdelay $0x3  }
0x36: {  	p1 =	seq.s32 s10, $0x1;
	s10 =	sld [smem:$0x3FB6];
	_ =	sdelay $0x3  }
0x37: {  	[smem:$0x3FB6] =	sst s10  }
0x38: {  	s10 =	sld [smem:$0x3FB7]  }
0x39: {  	_ = 	snop;
	(pc) =	sbr.ind lr, $3  }
0x3a: {  	_ = 	snop  }
0x3b: {  	_ = 	snop  }
0x3c: {  	p2 =	seq.s32 s10, $0x1;
	s10 =	sld [smem:$0x3FB6]  }
0x3d: {  	_ =	shalt  }
0x3e: {  	_ =	shalt  }
0x3f: {  	_ =	shalt  }
0x40: {  	_ =	shalt  }
0x41: {  	_ =	shalt  }
0x42: {  	_ =	shalt  }
0x43: {  	_ =	shalt  }
0x44: {  	_ =	shalt  }
0x45: {  	_ =	shalt  }
0x46: {  	_ =	shalt  }
0x47: {  	_ =	shalt  }
0x48: {  	_ =	shalt  }
0x49: {  	_ =	shalt  }
0x4a: {  	_ =	shalt  }
0x4b: {  	_ =	shalt  }
0x4c: {  	_ =	shalt  }
0x4d: {  	_ =	shalt  }
0x4e: {  	_ =	shalt  }
0x4f: {  	_ =	shalt  }
0x50: {  	_ =	shalt  }
0x51: {  	_ =	shalt  }
0x52: {  	_ =	shalt  }
0x53: {  	_ =	shalt  }
0x54: {  	_ =	shalt  }
0x55: {  	_ =	shalt  }
0x56: {  	_ =	shalt  }
0x57: {  	_ =	shalt  }
0x58: {  	_ =	shalt  }
0x59: {  	_ =	shalt  }
0x5a: {  	_ =	shalt  }
0x5b: {  	_ =	shalt  }
0x5c: {  	_ =	shalt  }
0x5d: {  	_ =	shalt  }
0x5e: {  	_ =	shalt  }
0x5f: {  	_ =	shalt  }
0x60: {  	_ =	shalt  }
0x61: {  	_ =	shalt  }
0x62: {  	_ =	shalt  }
0x63: {  	_ =	shalt  }
0x64: {  	_ =	shalt  }
0x65: {  	_ =	shalt  }
0x66: {  	_ =	shalt  }
0x67: {  	_ =	shalt  }
0x68: {  	_ =	shalt  }
0x69: {  	_ =	shalt  }
0x6a: {  	_ =	shalt  }
0x6b: {  	_ =	shalt  }
0x6c: {  	_ =	shalt  }
0x6d: {  	_ =	shalt  }
0x6e: {  	_ =	shalt  }
0x6f: {  	_ =	shalt  }
0x70: {  	_ =	shalt  }
0x71: {  	_ =	shalt  }
0x72: {  	_ =	shalt  }
0x73: {  	_ =	shalt  }
0x74: {  	_ =	shalt  }
0x75: {  	_ =	shalt  }
0x76: {  	_ =	shalt  }
0x77: {  	_ =	shalt  }
0x78: {  	_ =	shalt  }
0x79: {  	_ =	shalt  }
0x7a: {  	_ =	shalt  }
0x7b: {  	_ =	shalt  }
0x7c: {  	_ =	shalt  }
0x7d: {  	_ =	shalt  }
0x7e: {  	_ =	shalt  }
0x7f: {  	_ =	shalt  }
0x80: {  	_ =	shalt  }
0x81: {  	_ =	shalt  }
0x82: {  	_ =	shalt  }
0x83: {  	_ =	shalt  }
0x84: {  	_ =	shalt  }
0x85: {  	_ =	shalt  }
0x86: {  	_ =	shalt  }
0x87: {  	_ =	shalt  }
.Lfunc_end0:
.L_simem_size_0:
called_computation.2_lowered:
.L_overlay_start_0:
0x88: {  	s2 =	sld [smem:$0x3FD9]  }
0x89: {  	s3 =	sld [smem:$0x3FFE];
	_ =	sdelay $0x1  }
0x8a: {  	s1 =	srdreg.scid  }
0x8b: {  	s0 =	sand.u32 $0x1, s1  }
0x8c: {  	s17 =	sshll.u32 s0, $0xA;
	s2 =	sadd.s32 s3, s2  }
0x8d: {  	s2 =	sadd.s32 s2, s17  }
0x8e: {  	[smem:$0x3FC2] =	sst s2  }
0x8f: {  	_ = 	snop  }
0x90: {  	s2 =	sld [smem:$0x3FD0];
	(tm) =	ssettm $0x1  }
0x91: {  	s18 =	sld [smem:$0x3FFB];
	_ =	sdelay $0x3  }
0x92: {  	_ =	strace s18  }
0x93: {  	s3 =	sld [smem:$0x3FFC];
	_ =	sdelay $0x3  }
0x94: {  	_ =	strace s3  }
0x95: {  	s3 =	sld [smem:$0x3FFD];
	_ =	sdelay $0x3  }
0x96: {  	_ =	strace s3  }
0x97: {  	_ =	strace $0x8FFFFFFF  }
0x98: {  	s19 =	sld [smem:$0x3FDB];
	_ =	sdelay $0x1  }
0x99: {  	s4 =	simm.s32 $_scs_section_size  }
0x9a: {  	s5 =	simm.s32 $_size__tile_overlayer_lowered;
	s6 =	simm.s32 $_tile_overlayer_lowered  }
0x9b: {  	s22 =	simm.s32 $0x1BFF;
	s21 =	sshll.u32 s6, $0x1;
	s3 =	sadd.s32 s4, s19  }
0x9c: {  	s7 =	simm.s32 $0x0;
	s20 =	sshll.u32 s5, $0x1;
	s5 =	sadd.s32 s21, s3  }
0x9d: {  	[timem:s7], [sflag:s22] =	dma.local [hbm:s5], s20  }
0x9e: {  	_ =	swait.ge [sflag:s22], s20  }
0x9f: {  	s4 =	ssub.s32 $0x0, s20;
	[sflag:s22] =	ssyncset.done $0x0  }
0xa0: {  	[sflag:s22] =	ssyncadd.s32 s4;
	_ =	sdelay $0x1  }
0xa1: {  	s23 =	simm.s32 $0x1B8B  }
0xa2: {  	_ =	swait.ge [sflag:s23], $0x1  }
0xa3: {  	[sflag:s23] =	ssyncset.done $0x0  }
0xa4: {  	s25 =	simm.s32 $0x1B8E;
	s24 =	sld [smem:$0x3FFE];
	[sflag:s23] =	ssyncadd.s32 $0xFFFFFFFF  }
0xa5: {  	s26 =	simm.s32 $execute0_lowered;
	[smem:$0x3FD2] =	sst s25  }
0xa6: {  	s5 =	sshll.u32 s26, $0x1;
	_ =	strace $0x8000004C;
	[dreg:$0x1] =	wrdreg $0xFFFFFFFF  }
0xa7: {  	s28 =	simm.s32 $_size_execute0_lowered;
	s3 =	sadd.s32 s3, s5;
	[dreg:$0x0] =	wrdreg $0x0  }
0xa8: {  	s5 =	sshll.u32 s28, $0x1;
	[dreg:$0x2] =	wrdreg s3  }
0xa9: {  	[dreg:$0x3] =	wrdreg s5  }
0xaa: {  	[dreg:$0x4] =	wrdreg $0xC0  }
0xab: {  	_ =	task [dreg:s7], $0x5FFFF  }
0xac: {  	[dreg:$0x1] =	wrdreg $0xFFFFFFFF  }
0xad: {  	[dreg:$0x0] =	wrdreg $0x60  }
0xae: {  	[dreg:$0x2] =	wrdreg s24  }
0xaf: {  	[dreg:$0x3] =	wrdreg s2  }
0xb0: {  	[dreg:$0x4] =	wrdreg $0x48000  }
0xb1: {  	[dreg:$0x5] =	wrdreg $0x9  }
0xb2: {  	_ =	task.clear_ibuf [dreg:s7], $0x6FFFF;
	_ =	strace $0x9000004C  }
0xb3: {  	s29 =	simm.s32 $0x9;
	_ =	strace $0x8000004E  }
0xb4: {  	_ =	swait.ge [sflag:s29], $0x1  }
0xb5: {  	[sflag:s29] =	ssyncadd.s32 $0xFFFFFFFF  }
0xb6: {  	_ =	strace $0x9000004E  }
0xb7: {  	_ =	sfence  }
0xb8: {  	s30 =	sld [smem:$0x0];
	_ =	sdelay $0x2  }
0xb9: {  	s31 =	sshll.u32 s1, $0xD;
	s1 =	sshrl.u32 s1, $0x2  }
0xba: {  	s3 =	sand.u32 $0x4000, s31;
	s1 =	sadd.s32 s1, s30  }
0xbb: {  	s0 =	sor.u32 s3, s0;
	s1 =	sshll.u32 s1, $0x11  }
0xbc: {  	s0 =	sor.u32 s1, s0  }
0xbd: {  	s0 =	sadd.s32 $0x8F2B, s0  }
0xbe: {  	[sflag:s0] =	ssyncadd.remote.s32 $0x1  }
0xbf: {  	_ =	sfence.sel $0xFFFF  }
0xc0: {  	[dreg:$0x0] =	wrdreg $0xFFFFFFFF;
	(pc) =	sbr.abs _section_cstart, $3  }
0xc1: {  	[dreg:$0x1] =	wrdreg $0xFFFFFFFF  }
0xc2: {  	_ =	task.clear_ibuf [dreg:s7], $0x2FFFF;
	_ =	strace $0x9FFFFFFF  }
0xc3: {  	(tm) =	ssettm $0x7FFFFFFF  }
tec
execute0_lowered:
.L_overlay_start_1:
0x0: {  	(tag) =	ssettag $0x1  }
0x1: {  	s0 =	rddreg [dreg:$0x0]  }
0x2: {  	s1 =	rddreg [dreg:$0x1]  }
0x3: {  	s2 =	rddreg [dreg:$0x2];
	s3 =	simm.s32 $0x0;
	s4 =	srdreg.scid  }
0x4: {  	s12 =	stileid.u32;
	s11 =	simm.s32 $0x900;
	s13 =	simm.s32 $0x400  }
0x5: {  	s28 =	simm.s32 $0x800;
	s29 =	simm.s32 $0x9;
	s30 =	simm.s32 $0x2  }
0x6: {  	s31 =	simm.s32 $0x3;
	s14 =	simm.s32 $0x0;
	s15 =	simm.s32 $0x480  }
0x7: {  	s16 =	simm.s32 $0x100;
	s17 =	simm.s32 $0x500;
	s18 =	simm.s32 $0x180  }
0x8: {  	s19 =	simm.s32 $0x580;
	s5 =	sand.u32 $0x1, s4;
	s4 =	smul.u32 $0x4800, s12  }
0x9: {  	s6 =	sshll.u32 s12, $0xB;
	[smem:$0x7FF] =	sst s3;
	s7 =	smul.u32 $0x2800, s12  }
0xa: {  	s20 =	smul.u32 $0x50000, s12;
	s23 =	sshll.u32 s12, $0x6;
	s12 =	simm.s32 $0x80  }
0xb: {  	p0 =	seq.s32 s5, $0x0;
	s6 =	sor.u32 $0x48000, s6;
	_ =	strace $0x8000004D  }
0xc: {  	s8 =	smul.u32 $0x28000, s5;
	s5 =	ssub.s32 $0x2, s5;
	s6 =	smov.u32 @p0 s4  }
0xd: {  	s4 =	sadd.s32 $0x84800, s0;
	s10 =	sadd.s32 s7, s0;
	s21 =	sshrl.u32 s5, $0x1  }
0xe: {  	s11 =	simm.s32 @!p0 $0x100;
	s22 =	sshrl.u32 s20, $0x2;
	s20 =	simm.s32 $0x200  }
0xf: {  	s6 =	sshrl.u32 s6, $0x3;
	s7 =	sadd.s32 s7, s8;
	s5 =	ssub.s32 s5, s21  }
0x10: {  	[dreg:$0x6] =	wrdreg s11;
	s10 =	sadd.s32 $0x2600, s10;
	s11 =	sor.u32 $0x1C0A, s23  }
0x11: {  	s8 =	simm.s32 $0x8;
	s21 =	simm.s32 $0x600;
	s23 =	simm.s32 $0x680  }
0x12: {  	s9 =	sadd.s32 s6, s0;
	s0 =	sadd.s32 s7, s0;
	s7 =	sadd.s32 s22, s2  }
0x13: {  	[dreg:$0x7] =	wrdreg s10;
	s25 =	sadd.s32 s6, s1;
	s26 =	smax.u32 s5, $0x1  }
0x14: {  	s10 =	simm.s32 $0xA;
	s1 =	simm.s32 $0x5;
	[dreg:$0x8] =	wrdreg s11  }
0x15: {  	s5 =	simm.s32 $0x6;
	s22 =	simm.s32 $0x280;
	[dreg:$0xa] =	wrdreg s26  }
0x16: {  	s24 =	sadd.s32 $0x7A800, s9;
	s0 =	sadd.s32 $0xAC800, s0;
	[dreg:$0x5] =	wrdreg s25  }
0x17: {  	s9 =	sshrl.u32 s7, $0x3;
	s26 =	simm.s32 $0x1;
	[dreg:$0x9] =	wrdreg s0  }
0x18: {  	s7 =	simm.s32 $0x7;
	s25 =	simm.s32 $0x700;
	[dreg:$0x4] =	wrdreg s24  }
0x19: {  	s0 =	simm.s32 $0x4;
	[dreg:$0xb] =	wrdreg s9;
	s24 =	simm.s32 $0x300  }
.LBB2_1:
0x1a: {  	[dreg:$0xc] =	wrdreg s14  }
0x1b: {  	s6 =	rddreg [dreg:$0x7]  }
0x1c: {  	[spmem:s9], [sflag:s11] =	dma.local [hbm:s6], $0x2800  }
0x1d: {  	_ =	swait.ge [sflag:s10], $0x2800  }
0x1e: {  	[sflag:s10] =	ssyncset.done $0x0  }
0x1f: {  	[sflag:s10] =	ssyncadd.s32 $0xFFFFD800  }
0x20: {  	s9 =	simm.s32 $0x0;
	[bflag:$0x0] =	sbarrier.arrive $0xFFFF  }
.LBB2_2:
0x21: {  	s6 =	rddreg [dreg:$0x4]  }
0x22: {  	s11 =	rddreg [dreg:$0x5];
	s6 =	sadd.s32 s9, s6  }
0x23: {  	[tilespmem:s3], [sflag:$0x1] =	stream.linear.gather [hbm4b:s6+s3], $0x80, $0x38;
	[tilespmem:$0x18800] =	vst v63  }
0x24: {  	s11 =	sadd.s32 s9, s11  }
0x25: {  	[tilespmem:s13], [sflag:$0x1] =	stream.linear.gather [hbm4b:s11+s3], $0x80, $0x38;
	[tilespmem:$0x18800] =	vst v63  }
0x26: {  	s14 =	sadd.s32 $0x10, s6  }
0x27: {  	[tilespmem:s12], [sflag:$0x2] =	stream.linear.gather [hbm4b:s14+s3], $0x80, $0x38;
	[tilespmem:$0x18800] =	vst v63  }
0x28: {  	s14 =	sadd.s32 $0x10, s11  }
0x29: {  	[tilespmem:s15], [sflag:$0x2] =	stream.linear.gather [hbm4b:s14+s3], $0x80, $0x38;
	[tilespmem:$0x18800] =	vst v63  }
0x2a: {  	s14 =	sadd.s32 $0x20, s6  }
0x2b: {  	[tilespmem:s16], [sflag:$0x3] =	stream.linear.gather [hbm4b:s14+s3], $0x80, $0x38;
	[tilespmem:$0x18800] =	vst v63  }
0x2c: {  	s14 =	sadd.s32 $0x20, s11  }
0x2d: {  	[tilespmem:s17], [sflag:$0x3] =	stream.linear.gather [hbm4b:s14+s3], $0x80, $0x38;
	[tilespmem:$0x18800] =	vst v63  }
0x2e: {  	s14 =	sadd.s32 $0x30, s6  }
0x2f: {  	[tilespmem:s18], [sflag:$0x4] =	stream.linear.gather [hbm4b:s14+s3], $0x80, $0x38;
	[tilespmem:$0x18800] =	vst v63  }
0x30: {  	s14 =	sadd.s32 $0x30, s11  }
0x31: {  	[tilespmem:s19], [sflag:$0x4] =	stream.linear.gather [hbm4b:s14+s3], $0x80, $0x38;
	[tilespmem:$0x18800] =	vst v63  }
0x32: {  	s14 =	sadd.s32 $0x40, s6  }
0x33: {  	[tilespmem:s20], [sflag:$0x5] =	stream.linear.gather [hbm4b:s14+s3], $0x80, $0x38;
	[tilespmem:$0x18800] =	vst v63  }
0x34: {  	s14 =	sadd.s32 $0x40, s11  }
0x35: {  	[tilespmem:s21], [sflag:$0x5] =	stream.linear.gather [hbm4b:s14+s3], $0x80, $0x38;
	[tilespmem:$0x18800] =	vst v63  }
0x36: {  	s14 =	sadd.s32 $0x50, s6  }
0x37: {  	[tilespmem:s22], [sflag:$0x6] =	stream.linear.gather [hbm4b:s14+s3], $0x80, $0x38;
	[tilespmem:$0x18800] =	vst v63  }
0x38: {  	s14 =	sadd.s32 $0x50, s11  }
0x39: {  	[tilespmem:s23], [sflag:$0x6] =	stream.linear.gather [hbm4b:s14+s3], $0x80, $0x38;
	[tilespmem:$0x18800] =	vst v63  }
0x3a: {  	s14 =	sadd.s32 $0x60, s6  }
0x3b: {  	[tilespmem:s24], [sflag:$0x7] =	stream.linear.gather [hbm4b:s14+s3], $0x80, $0x38;
	[tilespmem:$0x18800] =	vst v63  }
0x3c: {  	s14 =	sadd.s32 $0x60, s11  }
0x3d: {  	[tilespmem:s25], [sflag:$0x7] =	stream.linear.gather [hbm4b:s14+s3], $0x80, $0x38;
	[tilespmem:$0x18800] =	vst v63  }
0x3e: {  	s6 =	sadd.s32 $0x70, s6;
	s14 =	simm.s32 $0x380  }
0x3f: {  	[tilespmem:s14], [sflag:$0x8] =	stream.linear.gather [hbm4b:s6+s3], $0x80, $0x38;
	[tilespmem:$0x18800] =	vst v63  }
0x40: {  	s6 =	sadd.s32 $0x70, s11;
	s11 =	simm.s32 $0x780  }
0x41: {  	[tilespmem:s11], [sflag:$0x8] =	stream.linear.gather [hbm4b:s6+s3], $0x80, $0x38;
	[tilespmem:$0x18800] =	vst v63  }
0x42: {  	_ =	swait.ge [sflag:s26], $0x80  }
0x43: {  	[sflag:s26] =	ssyncset.done $0x0  }
0x44: {  	[sflag:s26] =	ssyncadd.s32 $0xFFFFFF80  }
0x45: {  	_ =	swait.ge [sflag:s26], $0x80  }
0x46: {  	[sflag:s26] =	ssyncset.done $0x0  }
0x47: {  	[sflag:s26] =	ssyncadd.s32 $0xFFFFFF80  }
0x48: {  	[tilespmem:s28], [sflag:$0x9] =	stream.indirect.gather [hbm4b:s4+s12], $0x80, s3, s12, $0xb8;
	[tilespmem:$0x18800] =	vst v63  }
0x49: {  	_ =	swait.ge [sflag:s29], $0x4000  }
0x4a: {  	[sflag:s29] =	ssyncset.done $0x0  }
0x4b: {  	s13 =	simm.s32 $0x400;
	[sflag:s29] =	ssyncadd.s32 $0xFFFFC000  }
0x4c: {  	[spmem:s2] =	stream.indirect.scatter.add.f32 [tilespmem:s28], [sflag:$0xA], $0x80, s13, s12, $0xb8;
	[tilespmem:$0x18800] =	vst v63  }
0x4d: {  	_ =	swait.ge [sflag:s10], $0x4000  }
0x4e: {  	[sflag:s10] =	ssyncset.done $0x0  }
0x4f: {  	[sflag:s10] =	ssyncadd.s32 $0xFFFFC000  }
0x50: {  	_ =	swait.ge [sflag:s30], $0x80  }
0x51: {  	[sflag:s30] =	ssyncset.done $0x0  }
0x52: {  	[sflag:s30] =	ssyncadd.s32 $0xFFFFFF80  }
0x53: {  	_ =	swait.ge [sflag:s30], $0x80  }
0x54: {  	[sflag:s30] =	ssyncset.done $0x0  }
0x55: {  	[sflag:s30] =	ssyncadd.s32 $0xFFFFFF80  }
0x56: {  	[tilespmem:s28], [sflag:$0x9] =	stream.indirect.gather [hbm4b:s4+s12], $0x80, s12, s12, $0xb8;
	[tilespmem:$0x18800] =	vst v63  }
0x57: {  	_ =	swait.ge [sflag:s29], $0x4000  }
0x58: {  	[sflag:s29] =	ssyncset.done $0x0  }
0x59: {  	[sflag:s29] =	ssyncadd.s32 $0xFFFFC000  }
0x5a: {  	[spmem:s2] =	stream.indirect.scatter.add.f32 [tilespmem:s28], [sflag:$0xA], $0x80, s15, s12, $0xb8;
	[tilespmem:$0x18800] =	vst v63  }
0x5b: {  	_ =	swait.ge [sflag:s10], $0x4000  }
0x5c: {  	[sflag:s10] =	ssyncset.done $0x0  }
0x5d: {  	[sflag:s10] =	ssyncadd.s32 $0xFFFFC000  }
0x5e: {  	_ =	swait.ge [sflag:s31], $0x80  }
0x5f: {  	[sflag:s31] =	ssyncset.done $0x0  }
0x60: {  	[sflag:s31] =	ssyncadd.s32 $0xFFFFFF80  }
0x61: {  	_ =	swait.ge [sflag:s31], $0x80  }
0x62: {  	[sflag:s31] =	ssyncset.done $0x0  }
0x63: {  	[sflag:s31] =	ssyncadd.s32 $0xFFFFFF80  }
0x64: {  	[tilespmem:s28], [sflag:$0x9] =	stream.indirect.gather [hbm4b:s4+s12], $0x80, s16, s12, $0xb8;
	[tilespmem:$0x18800] =	vst v63  }
0x65: {  	_ =	swait.ge [sflag:s29], $0x4000  }
0x66: {  	[sflag:s29] =	ssyncset.done $0x0  }
0x67: {  	[sflag:s29] =	ssyncadd.s32 $0xFFFFC000  }
0x68: {  	[spmem:s2] =	stream.indirect.scatter.add.f32 [tilespmem:s28], [sflag:$0xA], $0x80, s17, s12, $0xb8;
	[tilespmem:$0x18800] =	vst v63  }
0x69: {  	_ =	swait.ge [sflag:s10], $0x4000  }
0x6a: {  	[sflag:s10] =	ssyncset.done $0x0  }
0x6b: {  	[sflag:s10] =	ssyncadd.s32 $0xFFFFC000  }
0x6c: {  	_ =	swait.ge [sflag:s0], $0x80  }
0x6d: {  	[sflag:s0] =	ssyncset.done $0x0  }
0x6e: {  	[sflag:s0] =	ssyncadd.s32 $0xFFFFFF80  }
0x6f: {  	_ =	swait.ge [sflag:s0], $0x80  }
0x70: {  	[sflag:s0] =	ssyncset.done $0x0  }
0x71: {  	[sflag:s0] =	ssyncadd.s32 $0xFFFFFF80  }
0x72: {  	[tilespmem:s28], [sflag:$0x9] =	stream.indirect.gather [hbm4b:s4+s12], $0x80, s18, s12, $0xb8;
	[tilespmem:$0x18800] =	vst v63  }
0x73: {  	_ =	swait.ge [sflag:s29], $0x4000  }
0x74: {  	[sflag:s29] =	ssyncset.done $0x0  }
0x75: {  	[sflag:s29] =	ssyncadd.s32 $0xFFFFC000  }
0x76: {  	[spmem:s2] =	stream.indirect.scatter.add.f32 [tilespmem:s28], [sflag:$0xA], $0x80, s19, s12, $0xb8;
	[tilespmem:$0x18800] =	vst v63  }
0x77: {  	_ =	swait.ge [sflag:s10], $0x4000  }
0x78: {  	[sflag:s10] =	ssyncset.done $0x0  }
0x79: {  	[sflag:s10] =	ssyncadd.s32 $0xFFFFC000  }
0x7a: {  	_ =	swait.ge [sflag:s1], $0x80  }
0x7b: {  	[sflag:s1] =	ssyncset.done $0x0  }
0x7c: {  	[sflag:s1] =	ssyncadd.s32 $0xFFFFFF80  }
0x7d: {  	_ =	swait.ge [sflag:s1], $0x80  }
0x7e: {  	[sflag:s1] =	ssyncset.done $0x0  }
0x7f: {  	[sflag:s1] =	ssyncadd.s32 $0xFFFFFF80  }
0x80: {  	[tilespmem:s28], [sflag:$0x9] =	stream.indirect.gather [hbm4b:s4+s12], $0x80, s20, s12, $0xb8;
	[tilespmem:$0x18800] =	vst v63  }
0x81: {  	_ =	swait.ge [sflag:s29], $0x4000  }
0x82: {  	[sflag:s29] =	ssyncset.done $0x0  }
0x83: {  	[sflag:s29] =	ssyncadd.s32 $0xFFFFC000  }
0x84: {  	[spmem:s2] =	stream.indirect.scatter.add.f32 [tilespmem:s28], [sflag:$0xA], $0x80, s21, s12, $0xb8;
	[tilespmem:$0x18800] =	vst v63  }
0x85: {  	_ =	swait.ge [sflag:s10], $0x4000  }
0x86: {  	[sflag:s10] =	ssyncset.done $0x0  }
0x87: {  	[sflag:s10] =	ssyncadd.s32 $0xFFFFC000  }
0x88: {  	_ =	swait.ge [sflag:s5], $0x80  }
0x89: {  	[sflag:s5] =	ssyncset.done $0x0  }
0x8a: {  	[sflag:s5] =	ssyncadd.s32 $0xFFFFFF80  }
0x8b: {  	_ =	swait.ge [sflag:s5], $0x80  }
0x8c: {  	[sflag:s5] =	ssyncset.done $0x0  }
0x8d: {  	[sflag:s5] =	ssyncadd.s32 $0xFFFFFF80  }
0x8e: {  	[tilespmem:s28], [sflag:$0x9] =	stream.indirect.gather [hbm4b:s4+s12], $0x80, s22, s12, $0xb8;
	[tilespmem:$0x18800] =	vst v63  }
0x8f: {  	_ =	swait.ge [sflag:s29], $0x4000  }
0x90: {  	[sflag:s29] =	ssyncset.done $0x0  }
0x91: {  	[sflag:s29] =	ssyncadd.s32 $0xFFFFC000  }
0x92: {  	[spmem:s2] =	stream.indirect.scatter.add.f32 [tilespmem:s28], [sflag:$0xA], $0x80, s23, s12, $0xb8;
	[tilespmem:$0x18800] =	vst v63  }
0x93: {  	_ =	swait.ge [sflag:s10], $0x4000  }
0x94: {  	[sflag:s10] =	ssyncset.done $0x0  }
0x95: {  	[sflag:s10] =	ssyncadd.s32 $0xFFFFC000  }
0x96: {  	_ =	swait.ge [sflag:s7], $0x80  }
0x97: {  	[sflag:s7] =	ssyncset.done $0x0  }
0x98: {  	[sflag:s7] =	ssyncadd.s32 $0xFFFFFF80  }
0x99: {  	_ =	swait.ge [sflag:s7], $0x80  }
0x9a: {  	[sflag:s7] =	ssyncset.done $0x0  }
0x9b: {  	[sflag:s7] =	ssyncadd.s32 $0xFFFFFF80  }
0x9c: {  	[tilespmem:s28], [sflag:$0x9] =	stream.indirect.gather [hbm4b:s4+s12], $0x80, s24, s12, $0xb8;
	[tilespmem:$0x18800] =	vst v63  }
0x9d: {  	_ =	swait.ge [sflag:s29], $0x4000  }
0x9e: {  	[sflag:s29] =	ssyncset.done $0x0  }
0x9f: {  	[sflag:s29] =	ssyncadd.s32 $0xFFFFC000  }
0xa0: {  	[spmem:s2] =	stream.indirect.scatter.add.f32 [tilespmem:s28], [sflag:$0xA], $0x80, s25, s12, $0xb8;
	[tilespmem:$0x18800] =	vst v63  }
0xa1: {  	_ =	swait.ge [sflag:s10], $0x4000  }
0xa2: {  	[sflag:s10] =	ssyncset.done $0x0  }
0xa3: {  	[sflag:s10] =	ssyncadd.s32 $0xFFFFC000  }
0xa4: {  	_ =	swait.ge [sflag:s8], $0x80  }
0xa5: {  	[sflag:s8] =	ssyncset.done $0x0  }
0xa6: {  	[sflag:s8] =	ssyncadd.s32 $0xFFFFFF80  }
0xa7: {  	_ =	swait.ge [sflag:s8], $0x80  }
0xa8: {  	[sflag:s8] =	ssyncset.done $0x0  }
0xa9: {  	[sflag:s8] =	ssyncadd.s32 $0xFFFFFF80  }
0xaa: {  	[tilespmem:s28], [sflag:$0x9] =	stream.indirect.gather [hbm4b:s4+s12], $0x80, s14, s12, $0xb8;
	[tilespmem:$0x18800] =	vst v63  }
0xab: {  	_ =	swait.ge [sflag:s29], $0x4000  }
0xac: {  	[sflag:s29] =	ssyncset.done $0x0  }
0xad: {  	[sflag:s29] =	ssyncadd.s32 $0xFFFFC000  }
0xae: {  	[spmem:s2] =	stream.indirect.scatter.add.f32 [tilespmem:s28], [sflag:$0xA], $0x80, s11, s12, $0xb8;
	[tilespmem:$0x18800] =	vst v63  }
0xaf: {  	_ =	swait.ge [sflag:s10], $0x4000  }
0xb0: {  	s9 =	sadd.s32 $0x80, s9;
	s14 =	rddreg [dreg:$0x6]  }
0xb1: {  	p0 =	sne.s32 s14, s9  }
.Ltmp0:
0xb2: {  	_ = 	snop;
	(pc) =	sbr.rel @p0 .LBB2_2-.Ltmp0, $3  }
0xb3: {  	_ =	sdelay $0x1  }
0xb4: {  	[sflag:s10] =	ssyncset.done $0x0  }
0xb5: {  	[sflag:s10] =	ssyncadd.s32 $0xFFFFC000  }
0xb6: {  	[bflag:$0x0] =	sbarrier.arrive $0xFFFF  }
0xb7: {  	s11 =	rddreg [dreg:$0x8]  }
0xb8: {  	s6 =	rddreg [dreg:$0x9]  }
0xb9: {  	s9 =	rddreg [dreg:$0xb]  }
0xba: {  	[hbm:s6], [sflag:s11] =	dma.local [spmem:s9], $0x2800  }
0xbb: {  	_ =	swait.ge [sflag:s10], $0x2800  }
0xbc: {  	s14 =	rddreg [dreg:$0xc]  }
0xbd: {  	s6 =	rddreg [dreg:$0xa];
	s14 =	sadd.s32 $0x1, s14  }
0xbe: {  	p0 =	sne.s32 s14, s6  }
.Ltmp1:
0xbf: {  	_ = 	snop;
	(pc) =	sbr.rel @p0 .LBB2_1-.Ltmp1, $3  }
0xc0: {  	_ =	sdelay $0x1  }
0xc1: {  	[sflag:s10] =	ssyncset.done $0x0  }
0xc2: {  	[sflag:s10] =	ssyncadd.s32 $0xFFFFD800  }
0xc3: {  	_ =	sfence.sel $0x180000  }
0xc4: {  	[bflag:$0x0] =	sbarrier.arrive $0xFFFF  }
0xc5: {  	_ =	strace $0x9000004D  }
0xc6: {  	s0 =	stileid.u32;
	[bflag:$0x2] =	sbarrier.arrive $0xFFFF  }
0xc7: {  	p0 =	sne.s32 s0, $0x0;
	s0 =	rddreg [dreg:$0x3]  }
0xc8: {  	s0 =	sadd.s32 @!p0 $0x100000, s0  }
0xc9: {  	[sflag:s0] =	ssyncadd.tile.s32 @!p0 $0x1;
	_ =	shalt  }
.Lfunc_end2:
_tile_overlayer_lowered:
.L_overlay_start_2:
0xca: {  	(tag) =	ssettag $0x2  }
0xcb: {  	s0 =	rddreg [dreg:$0x0];
	s2 =	stileid.u32  }
0xcc: {  	s1 =	rddreg [dreg:$0x1];
	p0 =	sne.s32 s2, $0x0  }
0xcd: {  	s3 =	rddreg [dreg:$0x2];
	[bflag:$0x3] =	sbarrier.arrive $0xFFFF;
	s2 =	simm.s32 @!p0 $0x1C0A  }
0xce: {  	[timem:s3], [sflag:s2] =	dma.local @!p0 [hbm:s0], s1  }
0xcf: {  	s0 =	simm.s32 @!p0 $0xA  }
0xd0: {  	_ =	swait.ge @!p0 [sflag:s0], s1  }
0xd1: {  	s1 =	ssub.s32 @!p0 $0x0, s1;
	[sflag:s0] =	ssyncset.done @!p0 $0x0  }
0xd2: {  	[sflag:s0] =	ssyncadd.s32 @!p0 s1  }
0xd3: {  	[bflag:$0x3] =	sbarrier.arrive $0xFFFF  }
0xd4: {  	_ =	shalt  }

// kernel: kernel.8.cloned.1.call-start
scs
__scs_entry_jumppad:
0x0: {  	(pc) =	sbr.rel $0x88, $3  }
0x1: {  	(tag) =	ssettag $0x0;
	lr =	simm.s32 $0x1  }
0x2: {  	[smem:$0x3F9B] =	sst lr;
	_ =	strace $0xD0000000  }
0x3: {  	_ = 	snop  }
0x4: {  	_ = 	snop  }
0x5: {  	_ = 	snop  }
0x6: {  	_ = 	snop  }
0x7: {  	_ = 	snop  }
__scs_overlays_trampoline_lowered:
0x8: {  	[smem:$0x3FAA] =	sst s0  }
0x9: {  	[smem:$0x3FAB] =	sst s1  }
0xa: {  	[smem:$0x3FAC] =	sst s2  }
0xb: {  	[smem:$0x3FAD] =	sst s3  }
0xc: {  	[smem:$0x3FAE] =	sst s4  }
0xd: {  	[smem:$0x3FAF] =	sst s5  }
0xe: {  	[smem:$0x3FB0] =	sst s6  }
0xf: {  	[smem:$0x3FB1] =	sst s7  }
0x10: {  	[smem:$0x3FB2] =	sst s8  }
0x11: {  	[smem:$0x3FB3] =	sst s9;
	s0 =	simm.s32 @!p0 $0x0  }
0x12: {  	s1 =	sld [smem:$0x3F99];
	s0 =	simm.s32 @p0 $0x1  }
0x13: {  	[smem:$0x3FB4] =	sst s0;
	s0 =	simm.s32 @!p1 $0x0  }
0x14: {  	s2 =	sld [smem:$0x3F98];
	s0 =	simm.s32 @p1 $0x1  }
0x15: {  	[smem:$0x3FB5] =	sst s0;
	s0 =	simm.s32 @!p2 $0x0  }
0x16: {  	s3 =	sld [smem:$0x3FDB];
	s0 =	simm.s32 @p2 $0x1  }
0x17: {  	s4 =	simm.s32 $0x1BF5;
	[smem:$0x3FB7] =	sst s0  }
0x18: {  	s0 =	sld [smem:$0x3F9A];
	_ =	swait.ge [sflag:s4], $0x0  }
0x19: {  	s7 =	sld [smem:$0x3F9B]  }
0x1a: {  	s8 =	sadd.s32 $0xFFFFE003, lr  }
0x1b: {  	s9 =	sadd.s32 $0xFFFFFEF7, lr;
	s5 =	simm.s32 $0xFFFFFFFF;
	p2 =	slt.u32 s8, $0xFFFFF086  }
0x1c: {  	p1 =	slt.u32 s9, $0xF7A;
	s5 =	simm.s32 @!p2 $0x0  }
0x1d: {  	s5 =	simm.s32 @p1 $0x1;
	p0 =	seq.s32 s7, s2  }
0x1e: {  	s7 =	smul.u32 @!p0 $0xF7A, s2;
	p2 =	seq.s32 @!p0 s5, $0x0  }
0x1f: {  	s9 =	smul.u32 $0xF7A, s1;
	s8 =	simm.s32 @!p0 $0x1BF5;
	p2 =	por !p2, p0  }
0x20: {  	[sflag:s8] =	ssyncset.s32 @!p0 $0xFFFFF086;
	s6 =	sadd.s32 @!p0 s3, s7;
	s7 =	simm.s32 @!p0 $0x108  }
0x21: {  	s3 =	sadd.s32 s3, s9;
	s6 =	sadd.s32 @!p0 $0x88, s6;
	s7 =	simm.s32 @p2 $0x1082  }
0x22: {  	[simem:s7], [sflag:s8] =	dma.local @!p0 [hbm:s6], $0xF7A  }
0x23: {  	s9 =	sor.u32 $0xD0000000, s2;
	s6 =	simm.s32 $0x108;
	_ =	swait.ge @!p0 [sflag:s8], $0x0  }
0x24: {  	s3 =	sadd.s32 $0x88, s3;
	s6 =	simm.s32 @!p1 $0x1082;
	[sflag:s4] =	ssyncset.s32 $0xFFFFF086  }
0x25: {  	[simem:s6], [sflag:s4] =	dma.local [hbm:s3], $0xF7A  }
0x26: {  	[smem:$0x3F9B] =	sst s1;
	(tag) =	ssettag s2;
	_ =	strace s9  }
0x27: {  	s1 =	sld [smem:$0x3FAB]  }
0x28: {  	s2 =	sld [smem:$0x3FAC]  }
0x29: {  	s4 =	sld [smem:$0x3FAE]  }
0x2a: {  	p0 =	seq.s32 s5, $0x0;
	s5 =	sld [smem:$0x3FAF]  }
0x2b: {  	s6 =	sld [smem:$0x3FB0]  }
0x2c: {  	s7 =	sld [smem:$0x3FB1]  }
0x2d: {  	s3 =	simm.s32 $0x108;
	s8 =	sld [smem:$0x3FB2]  }
0x2e: {  	s3 =	simm.s32 @!p0 $0x1082;
	s9 =	sld [smem:$0x3FB3]  }
0x2f: {  	lr =	sadd.s32 s0, s3;
	s0 =	sld [smem:$0x3FAA]  }
0x30: {  	s3 =	sld [smem:$0x3FAD]  }
0x31: {  	[smem:$0x3FB6] =	sst s10  }
0x32: {  	s10 =	sld [smem:$0x3FB4];
	_ =	sdelay $0x3  }
0x33: {  	p0 =	seq.s32 s10, $0x1;
	s10 =	sld [smem:$0x3FB6];
	_ =	sdelay $0x3  }
0x34: {  	[smem:$0x3FB6] =	sst s10  }
0x35: {  	s10 =	sld [smem:$0x3FB5];
	_ =	sdelay $0x3  }
0x36: {  	p1 =	seq.s32 s10, $0x1;
	s10 =	sld [smem:$0x3FB6];
	_ =	sdelay $0x3  }
0x37: {  	[smem:$0x3FB6] =	sst s10  }
0x38: {  	s10 =	sld [smem:$0x3FB7]  }
0x39: {  	_ = 	snop;
	(pc) =	sbr.ind lr, $3  }
0x3a: {  	_ = 	snop  }
0x3b: {  	_ = 	snop  }
0x3c: {  	p2 =	seq.s32 s10, $0x1;
	s10 =	sld [smem:$0x3FB6]  }
0x3d: {  	_ =	shalt  }
0x3e: {  	_ =	shalt  }
0x3f: {  	_ =	shalt  }
0x40: {  	_ =	shalt  }
0x41: {  	_ =	shalt  }
0x42: {  	_ =	shalt  }
0x43: {  	_ =	shalt  }
0x44: {  	_ =	shalt  }
0x45: {  	_ =	shalt  }
0x46: {  	_ =	shalt  }
0x47: {  	_ =	shalt  }
0x48: {  	_ =	shalt  }
0x49: {  	_ =	shalt  }
0x4a: {  	_ =	shalt  }
0x4b: {  	_ =	shalt  }
0x4c: {  	_ =	shalt  }
0x4d: {  	_ =	shalt  }
0x4e: {  	_ =	shalt  }
0x4f: {  	_ =	shalt  }
0x50: {  	_ =	shalt  }
0x51: {  	_ =	shalt  }
0x52: {  	_ =	shalt  }
0x53: {  	_ =	shalt  }
0x54: {  	_ =	shalt  }
0x55: {  	_ =	shalt  }
0x56: {  	_ =	shalt  }
0x57: {  	_ =	shalt  }
0x58: {  	_ =	shalt  }
0x59: {  	_ =	shalt  }
0x5a: {  	_ =	shalt  }
0x5b: {  	_ =	shalt  }
0x5c: {  	_ =	shalt  }
0x5d: {  	_ =	shalt  }
0x5e: {  	_ =	shalt  }
0x5f: {  	_ =	shalt  }
0x60: {  	_ =	shalt  }
0x61: {  	_ =	shalt  }
0x62: {  	_ =	shalt  }
0x63: {  	_ =	shalt  }
0x64: {  	_ =	shalt  }
0x65: {  	_ =	shalt  }
0x66: {  	_ =	shalt  }
0x67: {  	_ =	shalt  }
0x68: {  	_ =	shalt  }
0x69: {  	_ =	shalt  }
0x6a: {  	_ =	shalt  }
0x6b: {  	_ =	shalt  }
0x6c: {  	_ =	shalt  }
0x6d: {  	_ =	shalt  }
0x6e: {  	_ =	shalt  }
0x6f: {  	_ =	shalt  }
0x70: {  	_ =	shalt  }
0x71: {  	_ =	shalt  }
0x72: {  	_ =	shalt  }
0x73: {  	_ =	shalt  }
0x74: {  	_ =	shalt  }
0x75: {  	_ =	shalt  }
0x76: {  	_ =	shalt  }
0x77: {  	_ =	shalt  }
0x78: {  	_ =	shalt  }
0x79: {  	_ =	shalt  }
0x7a: {  	_ =	shalt  }
0x7b: {  	_ =	shalt  }
0x7c: {  	_ =	shalt  }
0x7d: {  	_ =	shalt  }
0x7e: {  	_ =	shalt  }
0x7f: {  	_ =	shalt  }
0x80: {  	_ =	shalt  }
0x81: {  	_ =	shalt  }
0x82: {  	_ =	shalt  }
0x83: {  	_ =	shalt  }
0x84: {  	_ =	shalt  }
0x85: {  	_ =	shalt  }
0x86: {  	_ =	shalt  }
0x87: {  	_ =	shalt  }
.Lfunc_end0:
.L_simem_size_0:
called_computation_lowered:
.L_overlay_start_0:
0x88: {  	s2 =	sld [smem:$0x3FD9]  }
0x89: {  	s3 =	sld [smem:$0x3FFE];
	_ =	sdelay $0x1  }
0x8a: {  	s1 =	srdreg.scid  }
0x8b: {  	s0 =	sand.u32 $0x1, s1  }
0x8c: {  	s17 =	sshll.u32 s0, $0xA;
	s2 =	sadd.s32 s3, s2  }
0x8d: {  	s2 =	sadd.s32 s2, s17  }
0x8e: {  	[smem:$0x3FC2] =	sst s2  }
0x8f: {  	_ = 	snop  }
0x90: {  	s2 =	sld [smem:$0x3FD0];
	(tm) =	ssettm $0x1  }
0x91: {  	s18 =	sld [smem:$0x3FFB];
	_ =	sdelay $0x3  }
0x92: {  	_ =	strace s18  }
0x93: {  	s3 =	sld [smem:$0x3FFC];
	_ =	sdelay $0x3  }
0x94: {  	_ =	strace s3  }
0x95: {  	s3 =	sld [smem:$0x3FFD];
	_ =	sdelay $0x3  }
0x96: {  	_ =	strace s3  }
0x97: {  	_ =	strace $0x8FFFFFFF  }
0x98: {  	s19 =	sld [smem:$0x3FDB];
	_ =	sdelay $0x1  }
0x99: {  	s4 =	simm.s32 $_scs_section_size  }
0x9a: {  	s5 =	simm.s32 $_size__tile_overlayer_lowered;
	s6 =	simm.s32 $_tile_overlayer_lowered  }
0x9b: {  	s22 =	simm.s32 $0x1BFF;
	s21 =	sshll.u32 s6, $0x1;
	s3 =	sadd.s32 s4, s19  }
0x9c: {  	s7 =	simm.s32 $0x0;
	s20 =	sshll.u32 s5, $0x1;
	s5 =	sadd.s32 s21, s3  }
0x9d: {  	[timem:s7], [sflag:s22] =	dma.local [hbm:s5], s20  }
0x9e: {  	_ =	swait.ge [sflag:s22], s20  }
0x9f: {  	s4 =	ssub.s32 $0x0, s20;
	[sflag:s22] =	ssyncset.done $0x0  }
0xa0: {  	[sflag:s22] =	ssyncadd.s32 s4;
	_ =	sdelay $0x1  }
0xa1: {  	s23 =	simm.s32 $0x1B8B  }
0xa2: {  	_ =	swait.ge [sflag:s23], $0x1  }
0xa3: {  	[sflag:s23] =	ssyncset.done $0x0  }
0xa4: {  	s25 =	simm.s32 $0x1B8E;
	s24 =	sld [smem:$0x3FFE];
	[sflag:s23] =	ssyncadd.s32 $0xFFFFFFFF  }
0xa5: {  	s26 =	simm.s32 $execute0_lowered;
	[smem:$0x3FD2] =	sst s25  }
0xa6: {  	s5 =	sshll.u32 s26, $0x1;
	_ =	strace $0x80000046;
	[dreg:$0x1] =	wrdreg $0xFFFFFFFF  }
0xa7: {  	s28 =	simm.s32 $_size_execute0_lowered;
	s3 =	sadd.s32 s3, s5;
	[dreg:$0x0] =	wrdreg $0x0  }
0xa8: {  	s5 =	sshll.u32 s28, $0x1;
	[dreg:$0x2] =	wrdreg s3  }
0xa9: {  	[dreg:$0x3] =	wrdreg s5  }
0xaa: {  	[dreg:$0x4] =	wrdreg $0xC0  }
0xab: {  	_ =	task [dreg:s7], $0x5FFFF  }
0xac: {  	[dreg:$0x1] =	wrdreg $0xFFFFFFFF  }
0xad: {  	[dreg:$0x0] =	wrdreg $0x60  }
0xae: {  	[dreg:$0x2] =	wrdreg s2  }
0xaf: {  	[dreg:$0x3] =	wrdreg s24  }
0xb0: {  	[dreg:$0x4] =	wrdreg $0x68000  }
0xb1: {  	[dreg:$0x5] =	wrdreg $0x9  }
0xb2: {  	_ =	task.clear_ibuf [dreg:s7], $0x6FFFF;
	_ =	strace $0x90000046  }
0xb3: {  	s29 =	simm.s32 $0x9;
	_ =	strace $0x80000048  }
0xb4: {  	_ =	swait.ge [sflag:s29], $0x1  }
0xb5: {  	[sflag:s29] =	ssyncadd.s32 $0xFFFFFFFF  }
0xb6: {  	_ =	strace $0x90000048  }
0xb7: {  	_ =	sfence  }
0xb8: {  	s30 =	sld [smem:$0x0];
	_ =	sdelay $0x2  }
0xb9: {  	s31 =	sshll.u32 s1, $0xD;
	s1 =	sshrl.u32 s1, $0x2  }
0xba: {  	s3 =	sand.u32 $0x4000, s31;
	s1 =	sadd.s32 s1, s30  }
0xbb: {  	s0 =	sor.u32 s3, s0;
	s1 =	sshll.u32 s1, $0x11  }
0xbc: {  	s0 =	sor.u32 s1, s0  }
0xbd: {  	s0 =	sadd.s32 $0x8F2B, s0  }
0xbe: {  	[sflag:s0] =	ssyncadd.remote.s32 $0x1  }
0xbf: {  	_ =	sfence.sel $0xFFFF  }
0xc0: {  	[dreg:$0x0] =	wrdreg $0xFFFFFFFF;
	(pc) =	sbr.abs _section_cstart, $3  }
0xc1: {  	[dreg:$0x1] =	wrdreg $0xFFFFFFFF  }
0xc2: {  	_ =	task.clear_ibuf [dreg:s7], $0x2FFFF;
	_ =	strace $0x9FFFFFFF  }
0xc3: {  	(tm) =	ssettm $0x7FFFFFFF  }
tec
execute0_lowered:
.L_overlay_start_1:
0x0: {  	(tag) =	ssettag $0x1  }
0x1: {  	s5 =	rddreg [dreg:$0x0]  }
0x2: {  	s6 =	rddreg [dreg:$0x1]  }
0x3: {  	s2 =	rddreg [dreg:$0x2]  }
0x4: {  	s0 =	rddreg [dreg:$0x3];
	s3 =	simm.s32 $0x0;
	s1 =	stileid.u32  }
0x5: {  	s8 =	srdreg.scid;
	s13 =	simm.s32 $0x80;
	s14 =	simm.s32 $0x0  }
0x6: {  	[smem:$0x7FF] =	sst s3;
	s7 =	smul.u32 $0x2800, s1;
	s4 =	sadd.s32 $0x1E00, s6  }
0x7: {  	s8 =	sand.u32 $0x1, s8;
	s12 =	smul.u32 $0x50000, s1;
	s31 =	sshll.u32 s1, $0x6  }
0x8: {  	_ =	strace $0x80000047;
	s10 =	smul.u32 $0x28000, s8;
	s11 =	sshll.u32 s8, $0x4  }
0x9: {  	s8 =	ssub.s32 $0x2, s8;
	s9 =	sadd.s32 s7, s6;
	s11 =	sor.u32 s1, s11  }
0xa: {  	s29 =	sshrl.u32 s8, $0x1;
	s30 =	sshrl.u32 s12, $0x2;
	s7 =	sadd.s32 s7, s10  }
0xb: {  	s11 =	smul.u32 $0x500, s11;
	s8 =	ssub.s32 s8, s29;
	s12 =	sadd.s32 s30, s2  }
0xc: {  	s10 =	simm.s32 $0x1;
	s7 =	sadd.s32 s7, s6;
	s6 =	sadd.s32 $0x2600, s9  }
0xd: {  	s8 =	smax.u32 s8, $0x1;
	s9 =	simm.s32 $0x2800;
	s12 =	sshrl.u32 s12, $0x3  }
0xe: {  	s5 =	sadd.s32 s5, s11;
	s7 =	sadd.s32 $0x2A600, s7;
	s11 =	sor.u32 $0x1C01, s31  }
.LBB2_1:
0xf: {  	[tilespmem:s9], [sflag:$0x1] =	stream.linear.gather [hbm4b:s4+s3], $0x4000, $0x38;
	[tilespmem:$0x1A800] =	vst v63  }
0x10: {  	_ =	swait.ge [sflag:s10], $0x4000  }
0x11: {  	[sflag:s10] =	ssyncset.done $0x0  }
0x12: {  	[sflag:s10] =	ssyncadd.s32 $0xFFFFC000  }
0x13: {  	[tilespmem:s3], [sflag:$0x1] =	stream.linear.gather [hbm4b:s5+s3], $0x2800, $0x38;
	[tilespmem:$0x1A800] =	vst v63  }
0x14: {  	_ =	swait.ge [sflag:s10], $0x2800  }
0x15: {  	[sflag:s10] =	ssyncset.done $0x0  }
0x16: {  	[sflag:s10] =	ssyncadd.s32 $0xFFFFD800  }
0x17: {  	[spmem:s12], [sflag:s11] =	dma.local [hbm:s6], $0x2800  }
0x18: {  	_ =	swait.ge [sflag:s10], $0x2800  }
0x19: {  	[sflag:s10] =	ssyncset.done $0x0  }
0x1a: {  	[sflag:s10] =	ssyncadd.s32 $0xFFFFD800  }
0x1b: {  	s15 =	simm.s32 $0x0;
	[bflag:$0x0] =	sbarrier.arrive $0xFFFF  }
0x1c: {  	[spmem:s2] =	stream.indirect.scatter.add.f32 [tilespmem:s9], [sflag:$0x1], $0x80, s15, s13, $0xb8;
	[tilespmem:$0x1A800] =	vst v63  }
0x1d: {  	_ =	swait.ge [sflag:s10], $0x4000  }
0x1e: {  	s15 =	simm.s32 $0x200;
	[sflag:s10] =	ssyncset.done $0x0  }
.LBB2_2:
0x1f: {  	s16 =	sshra.s32 s15, $0x2;
	[sflag:s10] =	ssyncadd.s32 $0xFFFFC000;
	p0 =	sne.s32 s15, $0x9E00  }
0x20: {  	[spmem:s2] =	stream.indirect.scatter.add.f32 [tilespmem:s9], [sflag:$0x1], $0x80, s16, s13, $0xb8;
	[tilespmem:$0x1A800] =	vst v63  }
.Ltmp0:
0x21: {  	_ = 	snop;
	(pc) =	sbr.rel @p0 .LBB2_2-.Ltmp0, $4  }
0x22: {  	_ = 	snop  }
0x23: {  	s15 =	sadd.s32 $0x200, s15  }
0x24: {  	_ =	swait.ge [sflag:s10], $0x4000  }
0x25: {  	[sflag:s10] =	ssyncset.done $0x0  }
0x26: {  	s14 =	sadd.s32 $0x1, s14  }
0x27: {  	[sflag:s10] =	ssyncadd.s32 $0xFFFFC000;
	p0 =	sne.s32 s14, s8  }
.Ltmp1:
0x28: {  	[bflag:$0x0] =	sbarrier.arrive $0xFFFF;
	(pc) =	sbr.rel @p0 .LBB2_1-.Ltmp1, $4  }
0x29: {  	[hbm:s7], [sflag:s11] =	dma.local [spmem:s12], $0x2800  }
0x2a: {  	_ =	swait.ge [sflag:s10], $0x2800  }
0x2b: {  	[sflag:s10] =	ssyncset.done $0x0  }
0x2c: {  	[sflag:s10] =	ssyncadd.s32 $0xFFFFD800  }
0x2d: {  	_ =	sfence.sel $0x180000  }
0x2e: {  	[bflag:$0x0] =	sbarrier.arrive $0xFFFF  }
0x2f: {  	p0 =	sne.s32 s1, $0x0;
	_ =	strace $0x90000047  }
0x30: {  	s0 =	sadd.s32 @!p0 $0x100000, s0;
	[bflag:$0x2] =	sbarrier.arrive $0xFFFF  }
0x31: {  	[sflag:s0] =	ssyncadd.tile.s32 @!p0 $0x1;
	_ =	shalt  }
.Lfunc_end2:
_tile_overlayer_lowered:
.L_overlay_start_2:
0x32: {  	(tag) =	ssettag $0x2  }
0x33: {  	s0 =	rddreg [dreg:$0x0];
	s2 =	stileid.u32  }
0x34: {  	s1 =	rddreg [dreg:$0x1];
	p0 =	sne.s32 s2, $0x0  }
0x35: {  	s3 =	rddreg [dreg:$0x2];
	[bflag:$0x3] =	sbarrier.arrive $0xFFFF;
	s2 =	simm.s32 @!p0 $0x1C01  }
0x36: {  	[timem:s3], [sflag:s2] =	dma.local @!p0 [hbm:s0], s1  }
0x37: {  	s0 =	simm.s32 @!p0 $0x1  }
0x38: {  	_ =	swait.ge @!p0 [sflag:s0], s1  }
0x39: {  	s1 =	ssub.s32 @!p0 $0x0, s1;
	[sflag:s0] =	ssyncset.done @!p0 $0x0  }
0x3a: {  	[sflag:s0] =	ssyncadd.s32 @!p0 s1  }
0x3b: {  	[bflag:$0x3] =	sbarrier.arrive $0xFFFF  }
0x3c: {  	_ =	shalt  }

</sc_bundles>
